<compile_context>
chip_gen: v7x
topology: tpu7x:2x2x1
jax: 0.10.2.dev20260603
libtpu: 0.0.44.dev20260713+nightly
codegen_flags: <defaults>
</compile_context>

<pallas_src>
import functools

import jax
import jax.numpy as jnp
from jax import lax
from jax.experimental import pallas as pl
from jax.experimental.pallas import tpu as pltpu, tpu_sc as plsc

N, D, M, V = 32768, 256, 8, 8192
NC, NS, L = 2, 16, 16
NW = NC * NS
ROWS_PER_W = N // NW
R = 16
BLOCKS = ROWS_PER_W // R
GIDX = 128
NG = R * M // GIDX
W = D // 2


def _sc_body(x_hbm, c_hbm, b_hbm, out_hbm,
             idx_all, rows0, rows1, x0, x1, out_v, gs0, gs1, xs0, xs1):
    wid = lax.axis_index("c") * NS + lax.axis_index("s")
    row0 = wid * ROWS_PER_W

    copies = [
        pltpu.async_copy(b_hbm.at[j, pl.ds(row0, ROWS_PER_W)],
                         idx_all.at[pl.ds(j * ROWS_PER_W, ROWS_PER_W)], xs0)
        for j in range(M)
    ]
    for c in copies:
        c.wait()

    rows = (rows0, rows1)
    xbuf = (x0, x1)
    gsem = (gs0, gs1)
    xsem = (xs0, xs1)

    def idx_slice(blk, j):
        off = pl.multiple_of(j * ROWS_PER_W + blk * R, R)
        return idx_all.at[pl.ds(off, R)]

    def start(blk, buf):
        base = row0 + blk * R
        for j in range(M):
            pltpu.async_copy(c_hbm.at[idx_slice(blk, j)],
                             rows[buf].at[pl.ds(j * R, R)], gsem[buf])
        pltpu.async_copy(x_hbm.at[pl.ds(base, R)], xbuf[buf], xsem[buf])

    def wait(blk, buf):
        for j in range(M):
            pltpu.make_async_copy(
                c_hbm.at[idx_slice(blk, j)],
                rows[buf].at[pl.ds(j * R, R)], gsem[buf]).wait()
        pltpu.make_async_copy(
            x_hbm.at[pl.ds(row0, R)], xbuf[buf], xsem[buf]).wait()

    lane = lax.iota(jnp.int32, L)

    def compute(blk, buf):
        rows_v = rows[buf]
        x_v = xbuf[buf]

        def _row(r, acc):
            err = jnp.zeros((L,), jnp.float32)
            for k in range(W // L):
                col = pl.ds(k * L, L)
                c = [plsc.bitcast(rows_v[j * R + r, col], jnp.bfloat16)
                     for j in range(M)]
                while len(c) > 1:
                    c = [a + b for a, b in zip(c[::2], c[1::2])]
                s = c[0]
                u = plsc.bitcast(s, jnp.int32)
                sa = plsc.bitcast(u << 16, jnp.float32)
                sb = plsc.bitcast(u & jnp.int32(-65536), jnp.float32)
                da = x_v[r, pl.ds(k * L, L)] - sa
                db = x_v[r, pl.ds(W + k * L, L)] - sb
                err = err + da * da
                err = err + db * db
            return jnp.where(lane == r, jnp.sum(err), acc)

        acc = lax.fori_loop(0, R, _row, jnp.zeros((L,), jnp.float32))
        out_v[pl.ds(blk * R, R)] = acc

    start(0, 0)
    start(1, 1)

    def _pair(p, carry):
        b0 = 2 * p
        wait(b0, 0)
        compute(b0, 0)

        @pl.when(b0 + 2 < BLOCKS)
        def _():
            start(b0 + 2, 0)

        wait(b0 + 1, 1)
        compute(b0 + 1, 1)

        @pl.when(b0 + 3 < BLOCKS)
        def _():
            start(b0 + 3, 1)

        return carry

    lax.fori_loop(0, BLOCKS // 2, _pair, 0)
    pltpu.sync_copy(out_v, out_hbm.at[pl.ds(row0, ROWS_PER_W)])


@functools.lru_cache(maxsize=1)
def _build():
    return pl.kernel(
        _sc_body,
        out_type=jax.ShapeDtypeStruct((N,), jnp.float32),
        mesh=plsc.VectorSubcoreMesh(core_axis_name="c", subcore_axis_name="s",
                                    num_cores=NC, num_subcores=NS),
        compiler_params=pltpu.CompilerParams(needs_layout_passes=False),
        scratch_types=[
            pltpu.VMEM((ROWS_PER_W * M,), jnp.int32),
            pltpu.VMEM((R * M, W), jnp.int32),
            pltpu.VMEM((R * M, W), jnp.int32),
            pltpu.VMEM((R, D), jnp.float32),
            pltpu.VMEM((R, D), jnp.float32),
            pltpu.VMEM((ROWS_PER_W,), jnp.float32),
            pltpu.SemaphoreType.DMA,
            pltpu.SemaphoreType.DMA,
            pltpu.SemaphoreType.DMA,
            pltpu.SemaphoreType.DMA,
        ],
    )


def _pack_halves(a):
    h = a.shape[1] // 2

    def rne(x):
        u = lax.bitcast_convert_type(x, jnp.uint32)
        return u + jnp.uint32(0x7FFF) + ((u >> 16) & 1)

    lo = rne(a[:, :h]) >> 16
    hi = rne(a[:, h:]) & jnp.uint32(0xFFFF0000)
    return lax.bitcast_convert_type(lo | hi, jnp.int32)


def kernel(X, C, B):
    return _build()(X, _pack_halves(C), B.T)

# --- scband reference (transcript-rebuilt; emitter-appended) ---
"""Pipeline reference for scband-update-c-7189775253748 (READ-ONLY COPY).

The authoritative reference and input builder live on the scoring server;
editing this copy changes nothing except your own understanding.
"""

import jax, jax.numpy as jnp
import numpy as np


def setup_inputs(seed: int = 0) -> dict:
    key = jax.random.key(seed)
    k1, k2, k3 = jax.random.split(key, 3)
    X = jax.random.normal(k1, (32768, 256), dtype=jnp.float32)
    C = jax.random.normal(k2, (8192, 256), dtype=jnp.float32)
    B = jax.random.randint(k3, (32768, 8), 0, 8192, dtype=jnp.int32)
    return {"X": X, "C": C, "B": B}


def reference(X, C, B):
    # C[B] -> [N, M, d]; sum over M codewords -> [N, d]
    recon = jnp.sum(jnp.take(C, B, axis=0), axis=1)
    # squared L2 residual per vector -> [N]
    return jnp.sum((X - recon) ** 2, axis=1)

if __name__ == "__main__":
    import jax
    _d = setup_inputs()
    print(jax.jit(kernel)(*tuple(_d.values())))

</pallas_src>

<mosaic_0001>
#map = affine_map<(d0, d1) -> (0, 0)>
#map1 = affine_map<(d0, d1) -> (0)>
module attributes {stable_mosaic.version = 14 : i64} {
  func.func @_sc_body(%arg0: i32, %arg1: i32, %arg2: memref<32768x256xf32, #tpu.memory_space<hbm>>, %arg3: memref<8192x128xi32, #tpu.memory_space<hbm>>, %arg4: memref<8x32768xi32, #tpu.memory_space<hbm>>, %arg5: memref<32768xf32, #tpu.memory_space<hbm>>, %arg6: memref<8192xi32, #tpu.memory_space<vmem>>, %arg7: memref<128x128xi32, #tpu.memory_space<vmem>>, %arg8: memref<128x128xi32, #tpu.memory_space<vmem>>, %arg9: memref<16x256xf32, #tpu.memory_space<vmem>>, %arg10: memref<16x256xf32, #tpu.memory_space<vmem>>, %arg11: memref<1024xf32, #tpu.memory_space<vmem>>, %arg12: memref<!tpu.dma_semaphore, #tpu.memory_space<semaphore_mem>>, %arg13: memref<!tpu.dma_semaphore, #tpu.memory_space<semaphore_mem>>, %arg14: memref<!tpu.dma_semaphore, #tpu.memory_space<semaphore_mem>>, %arg15: memref<!tpu.dma_semaphore, #tpu.memory_space<semaphore_mem>>) attributes {dimension_semantics = [#tpu.dimension_semantics<core_parallel>, #tpu.dimension_semantics<subcore_parallel>], iteration_bounds = array<i64: 2, 16>, scalar_prefetch = 0 : i64, scratch_operands = 10 : i64, tpu.core_type = #tpu.core_type<sc_vector_subcore>, window_params = [{transform_indices = #map}, {transform_indices = #map}, {transform_indices = #map}, {transform_indices = #map1}]} {
    %mul3A = arith.constant 16 : i32
    %mul3A_0 = arith.muli %arg0, %mul3A : i32
    %add3A = arith.addi %mul3A_0, %arg1 : i32
    %mul3A_1 = arith.constant 1024 : i32
    %mul3A_2 = arith.muli %add3A, %mul3A_1 : i32
    %dma_start3A = arith.constant 0 : i32
    %dma_start3A_3 = arith.constant 0 : i32
    %dma_start3A_4 = tpu.memref_slice %arg6[%dma_start3A_3] : memref<8192xi32, #tpu.memory_space<vmem>> -> memref<1024xi32, #tpu.memory_space<vmem>>
    %dma_start3A_5 = tpu.memref_slice %arg4[%dma_start3A, %mul3A_2] : memref<8x32768xi32, #tpu.memory_space<hbm>> -> memref<1x1024xi32, #tpu.memory_space<hbm>>
    %dma_start3A_6 = tpu.memref_squeeze %dma_start3A_5 : memref<1x1024xi32, #tpu.memory_space<hbm>> -> memref<1024xi32, #tpu.memory_space<hbm>>
    %dma_start3A_7 = arith.constant 0 : i32
    %dma_start3A_8 = tpu.memref_slice %arg6[%dma_start3A_7] : memref<8192xi32, #tpu.memory_space<vmem>> -> memref<1024xi32, #tpu.memory_space<vmem>>
    %dma_start3A_9 = tpu.memref_slice %arg4[%dma_start3A, %mul3A_2] : memref<8x32768xi32, #tpu.memory_space<hbm>> -> memref<1x1024xi32, #tpu.memory_space<hbm>>
    %dma_start3A_10 = tpu.memref_squeeze %dma_start3A_9 : memref<1x1024xi32, #tpu.memory_space<hbm>> -> memref<1024xi32, #tpu.memory_space<hbm>>
    tpu.enqueue_dma source(%dma_start3A_10 : memref<1024xi32, #tpu.memory_space<hbm>>) target(%dma_start3A_8 : memref<1024xi32, #tpu.memory_space<vmem>>) target_semaphore(%arg14 : memref<!tpu.dma_semaphore, #tpu.memory_space<semaphore_mem>>)
    %dma_start3A_11 = arith.constant 1 : i32
    %dma_start3A_12 = arith.constant 1024 : i32
    %dma_start3A_13 = tpu.memref_slice %arg6[%dma_start3A_12] : memref<8192xi32, #tpu.memory_space<vmem>> -> memref<1024xi32, #tpu.memory_space<vmem>>
    %dma_start3A_14 = tpu.memref_slice %arg4[%dma_start3A_11, %mul3A_2] : memref<8x32768xi32, #tpu.memory_space<hbm>> -> memref<1x1024xi32, #tpu.memory_space<hbm>>
    %dma_start3A_15 = tpu.memref_squeeze %dma_start3A_14 : memref<1x1024xi32, #tpu.memory_space<hbm>> -> memref<1024xi32, #tpu.memory_space<hbm>>
    %dma_start3A_16 = arith.constant 1024 : i32
    %dma_start3A_17 = tpu.memref_slice %arg6[%dma_start3A_16] : memref<8192xi32, #tpu.memory_space<vmem>> -> memref<1024xi32, #tpu.memory_space<vmem>>
    %dma_start3A_18 = tpu.memref_slice %arg4[%dma_start3A_11, %mul3A_2] : memref<8x32768xi32, #tpu.memory_space<hbm>> -> memref<1x1024xi32, #tpu.memory_space<hbm>>
    %dma_start3A_19 = tpu.memref_squeeze %dma_start3A_18 : memref<1x1024xi32, #tpu.memory_space<hbm>> -> memref<1024xi32, #tpu.memory_space<hbm>>
    tpu.enqueue_dma source(%dma_start3A_19 : memref<1024xi32, #tpu.memory_space<hbm>>) target(%dma_start3A_17 : memref<1024xi32, #tpu.memory_space<vmem>>) target_semaphore(%arg14 : memref<!tpu.dma_semaphore, #tpu.memory_space<semaphore_mem>>)
    %dma_start3A_20 = arith.constant 2 : i32
    %dma_start3A_21 = arith.constant 2048 : i32
    %dma_start3A_22 = tpu.memref_slice %arg6[%dma_start3A_21] : memref<8192xi32, #tpu.memory_space<vmem>> -> memref<1024xi32, #tpu.memory_space<vmem>>
    %dma_start3A_23 = tpu.memref_slice %arg4[%dma_start3A_20, %mul3A_2] : memref<8x32768xi32, #tpu.memory_space<hbm>> -> memref<1x1024xi32, #tpu.memory_space<hbm>>
    %dma_start3A_24 = tpu.memref_squeeze %dma_start3A_23 : memref<1x1024xi32, #tpu.memory_space<hbm>> -> memref<1024xi32, #tpu.memory_space<hbm>>
    %dma_start3A_25 = arith.constant 2048 : i32
    %dma_start3A_26 = tpu.memref_slice %arg6[%dma_start3A_25] : memref<8192xi32, #tpu.memory_space<vmem>> -> memref<1024xi32, #tpu.memory_space<vmem>>
    %dma_start3A_27 = tpu.memref_slice %arg4[%dma_start3A_20, %mul3A_2] : memref<8x32768xi32, #tpu.memory_space<hbm>> -> memref<1x1024xi32, #tpu.memory_space<hbm>>
    %dma_start3A_28 = tpu.memref_squeeze %dma_start3A_27 : memref<1x1024xi32, #tpu.memory_space<hbm>> -> memref<1024xi32, #tpu.memory_space<hbm>>
    tpu.enqueue_dma source(%dma_start3A_28 : memref<1024xi32, #tpu.memory_space<hbm>>) target(%dma_start3A_26 : memref<1024xi32, #tpu.memory_space<vmem>>) target_semaphore(%arg14 : memref<!tpu.dma_semaphore, #tpu.memory_space<semaphore_mem>>)
    %dma_start3A_29 = arith.constant 3 : i32
    %dma_start3A_30 = arith.constant 3072 : i32
    %dma_start3A_31 = tpu.memref_slice %arg6[%dma_start3A_30] : memref<8192xi32, #tpu.memory_space<vmem>> -> memref<1024xi32, #tpu.memory_space<vmem>>
    %dma_start3A_32 = tpu.memref_slice %arg4[%dma_start3A_29, %mul3A_2] : memref<8x32768xi32, #tpu.memory_space<hbm>> -> memref<1x1024xi32, #tpu.memory_space<hbm>>
    %dma_start3A_33 = tpu.memref_squeeze %dma_start3A_32 : memref<1x1024xi32, #tpu.memory_space<hbm>> -> memref<1024xi32, #tpu.memory_space<hbm>>
    %dma_start3A_34 = arith.constant 3072 : i32
    %dma_start3A_35 = tpu.memref_slice %arg6[%dma_start3A_34] : memref<8192xi32, #tpu.memory_space<vmem>> -> memref<1024xi32, #tpu.memory_space<vmem>>
    %dma_start3A_36 = tpu.memref_slice %arg4[%dma_start3A_29, %mul3A_2] : memref<8x32768xi32, #tpu.memory_space<hbm>> -> memref<1x1024xi32, #tpu.memory_space<hbm>>
    %dma_start3A_37 = tpu.memref_squeeze %dma_start3A_36 : memref<1x1024xi32, #tpu.memory_space<hbm>> -> memref<1024xi32, #tpu.memory_space<hbm>>
    tpu.enqueue_dma source(%dma_start3A_37 : memref<1024xi32, #tpu.memory_space<hbm>>) target(%dma_start3A_35 : memref<1024xi32, #tpu.memory_space<vmem>>) target_semaphore(%arg14 : memref<!tpu.dma_semaphore, #tpu.memory_space<semaphore_mem>>)
    %dma_start3A_38 = arith.constant 4 : i32
    %dma_start3A_39 = arith.constant 4096 : i32
    %dma_start3A_40 = tpu.memref_slice %arg6[%dma_start3A_39] : memref<8192xi32, #tpu.memory_space<vmem>> -> memref<1024xi32, #tpu.memory_space<vmem>>
    %dma_start3A_41 = tpu.memref_slice %arg4[%dma_start3A_38, %mul3A_2] : memref<8x32768xi32, #tpu.memory_space<hbm>> -> memref<1x1024xi32, #tpu.memory_space<hbm>>
    %dma_start3A_42 = tpu.memref_squeeze %dma_start3A_41 : memref<1x1024xi32, #tpu.memory_space<hbm>> -> memref<1024xi32, #tpu.memory_space<hbm>>
    %dma_start3A_43 = arith.constant 4096 : i32
    %dma_start3A_44 = tpu.memref_slice %arg6[%dma_start3A_43] : memref<8192xi32, #tpu.memory_space<vmem>> -> memref<1024xi32, #tpu.memory_space<vmem>>
    %dma_start3A_45 = tpu.memref_slice %arg4[%dma_start3A_38, %mul3A_2] : memref<8x32768xi32, #tpu.memory_space<hbm>> -> memref<1x1024xi32, #tpu.memory_space<hbm>>
    %dma_start3A_46 = tpu.memref_squeeze %dma_start3A_45 : memref<1x1024xi32, #tpu.memory_space<hbm>> -> memref<1024xi32, #tpu.memory_space<hbm>>
    tpu.enqueue_dma source(%dma_start3A_46 : memref<1024xi32, #tpu.memory_space<hbm>>) target(%dma_start3A_44 : memref<1024xi32, #tpu.memory_space<vmem>>) target_semaphore(%arg14 : memref<!tpu.dma_semaphore, #tpu.memory_space<semaphore_mem>>)
    %dma_start3A_47 = arith.constant 5 : i32
    %dma_start3A_48 = arith.constant 5120 : i32
    %dma_start3A_49 = tpu.memref_slice %arg6[%dma_start3A_48] : memref<8192xi32, #tpu.memory_space<vmem>> -> memref<1024xi32, #tpu.memory_space<vmem>>
    %dma_start3A_50 = tpu.memref_slice %arg4[%dma_start3A_47, %mul3A_2] : memref<8x32768xi32, #tpu.memory_space<hbm>> -> memref<1x1024xi32, #tpu.memory_space<hbm>>
    %dma_start3A_51 = tpu.memref_squeeze %dma_start3A_50 : memref<1x1024xi32, #tpu.memory_space<hbm>> -> memref<1024xi32, #tpu.memory_space<hbm>>
    %dma_start3A_52 = arith.constant 5120 : i32
    %dma_start3A_53 = tpu.memref_slice %arg6[%dma_start3A_52] : memref<8192xi32, #tpu.memory_space<vmem>> -> memref<1024xi32, #tpu.memory_space<vmem>>
    %dma_start3A_54 = tpu.memref_slice %arg4[%dma_start3A_47, %mul3A_2] : memref<8x32768xi32, #tpu.memory_space<hbm>> -> memref<1x1024xi32, #tpu.memory_space<hbm>>
    %dma_start3A_55 = tpu.memref_squeeze %dma_start3A_54 : memref<1x1024xi32, #tpu.memory_space<hbm>> -> memref<1024xi32, #tpu.memory_space<hbm>>
    tpu.enqueue_dma source(%dma_start3A_55 : memref<1024xi32, #tpu.memory_space<hbm>>) target(%dma_start3A_53 : memref<1024xi32, #tpu.memory_space<vmem>>) target_semaphore(%arg14 : memref<!tpu.dma_semaphore, #tpu.memory_space<semaphore_mem>>)
    %dma_start3A_56 = arith.constant 6 : i32
    %dma_start3A_57 = arith.constant 6144 : i32
    %dma_start3A_58 = tpu.memref_slice %arg6[%dma_start3A_57] : memref<8192xi32, #tpu.memory_space<vmem>> -> memref<1024xi32, #tpu.memory_space<vmem>>
    %dma_start3A_59 = tpu.memref_slice %arg4[%dma_start3A_56, %mul3A_2] : memref<8x32768xi32, #tpu.memory_space<hbm>> -> memref<1x1024xi32, #tpu.memory_space<hbm>>
    %dma_start3A_60 = tpu.memref_squeeze %dma_start3A_59 : memref<1x1024xi32, #tpu.memory_space<hbm>> -> memref<1024xi32, #tpu.memory_space<hbm>>
    %dma_start3A_61 = arith.constant 6144 : i32
    %dma_start3A_62 = tpu.memref_slice %arg6[%dma_start3A_61] : memref<8192xi32, #tpu.memory_space<vmem>> -> memref<1024xi32, #tpu.memory_space<vmem>>
    %dma_start3A_63 = tpu.memref_slice %arg4[%dma_start3A_56, %mul3A_2] : memref<8x32768xi32, #tpu.memory_space<hbm>> -> memref<1x1024xi32, #tpu.memory_space<hbm>>
    %dma_start3A_64 = tpu.memref_squeeze %dma_start3A_63 : memref<1x1024xi32, #tpu.memory_space<hbm>> -> memref<1024xi32, #tpu.memory_space<hbm>>
    tpu.enqueue_dma source(%dma_start3A_64 : memref<1024xi32, #tpu.memory_space<hbm>>) target(%dma_start3A_62 : memref<1024xi32, #tpu.memory_space<vmem>>) target_semaphore(%arg14 : memref<!tpu.dma_semaphore, #tpu.memory_space<semaphore_mem>>)
    %dma_start3A_65 = arith.constant 7 : i32
    %dma_start3A_66 = arith.constant 7168 : i32
    %dma_start3A_67 = tpu.memref_slice %arg6[%dma_start3A_66] : memref<8192xi32, #tpu.memory_space<vmem>> -> memref<1024xi32, #tpu.memory_space<vmem>>
    %dma_start3A_68 = tpu.memref_slice %arg4[%dma_start3A_65, %mul3A_2] : memref<8x32768xi32, #tpu.memory_space<hbm>> -> memref<1x1024xi32, #tpu.memory_space<hbm>>
    %dma_start3A_69 = tpu.memref_squeeze %dma_start3A_68 : memref<1x1024xi32, #tpu.memory_space<hbm>> -> memref<1024xi32, #tpu.memory_space<hbm>>
    %dma_start3A_70 = arith.constant 7168 : i32
    %dma_start3A_71 = tpu.memref_slice %arg6[%dma_start3A_70] : memref<8192xi32, #tpu.memory_space<vmem>> -> memref<1024xi32, #tpu.memory_space<vmem>>
    %dma_start3A_72 = tpu.memref_slice %arg4[%dma_start3A_65, %mul3A_2] : memref<8x32768xi32, #tpu.memory_space<hbm>> -> memref<1x1024xi32, #tpu.memory_space<hbm>>
    %dma_start3A_73 = tpu.memref_squeeze %dma_start3A_72 : memref<1x1024xi32, #tpu.memory_space<hbm>> -> memref<1024xi32, #tpu.memory_space<hbm>>
    tpu.enqueue_dma source(%dma_start3A_73 : memref<1024xi32, #tpu.memory_space<hbm>>) target(%dma_start3A_71 : memref<1024xi32, #tpu.memory_space<vmem>>) target_semaphore(%arg14 : memref<!tpu.dma_semaphore, #tpu.memory_space<semaphore_mem>>)
    %dma_wait3A = arith.constant 0 : i32
    %dma_wait3A_74 = arith.constant 0 : i32
    %dma_wait3A_75 = tpu.memref_slice %arg6[%dma_wait3A_74] : memref<8192xi32, #tpu.memory_space<vmem>> -> memref<1024xi32, #tpu.memory_space<vmem>>
    %dma_wait3A_76 = tpu.memref_slice %arg4[%dma_wait3A, %mul3A_2] : memref<8x32768xi32, #tpu.memory_space<hbm>> -> memref<1x1024xi32, #tpu.memory_space<hbm>>
    %dma_wait3A_77 = tpu.memref_squeeze %dma_wait3A_76 : memref<1x1024xi32, #tpu.memory_space<hbm>> -> memref<1024xi32, #tpu.memory_space<hbm>>
    %dma_wait3A_78 = arith.constant 0 : i32
    %dma_wait3A_79 = tpu.memref_slice %arg6[%dma_wait3A_78] : memref<8192xi32, #tpu.memory_space<vmem>> -> memref<1024xi32, #tpu.memory_space<vmem>>
    %dma_wait3A_80 = tpu.memref_slice %arg4[%dma_wait3A, %mul3A_2] : memref<8x32768xi32, #tpu.memory_space<hbm>> -> memref<1x1024xi32, #tpu.memory_space<hbm>>
    %dma_wait3A_81 = tpu.memref_squeeze %dma_wait3A_80 : memref<1x1024xi32, #tpu.memory_space<hbm>> -> memref<1024xi32, #tpu.memory_space<hbm>>
    tpu.wait_dma2 semaphore(%arg14 : memref<!tpu.dma_semaphore, #tpu.memory_space<semaphore_mem>>) src(%dma_wait3A_81 : memref<1024xi32, #tpu.memory_space<hbm>>) dst(%dma_wait3A_79 : memref<1024xi32, #tpu.memory_space<vmem>>)
    %dma_wait3A_82 = arith.constant 1 : i32
    %dma_wait3A_83 = arith.constant 1024 : i32
    %dma_wait3A_84 = tpu.memref_slice %arg6[%dma_wait3A_83] : memref<8192xi32, #tpu.memory_space<vmem>> -> memref<1024xi32, #tpu.memory_space<vmem>>
    %dma_wait3A_85 = tpu.memref_slice %arg4[%dma_wait3A_82, %mul3A_2] : memref<8x32768xi32, #tpu.memory_space<hbm>> -> memref<1x1024xi32, #tpu.memory_space<hbm>>
    %dma_wait3A_86 = tpu.memref_squeeze %dma_wait3A_85 : memref<1x1024xi32, #tpu.memory_space<hbm>> -> memref<1024xi32, #tpu.memory_space<hbm>>
    %dma_wait3A_87 = arith.constant 1024 : i32
    %dma_wait3A_88 = tpu.memref_slice %arg6[%dma_wait3A_87] : memref<8192xi32, #tpu.memory_space<vmem>> -> memref<1024xi32, #tpu.memory_space<vmem>>
    %dma_wait3A_89 = tpu.memref_slice %arg4[%dma_wait3A_82, %mul3A_2] : memref<8x32768xi32, #tpu.memory_space<hbm>> -> memref<1x1024xi32, #tpu.memory_space<hbm>>
    %dma_wait3A_90 = tpu.memref_squeeze %dma_wait3A_89 : memref<1x1024xi32, #tpu.memory_space<hbm>> -> memref<1024xi32, #tpu.memory_space<hbm>>
    tpu.wait_dma2 semaphore(%arg14 : memref<!tpu.dma_semaphore, #tpu.memory_space<semaphore_mem>>) src(%dma_wait3A_90 : memref<1024xi32, #tpu.memory_space<hbm>>) dst(%dma_wait3A_88 : memref<1024xi32, #tpu.memory_space<vmem>>)
    %dma_wait3A_91 = arith.constant 2 : i32
    %dma_wait3A_92 = arith.constant 2048 : i32
    %dma_wait3A_93 = tpu.memref_slice %arg6[%dma_wait3A_92] : memref<8192xi32, #tpu.memory_space<vmem>> -> memref<1024xi32, #tpu.memory_space<vmem>>
    %dma_wait3A_94 = tpu.memref_slice %arg4[%dma_wait3A_91, %mul3A_2] : memref<8x32768xi32, #tpu.memory_space<hbm>> -> memref<1x1024xi32, #tpu.memory_space<hbm>>
    %dma_wait3A_95 = tpu.memref_squeeze %dma_wait3A_94 : memref<1x1024xi32, #tpu.memory_space<hbm>> -> memref<1024xi32, #tpu.memory_space<hbm>>
    %dma_wait3A_96 = arith.constant 2048 : i32
    %dma_wait3A_97 = tpu.memref_slice %arg6[%dma_wait3A_96] : memref<8192xi32, #tpu.memory_space<vmem>> -> memref<1024xi32, #tpu.memory_space<vmem>>
    %dma_wait3A_98 = tpu.memref_slice %arg4[%dma_wait3A_91, %mul3A_2] : memref<8x32768xi32, #tpu.memory_space<hbm>> -> memref<1x1024xi32, #tpu.memory_space<hbm>>
    %dma_wait3A_99 = tpu.memref_squeeze %dma_wait3A_98 : memref<1x1024xi32, #tpu.memory_space<hbm>> -> memref<1024xi32, #tpu.memory_space<hbm>>
    tpu.wait_dma2 semaphore(%arg14 : memref<!tpu.dma_semaphore, #tpu.memory_space<semaphore_mem>>) src(%dma_wait3A_99 : memref<1024xi32, #tpu.memory_space<hbm>>) dst(%dma_wait3A_97 : memref<1024xi32, #tpu.memory_space<vmem>>)
    %dma_wait3A_100 = arith.constant 3 : i32
    %dma_wait3A_101 = arith.constant 3072 : i32
    %dma_wait3A_102 = tpu.memref_slice %arg6[%dma_wait3A_101] : memref<8192xi32, #tpu.memory_space<vmem>> -> memref<1024xi32, #tpu.memory_space<vmem>>
    %dma_wait3A_103 = tpu.memref_slice %arg4[%dma_wait3A_100, %mul3A_2] : memref<8x32768xi32, #tpu.memory_space<hbm>> -> memref<1x1024xi32, #tpu.memory_space<hbm>>
    %dma_wait3A_104 = tpu.memref_squeeze %dma_wait3A_103 : memref<1x1024xi32, #tpu.memory_space<hbm>> -> memref<1024xi32, #tpu.memory_space<hbm>>
    %dma_wait3A_105 = arith.constant 3072 : i32
    %dma_wait3A_106 = tpu.memref_slice %arg6[%dma_wait3A_105] : memref<8192xi32, #tpu.memory_space<vmem>> -> memref<1024xi32, #tpu.memory_space<vmem>>
    %dma_wait3A_107 = tpu.memref_slice %arg4[%dma_wait3A_100, %mul3A_2] : memref<8x32768xi32, #tpu.memory_space<hbm>> -> memref<1x1024xi32, #tpu.memory_space<hbm>>
    %dma_wait3A_108 = tpu.memref_squeeze %dma_wait3A_107 : memref<1x1024xi32, #tpu.memory_space<hbm>> -> memref<1024xi32, #tpu.memory_space<hbm>>
    tpu.wait_dma2 semaphore(%arg14 : memref<!tpu.dma_semaphore, #tpu.memory_space<semaphore_mem>>) src(%dma_wait3A_108 : memref<1024xi32, #tpu.memory_space<hbm>>) dst(%dma_wait3A_106 : memref<1024xi32, #tpu.memory_space<vmem>>)
    %dma_wait3A_109 = arith.constant 4 : i32
    %dma_wait3A_110 = arith.constant 4096 : i32
    %dma_wait3A_111 = tpu.memref_slice %arg6[%dma_wait3A_110] : memref<8192xi32, #tpu.memory_space<vmem>> -> memref<1024xi32, #tpu.memory_space<vmem>>
    %dma_wait3A_112 = tpu.memref_slice %arg4[%dma_wait3A_109, %mul3A_2] : memref<8x32768xi32, #tpu.memory_space<hbm>> -> memref<1x1024xi32, #tpu.memory_space<hbm>>
    %dma_wait3A_113 = tpu.memref_squeeze %dma_wait3A_112 : memref<1x1024xi32, #tpu.memory_space<hbm>> -> memref<1024xi32, #tpu.memory_space<hbm>>
    %dma_wait3A_114 = arith.constant 4096 : i32
    %dma_wait3A_115 = tpu.memref_slice %arg6[%dma_wait3A_114] : memref<8192xi32, #tpu.memory_space<vmem>> -> memref<1024xi32, #tpu.memory_space<vmem>>
    %dma_wait3A_116 = tpu.memref_slice %arg4[%dma_wait3A_109, %mul3A_2] : memref<8x32768xi32, #tpu.memory_space<hbm>> -> memref<1x1024xi32, #tpu.memory_space<hbm>>
    %dma_wait3A_117 = tpu.memref_squeeze %dma_wait3A_116 : memref<1x1024xi32, #tpu.memory_space<hbm>> -> memref<1024xi32, #tpu.memory_space<hbm>>
    tpu.wait_dma2 semaphore(%arg14 : memref<!tpu.dma_semaphore, #tpu.memory_space<semaphore_mem>>) src(%dma_wait3A_117 : memref<1024xi32, #tpu.memory_space<hbm>>) dst(%dma_wait3A_115 : memref<1024xi32, #tpu.memory_space<vmem>>)
    %dma_wait3A_118 = arith.constant 5 : i32
    %dma_wait3A_119 = arith.constant 5120 : i32
    %dma_wait3A_120 = tpu.memref_slice %arg6[%dma_wait3A_119] : memref<8192xi32, #tpu.memory_space<vmem>> -> memref<1024xi32, #tpu.memory_space<vmem>>
    %dma_wait3A_121 = tpu.memref_slice %arg4[%dma_wait3A_118, %mul3A_2] : memref<8x32768xi32, #tpu.memory_space<hbm>> -> memref<1x1024xi32, #tpu.memory_space<hbm>>
    %dma_wait3A_122 = tpu.memref_squeeze %dma_wait3A_121 : memref<1x1024xi32, #tpu.memory_space<hbm>> -> memref<1024xi32, #tpu.memory_space<hbm>>
    %dma_wait3A_123 = arith.constant 5120 : i32
    %dma_wait3A_124 = tpu.memref_slice %arg6[%dma_wait3A_123] : memref<8192xi32, #tpu.memory_space<vmem>> -> memref<1024xi32, #tpu.memory_space<vmem>>
    %dma_wait3A_125 = tpu.memref_slice %arg4[%dma_wait3A_118, %mul3A_2] : memref<8x32768xi32, #tpu.memory_space<hbm>> -> memref<1x1024xi32, #tpu.memory_space<hbm>>
    %dma_wait3A_126 = tpu.memref_squeeze %dma_wait3A_125 : memref<1x1024xi32, #tpu.memory_space<hbm>> -> memref<1024xi32, #tpu.memory_space<hbm>>
    tpu.wait_dma2 semaphore(%arg14 : memref<!tpu.dma_semaphore, #tpu.memory_space<semaphore_mem>>) src(%dma_wait3A_126 : memref<1024xi32, #tpu.memory_space<hbm>>) dst(%dma_wait3A_124 : memref<1024xi32, #tpu.memory_space<vmem>>)
    %dma_wait3A_127 = arith.constant 6 : i32
    %dma_wait3A_128 = arith.constant 6144 : i32
    %dma_wait3A_129 = tpu.memref_slice %arg6[%dma_wait3A_128] : memref<8192xi32, #tpu.memory_space<vmem>> -> memref<1024xi32, #tpu.memory_space<vmem>>
    %dma_wait3A_130 = tpu.memref_slice %arg4[%dma_wait3A_127, %mul3A_2] : memref<8x32768xi32, #tpu.memory_space<hbm>> -> memref<1x1024xi32, #tpu.memory_space<hbm>>
    %dma_wait3A_131 = tpu.memref_squeeze %dma_wait3A_130 : memref<1x1024xi32, #tpu.memory_space<hbm>> -> memref<1024xi32, #tpu.memory_space<hbm>>
    %dma_wait3A_132 = arith.constant 6144 : i32
    %dma_wait3A_133 = tpu.memref_slice %arg6[%dma_wait3A_132] : memref<8192xi32, #tpu.memory_space<vmem>> -> memref<1024xi32, #tpu.memory_space<vmem>>
    %dma_wait3A_134 = tpu.memref_slice %arg4[%dma_wait3A_127, %mul3A_2] : memref<8x32768xi32, #tpu.memory_space<hbm>> -> memref<1x1024xi32, #tpu.memory_space<hbm>>
    %dma_wait3A_135 = tpu.memref_squeeze %dma_wait3A_134 : memref<1x1024xi32, #tpu.memory_space<hbm>> -> memref<1024xi32, #tpu.memory_space<hbm>>
    tpu.wait_dma2 semaphore(%arg14 : memref<!tpu.dma_semaphore, #tpu.memory_space<semaphore_mem>>) src(%dma_wait3A_135 : memref<1024xi32, #tpu.memory_space<hbm>>) dst(%dma_wait3A_133 : memref<1024xi32, #tpu.memory_space<vmem>>)
    %dma_wait3A_136 = arith.constant 7 : i32
    %dma_wait3A_137 = arith.constant 7168 : i32
    %dma_wait3A_138 = tpu.memref_slice %arg6[%dma_wait3A_137] : memref<8192xi32, #tpu.memory_space<vmem>> -> memref<1024xi32, #tpu.memory_space<vmem>>
    %dma_wait3A_139 = tpu.memref_slice %arg4[%dma_wait3A_136, %mul3A_2] : memref<8x32768xi32, #tpu.memory_space<hbm>> -> memref<1x1024xi32, #tpu.memory_space<hbm>>
    %dma_wait3A_140 = tpu.memref_squeeze %dma_wait3A_139 : memref<1x1024xi32, #tpu.memory_space<hbm>> -> memref<1024xi32, #tpu.memory_space<hbm>>
    %dma_wait3A_141 = arith.constant 7168 : i32
    %dma_wait3A_142 = tpu.memref_slice %arg6[%dma_wait3A_141] : memref<8192xi32, #tpu.memory_space<vmem>> -> memref<1024xi32, #tpu.memory_space<vmem>>
    %dma_wait3A_143 = tpu.memref_slice %arg4[%dma_wait3A_136, %mul3A_2] : memref<8x32768xi32, #tpu.memory_space<hbm>> -> memref<1x1024xi32, #tpu.memory_space<hbm>>
    %dma_wait3A_144 = tpu.memref_squeeze %dma_wait3A_143 : memref<1x1024xi32, #tpu.memory_space<hbm>> -> memref<1024xi32, #tpu.memory_space<hbm>>
    tpu.wait_dma2 semaphore(%arg14 : memref<!tpu.dma_semaphore, #tpu.memory_space<semaphore_mem>>) src(%dma_wait3A_144 : memref<1024xi32, #tpu.memory_space<hbm>>) dst(%dma_wait3A_142 : memref<1024xi32, #tpu.memory_space<vmem>>)
    %iota3A = tpu.iota {dimensions = array<i32: 0>} : vector<16xi32>
    %add3A_145 = arith.constant 0 : i32
    %add3A_146 = arith.addi %mul3A_2, %add3A_145 : i32
    %multiple_of3A = arith.constant 0 : i32
    %multiple_of3A_147 = tpu.assume_multiple %multiple_of3A, 16 : i32
    %dma_start3A_148 = arith.constant 0 : i32
    %dma_start3A_149 = arith.constant 0 : i32
    %dma_start3A_150 = tpu.memref_slice %arg7[%dma_start3A_148, %dma_start3A_149] : memref<128x128xi32, #tpu.memory_space<vmem>> -> memref<16x128xi32, #tpu.memory_space<vmem>>
    %dma_start3A_151 = tpu.memref_slice %arg6[%multiple_of3A_147] : memref<8192xi32, #tpu.memory_space<vmem>> -> memref<16xi32, #tpu.memory_space<vmem>>
    %dma_start3A_152 = arith.constant 0 : i32
    %dma_start3A_153 = arith.constant 0 : i32
    %dma_start3A_154 = tpu.memref_slice %arg3[%dma_start3A_152, %dma_start3A_153] : memref<8192x128xi32, #tpu.memory_space<hbm>> -> memref<8192x128xi32, #tpu.memory_space<hbm>>
    tpu.enqueue_indirect_dma source(%dma_start3A_154 : memref<8192x128xi32, #tpu.memory_space<hbm>>) target(%dma_start3A_150 : memref<16x128xi32, #tpu.memory_space<vmem>>) offsets(%dma_start3A_151 : memref<16xi32, #tpu.memory_space<vmem>>) semaphore(%arg12 : memref<!tpu.dma_semaphore, #tpu.memory_space<semaphore_mem>>)
    %multiple_of3A_155 = arith.constant 1024 : i32
    %multiple_of3A_156 = tpu.assume_multiple %multiple_of3A_155, 16 : i32
    %dma_start3A_157 = arith.constant 16 : i32
    %dma_start3A_158 = arith.constant 0 : i32
    %dma_start3A_159 = tpu.memref_slice %arg7[%dma_start3A_157, %dma_start3A_158] : memref<128x128xi32, #tpu.memory_space<vmem>> -> memref<16x128xi32, #tpu.memory_space<vmem>>
    %dma_start3A_160 = tpu.memref_slice %arg6[%multiple_of3A_156] : memref<8192xi32, #tpu.memory_space<vmem>> -> memref<16xi32, #tpu.memory_space<vmem>>
    %dma_start3A_161 = arith.constant 0 : i32
    %dma_start3A_162 = arith.constant 0 : i32
    %dma_start3A_163 = tpu.memref_slice %arg3[%dma_start3A_161, %dma_start3A_162] : memref<8192x128xi32, #tpu.memory_space<hbm>> -> memref<8192x128xi32, #tpu.memory_space<hbm>>
    tpu.enqueue_indirect_dma source(%dma_start3A_163 : memref<8192x128xi32, #tpu.memory_space<hbm>>) target(%dma_start3A_159 : memref<16x128xi32, #tpu.memory_space<vmem>>) offsets(%dma_start3A_160 : memref<16xi32, #tpu.memory_space<vmem>>) semaphore(%arg12 : memref<!tpu.dma_semaphore, #tpu.memory_space<semaphore_mem>>)
    %multiple_of3A_164 = arith.constant 2048 : i32
    %multiple_of3A_165 = tpu.assume_multiple %multiple_of3A_164, 16 : i32
    %dma_start3A_166 = arith.constant 32 : i32
    %dma_start3A_167 = arith.constant 0 : i32
    %dma_start3A_168 = tpu.memref_slice %arg7[%dma_start3A_166, %dma_start3A_167] : memref<128x128xi32, #tpu.memory_space<vmem>> -> memref<16x128xi32, #tpu.memory_space<vmem>>
    %dma_start3A_169 = tpu.memref_slice %arg6[%multiple_of3A_165] : memref<8192xi32, #tpu.memory_space<vmem>> -> memref<16xi32, #tpu.memory_space<vmem>>
    %dma_start3A_170 = arith.constant 0 : i32
    %dma_start3A_171 = arith.constant 0 : i32
    %dma_start3A_172 = tpu.memref_slice %arg3[%dma_start3A_170, %dma_start3A_171] : memref<8192x128xi32, #tpu.memory_space<hbm>> -> memref<8192x128xi32, #tpu.memory_space<hbm>>
    tpu.enqueue_indirect_dma source(%dma_start3A_172 : memref<8192x128xi32, #tpu.memory_space<hbm>>) target(%dma_start3A_168 : memref<16x128xi32, #tpu.memory_space<vmem>>) offsets(%dma_start3A_169 : memref<16xi32, #tpu.memory_space<vmem>>) semaphore(%arg12 : memref<!tpu.dma_semaphore, #tpu.memory_space<semaphore_mem>>)
    %multiple_of3A_173 = arith.constant 3072 : i32
    %multiple_of3A_174 = tpu.assume_multiple %multiple_of3A_173, 16 : i32
    %dma_start3A_175 = arith.constant 48 : i32
    %dma_start3A_176 = arith.constant 0 : i32
    %dma_start3A_177 = tpu.memref_slice %arg7[%dma_start3A_175, %dma_start3A_176] : memref<128x128xi32, #tpu.memory_space<vmem>> -> memref<16x128xi32, #tpu.memory_space<vmem>>
    %dma_start3A_178 = tpu.memref_slice %arg6[%multiple_of3A_174] : memref<8192xi32, #tpu.memory_space<vmem>> -> memref<16xi32, #tpu.memory_space<vmem>>
    %dma_start3A_179 = arith.constant 0 : i32
    %dma_start3A_180 = arith.constant 0 : i32
    %dma_start3A_181 = tpu.memref_slice %arg3[%dma_start3A_179, %dma_start3A_180] : memref<8192x128xi32, #tpu.memory_space<hbm>> -> memref<8192x128xi32, #tpu.memory_space<hbm>>
    tpu.enqueue_indirect_dma source(%dma_start3A_181 : memref<8192x128xi32, #tpu.memory_space<hbm>>) target(%dma_start3A_177 : memref<16x128xi32, #tpu.memory_space<vmem>>) offsets(%dma_start3A_178 : memref<16xi32, #tpu.memory_space<vmem>>) semaphore(%arg12 : memref<!tpu.dma_semaphore, #tpu.memory_space<semaphore_mem>>)
    %multiple_of3A_182 = arith.constant 4096 : i32
    %multiple_of3A_183 = tpu.assume_multiple %multiple_of3A_182, 16 : i32
    %dma_start3A_184 = arith.constant 64 : i32
    %dma_start3A_185 = arith.constant 0 : i32
    %dma_start3A_186 = tpu.memref_slice %arg7[%dma_start3A_184, %dma_start3A_185] : memref<128x128xi32, #tpu.memory_space<vmem>> -> memref<16x128xi32, #tpu.memory_space<vmem>>
    %dma_start3A_187 = tpu.memref_slice %arg6[%multiple_of3A_183] : memref<8192xi32, #tpu.memory_space<vmem>> -> memref<16xi32, #tpu.memory_space<vmem>>
    %dma_start3A_188 = arith.constant 0 : i32
    %dma_start3A_189 = arith.constant 0 : i32
    %dma_start3A_190 = tpu.memref_slice %arg3[%dma_start3A_188, %dma_start3A_189] : memref<8192x128xi32, #tpu.memory_space<hbm>> -> memref<8192x128xi32, #tpu.memory_space<hbm>>
    tpu.enqueue_indirect_dma source(%dma_start3A_190 : memref<8192x128xi32, #tpu.memory_space<hbm>>) target(%dma_start3A_186 : memref<16x128xi32, #tpu.memory_space<vmem>>) offsets(%dma_start3A_187 : memref<16xi32, #tpu.memory_space<vmem>>) semaphore(%arg12 : memref<!tpu.dma_semaphore, #tpu.memory_space<semaphore_mem>>)
    %multiple_of3A_191 = arith.constant 5120 : i32
    %multiple_of3A_192 = tpu.assume_multiple %multiple_of3A_191, 16 : i32
    %dma_start3A_193 = arith.constant 80 : i32
    %dma_start3A_194 = arith.constant 0 : i32
    %dma_start3A_195 = tpu.memref_slice %arg7[%dma_start3A_193, %dma_start3A_194] : memref<128x128xi32, #tpu.memory_space<vmem>> -> memref<16x128xi32, #tpu.memory_space<vmem>>
    %dma_start3A_196 = tpu.memref_slice %arg6[%multiple_of3A_192] : memref<8192xi32, #tpu.memory_space<vmem>> -> memref<16xi32, #tpu.memory_space<vmem>>
    %dma_start3A_197 = arith.constant 0 : i32
    %dma_start3A_198 = arith.constant 0 : i32
    %dma_start3A_199 = tpu.memref_slice %arg3[%dma_start3A_197, %dma_start3A_198] : memref<8192x128xi32, #tpu.memory_space<hbm>> -> memref<8192x128xi32, #tpu.memory_space<hbm>>
    tpu.enqueue_indirect_dma source(%dma_start3A_199 : memref<8192x128xi32, #tpu.memory_space<hbm>>) target(%dma_start3A_195 : memref<16x128xi32, #tpu.memory_space<vmem>>) offsets(%dma_start3A_196 : memref<16xi32, #tpu.memory_space<vmem>>) semaphore(%arg12 : memref<!tpu.dma_semaphore, #tpu.memory_space<semaphore_mem>>)
    %multiple_of3A_200 = arith.constant 6144 : i32
    %multiple_of3A_201 = tpu.assume_multiple %multiple_of3A_200, 16 : i32
    %dma_start3A_202 = arith.constant 96 : i32
    %dma_start3A_203 = arith.constant 0 : i32
    %dma_start3A_204 = tpu.memref_slice %arg7[%dma_start3A_202, %dma_start3A_203] : memref<128x128xi32, #tpu.memory_space<vmem>> -> memref<16x128xi32, #tpu.memory_space<vmem>>
    %dma_start3A_205 = tpu.memref_slice %arg6[%multiple_of3A_201] : memref<8192xi32, #tpu.memory_space<vmem>> -> memref<16xi32, #tpu.memory_space<vmem>>
    %dma_start3A_206 = arith.constant 0 : i32
    %dma_start3A_207 = arith.constant 0 : i32
    %dma_start3A_208 = tpu.memref_slice %arg3[%dma_start3A_206, %dma_start3A_207] : memref<8192x128xi32, #tpu.memory_space<hbm>> -> memref<8192x128xi32, #tpu.memory_space<hbm>>
    tpu.enqueue_indirect_dma source(%dma_start3A_208 : memref<8192x128xi32, #tpu.memory_space<hbm>>) target(%dma_start3A_204 : memref<16x128xi32, #tpu.memory_space<vmem>>) offsets(%dma_start3A_205 : memref<16xi32, #tpu.memory_space<vmem>>) semaphore(%arg12 : memref<!tpu.dma_semaphore, #tpu.memory_space<semaphore_mem>>)
    %multiple_of3A_209 = arith.constant 7168 : i32
    %multiple_of3A_210 = tpu.assume_multiple %multiple_of3A_209, 16 : i32
    %dma_start3A_211 = arith.constant 112 : i32
    %dma_start3A_212 = arith.constant 0 : i32
    %dma_start3A_213 = tpu.memref_slice %arg7[%dma_start3A_211, %dma_start3A_212] : memref<128x128xi32, #tpu.memory_space<vmem>> -> memref<16x128xi32, #tpu.memory_space<vmem>>
    %dma_start3A_214 = tpu.memref_slice %arg6[%multiple_of3A_210] : memref<8192xi32, #tpu.memory_space<vmem>> -> memref<16xi32, #tpu.memory_space<vmem>>
    %dma_start3A_215 = arith.constant 0 : i32
    %dma_start3A_216 = arith.constant 0 : i32
    %dma_start3A_217 = tpu.memref_slice %arg3[%dma_start3A_215, %dma_start3A_216] : memref<8192x128xi32, #tpu.memory_space<hbm>> -> memref<8192x128xi32, #tpu.memory_space<hbm>>
    tpu.enqueue_indirect_dma source(%dma_start3A_217 : memref<8192x128xi32, #tpu.memory_space<hbm>>) target(%dma_start3A_213 : memref<16x128xi32, #tpu.memory_space<vmem>>) offsets(%dma_start3A_214 : memref<16xi32, #tpu.memory_space<vmem>>) semaphore(%arg12 : memref<!tpu.dma_semaphore, #tpu.memory_space<semaphore_mem>>)
    %dma_start3A_218 = arith.constant 0 : i32
    %dma_start3A_219 = tpu.memref_slice %arg2[%add3A_146, %dma_start3A_218] : memref<32768x256xf32, #tpu.memory_space<hbm>> -> memref<16x256xf32, #tpu.memory_space<hbm>>
    %dma_start3A_220 = arith.constant 0 : i32
    %dma_start3A_221 = tpu.memref_slice %arg2[%add3A_146, %dma_start3A_220] : memref<32768x256xf32, #tpu.memory_space<hbm>> -> memref<16x256xf32, #tpu.memory_space<hbm>>
    tpu.enqueue_dma source(%dma_start3A_221 : memref<16x256xf32, #tpu.memory_space<hbm>>) target(%arg9 : memref<16x256xf32, #tpu.memory_space<vmem>>) target_semaphore(%arg14 : memref<!tpu.dma_semaphore, #tpu.memory_space<semaphore_mem>>)
    %add3A_222 = arith.constant 16 : i32
    %add3A_223 = arith.addi %mul3A_2, %add3A_222 : i32
    %multiple_of3A_224 = arith.constant 16 : i32
    %multiple_of3A_225 = tpu.assume_multiple %multiple_of3A_224, 16 : i32
    %dma_start3A_226 = arith.constant 0 : i32
    %dma_start3A_227 = arith.constant 0 : i32
    %dma_start3A_228 = tpu.memref_slice %arg8[%dma_start3A_226, %dma_start3A_227] : memref<128x128xi32, #tpu.memory_space<vmem>> -> memref<16x128xi32, #tpu.memory_space<vmem>>
    %dma_start3A_229 = tpu.memref_slice %arg6[%multiple_of3A_225] : memref<8192xi32, #tpu.memory_space<vmem>> -> memref<16xi32, #tpu.memory_space<vmem>>
    %dma_start3A_230 = arith.constant 0 : i32
    %dma_start3A_231 = arith.constant 0 : i32
    %dma_start3A_232 = tpu.memref_slice %arg3[%dma_start3A_230, %dma_start3A_231] : memref<8192x128xi32, #tpu.memory_space<hbm>> -> memref<8192x128xi32, #tpu.memory_space<hbm>>
    tpu.enqueue_indirect_dma source(%dma_start3A_232 : memref<8192x128xi32, #tpu.memory_space<hbm>>) target(%dma_start3A_228 : memref<16x128xi32, #tpu.memory_space<vmem>>) offsets(%dma_start3A_229 : memref<16xi32, #tpu.memory_space<vmem>>) semaphore(%arg13 : memref<!tpu.dma_semaphore, #tpu.memory_space<semaphore_mem>>)
    %multiple_of3A_233 = arith.constant 1040 : i32
    %multiple_of3A_234 = tpu.assume_multiple %multiple_of3A_233, 16 : i32
    %dma_start3A_235 = arith.constant 16 : i32
    %dma_start3A_236 = arith.constant 0 : i32
    %dma_start3A_237 = tpu.memref_slice %arg8[%dma_start3A_235, %dma_start3A_236] : memref<128x128xi32, #tpu.memory_space<vmem>> -> memref<16x128xi32, #tpu.memory_space<vmem>>
    %dma_start3A_238 = tpu.memref_slice %arg6[%multiple_of3A_234] : memref<8192xi32, #tpu.memory_space<vmem>> -> memref<16xi32, #tpu.memory_space<vmem>>
    %dma_start3A_239 = arith.constant 0 : i32
    %dma_start3A_240 = arith.constant 0 : i32
    %dma_start3A_241 = tpu.memref_slice %arg3[%dma_start3A_239, %dma_start3A_240] : memref<8192x128xi32, #tpu.memory_space<hbm>> -> memref<8192x128xi32, #tpu.memory_space<hbm>>
    tpu.enqueue_indirect_dma source(%dma_start3A_241 : memref<8192x128xi32, #tpu.memory_space<hbm>>) target(%dma_start3A_237 : memref<16x128xi32, #tpu.memory_space<vmem>>) offsets(%dma_start3A_238 : memref<16xi32, #tpu.memory_space<vmem>>) semaphore(%arg13 : memref<!tpu.dma_semaphore, #tpu.memory_space<semaphore_mem>>)
    %multiple_of3A_242 = arith.constant 2064 : i32
    %multiple_of3A_243 = tpu.assume_multiple %multiple_of3A_242, 16 : i32
    %dma_start3A_244 = arith.constant 32 : i32
    %dma_start3A_245 = arith.constant 0 : i32
    %dma_start3A_246 = tpu.memref_slice %arg8[%dma_start3A_244, %dma_start3A_245] : memref<128x128xi32, #tpu.memory_space<vmem>> -> memref<16x128xi32, #tpu.memory_space<vmem>>
    %dma_start3A_247 = tpu.memref_slice %arg6[%multiple_of3A_243] : memref<8192xi32, #tpu.memory_space<vmem>> -> memref<16xi32, #tpu.memory_space<vmem>>
    %dma_start3A_248 = arith.constant 0 : i32
    %dma_start3A_249 = arith.constant 0 : i32
    %dma_start3A_250 = tpu.memref_slice %arg3[%dma_start3A_248, %dma_start3A_249] : memref<8192x128xi32, #tpu.memory_space<hbm>> -> memref<8192x128xi32, #tpu.memory_space<hbm>>
    tpu.enqueue_indirect_dma source(%dma_start3A_250 : memref<8192x128xi32, #tpu.memory_space<hbm>>) target(%dma_start3A_246 : memref<16x128xi32, #tpu.memory_space<vmem>>) offsets(%dma_start3A_247 : memref<16xi32, #tpu.memory_space<vmem>>) semaphore(%arg13 : memref<!tpu.dma_semaphore, #tpu.memory_space<semaphore_mem>>)
    %multiple_of3A_251 = arith.constant 3088 : i32
    %multiple_of3A_252 = tpu.assume_multiple %multiple_of3A_251, 16 : i32
    %dma_start3A_253 = arith.constant 48 : i32
    %dma_start3A_254 = arith.constant 0 : i32
    %dma_start3A_255 = tpu.memref_slice %arg8[%dma_start3A_253, %dma_start3A_254] : memref<128x128xi32, #tpu.memory_space<vmem>> -> memref<16x128xi32, #tpu.memory_space<vmem>>
    %dma_start3A_256 = tpu.memref_slice %arg6[%multiple_of3A_252] : memref<8192xi32, #tpu.memory_space<vmem>> -> memref<16xi32, #tpu.memory_space<vmem>>
    %dma_start3A_257 = arith.constant 0 : i32
    %dma_start3A_258 = arith.constant 0 : i32
    %dma_start3A_259 = tpu.memref_slice %arg3[%dma_start3A_257, %dma_start3A_258] : memref<8192x128xi32, #tpu.memory_space<hbm>> -> memref<8192x128xi32, #tpu.memory_space<hbm>>
    tpu.enqueue_indirect_dma source(%dma_start3A_259 : memref<8192x128xi32, #tpu.memory_space<hbm>>) target(%dma_start3A_255 : memref<16x128xi32, #tpu.memory_space<vmem>>) offsets(%dma_start3A_256 : memref<16xi32, #tpu.memory_space<vmem>>) semaphore(%arg13 : memref<!tpu.dma_semaphore, #tpu.memory_space<semaphore_mem>>)
    %multiple_of3A_260 = arith.constant 4112 : i32
    %multiple_of3A_261 = tpu.assume_multiple %multiple_of3A_260, 16 : i32
    %dma_start3A_262 = arith.constant 64 : i32
    %dma_start3A_263 = arith.constant 0 : i32
    %dma_start3A_264 = tpu.memref_slice %arg8[%dma_start3A_262, %dma_start3A_263] : memref<128x128xi32, #tpu.memory_space<vmem>> -> memref<16x128xi32, #tpu.memory_space<vmem>>
    %dma_start3A_265 = tpu.memref_slice %arg6[%multiple_of3A_261] : memref<8192xi32, #tpu.memory_space<vmem>> -> memref<16xi32, #tpu.memory_space<vmem>>
    %dma_start3A_266 = arith.constant 0 : i32
    %dma_start3A_267 = arith.constant 0 : i32
    %dma_start3A_268 = tpu.memref_slice %arg3[%dma_start3A_266, %dma_start3A_267] : memref<8192x128xi32, #tpu.memory_space<hbm>> -> memref<8192x128xi32, #tpu.memory_space<hbm>>
    tpu.enqueue_indirect_dma source(%dma_start3A_268 : memref<8192x128xi32, #tpu.memory_space<hbm>>) target(%dma_start3A_264 : memref<16x128xi32, #tpu.memory_space<vmem>>) offsets(%dma_start3A_265 : memref<16xi32, #tpu.memory_space<vmem>>) semaphore(%arg13 : memref<!tpu.dma_semaphore, #tpu.memory_space<semaphore_mem>>)
    %multiple_of3A_269 = arith.constant 5136 : i32
    %multiple_of3A_270 = tpu.assume_multiple %multiple_of3A_269, 16 : i32
    %dma_start3A_271 = arith.constant 80 : i32
    %dma_start3A_272 = arith.constant 0 : i32
    %dma_start3A_273 = tpu.memref_slice %arg8[%dma_start3A_271, %dma_start3A_272] : memref<128x128xi32, #tpu.memory_space<vmem>> -> memref<16x128xi32, #tpu.memory_space<vmem>>
    %dma_start3A_274 = tpu.memref_slice %arg6[%multiple_of3A_270] : memref<8192xi32, #tpu.memory_space<vmem>> -> memref<16xi32, #tpu.memory_space<vmem>>
    %dma_start3A_275 = arith.constant 0 : i32
    %dma_start3A_276 = arith.constant 0 : i32
    %dma_start3A_277 = tpu.memref_slice %arg3[%dma_start3A_275, %dma_start3A_276] : memref<8192x128xi32, #tpu.memory_space<hbm>> -> memref<8192x128xi32, #tpu.memory_space<hbm>>
    tpu.enqueue_indirect_dma source(%dma_start3A_277 : memref<8192x128xi32, #tpu.memory_space<hbm>>) target(%dma_start3A_273 : memref<16x128xi32, #tpu.memory_space<vmem>>) offsets(%dma_start3A_274 : memref<16xi32, #tpu.memory_space<vmem>>) semaphore(%arg13 : memref<!tpu.dma_semaphore, #tpu.memory_space<semaphore_mem>>)
    %multiple_of3A_278 = arith.constant 6160 : i32
    %multiple_of3A_279 = tpu.assume_multiple %multiple_of3A_278, 16 : i32
    %dma_start3A_280 = arith.constant 96 : i32
    %dma_start3A_281 = arith.constant 0 : i32
    %dma_start3A_282 = tpu.memref_slice %arg8[%dma_start3A_280, %dma_start3A_281] : memref<128x128xi32, #tpu.memory_space<vmem>> -> memref<16x128xi32, #tpu.memory_space<vmem>>
    %dma_start3A_283 = tpu.memref_slice %arg6[%multiple_of3A_279] : memref<8192xi32, #tpu.memory_space<vmem>> -> memref<16xi32, #tpu.memory_space<vmem>>
    %dma_start3A_284 = arith.constant 0 : i32
    %dma_start3A_285 = arith.constant 0 : i32
    %dma_start3A_286 = tpu.memref_slice %arg3[%dma_start3A_284, %dma_start3A_285] : memref<8192x128xi32, #tpu.memory_space<hbm>> -> memref<8192x128xi32, #tpu.memory_space<hbm>>
    tpu.enqueue_indirect_dma source(%dma_start3A_286 : memref<8192x128xi32, #tpu.memory_space<hbm>>) target(%dma_start3A_282 : memref<16x128xi32, #tpu.memory_space<vmem>>) offsets(%dma_start3A_283 : memref<16xi32, #tpu.memory_space<vmem>>) semaphore(%arg13 : memref<!tpu.dma_semaphore, #tpu.memory_space<semaphore_mem>>)
    %multiple_of3A_287 = arith.constant 7184 : i32
    %multiple_of3A_288 = tpu.assume_multiple %multiple_of3A_287, 16 : i32
    %dma_start3A_289 = arith.constant 112 : i32
    %dma_start3A_290 = arith.constant 0 : i32
    %dma_start3A_291 = tpu.memref_slice %arg8[%dma_start3A_289, %dma_start3A_290] : memref<128x128xi32, #tpu.memory_space<vmem>> -> memref<16x128xi32, #tpu.memory_space<vmem>>
    %dma_start3A_292 = tpu.memref_slice %arg6[%multiple_of3A_288] : memref<8192xi32, #tpu.memory_space<vmem>> -> memref<16xi32, #tpu.memory_space<vmem>>
    %dma_start3A_293 = arith.constant 0 : i32
    %dma_start3A_294 = arith.constant 0 : i32
    %dma_start3A_295 = tpu.memref_slice %arg3[%dma_start3A_293, %dma_start3A_294] : memref<8192x128xi32, #tpu.memory_space<hbm>> -> memref<8192x128xi32, #tpu.memory_space<hbm>>
    tpu.enqueue_indirect_dma source(%dma_start3A_295 : memref<8192x128xi32, #tpu.memory_space<hbm>>) target(%dma_start3A_291 : memref<16x128xi32, #tpu.memory_space<vmem>>) offsets(%dma_start3A_292 : memref<16xi32, #tpu.memory_space<vmem>>) semaphore(%arg13 : memref<!tpu.dma_semaphore, #tpu.memory_space<semaphore_mem>>)
    %dma_start3A_296 = arith.constant 0 : i32
    %dma_start3A_297 = tpu.memref_slice %arg2[%add3A_223, %dma_start3A_296] : memref<32768x256xf32, #tpu.memory_space<hbm>> -> memref<16x256xf32, #tpu.memory_space<hbm>>
    %dma_start3A_298 = arith.constant 0 : i32
    %dma_start3A_299 = tpu.memref_slice %arg2[%add3A_223, %dma_start3A_298] : memref<32768x256xf32, #tpu.memory_space<hbm>> -> memref<16x256xf32, #tpu.memory_space<hbm>>
    tpu.enqueue_dma source(%dma_start3A_299 : memref<16x256xf32, #tpu.memory_space<hbm>>) target(%arg10 : memref<16x256xf32, #tpu.memory_space<vmem>>) target_semaphore(%arg15 : memref<!tpu.dma_semaphore, #tpu.memory_space<semaphore_mem>>)
    %scan3A = arith.constant 0 : i32
    %scan3A_300 = arith.constant 0 : i32
    %scan3A_301 = arith.constant 32 : i32
    %scan3A_302 = arith.addi %scan3A_300, %scan3A_301 : i32
    %scan3A_303 = arith.constant 1 : i32
    scf.for %scan3A_305 = %scan3A_300 to %scan3A_302 step %scan3A_303  : i32 {
      %mul3A_306 = arith.constant 2 : i32
      %mul3A_307 = arith.muli %mul3A_306, %scan3A_305 : i32
      %mul3A_308 = arith.constant 16 : i32
      %mul3A_309 = arith.muli %mul3A_307, %mul3A_308 : i32
      %add3A_310 = arith.constant 0 : i32
      %add3A_311 = arith.addi %add3A_310, %mul3A_309 : i32
      %multiple_of3A_312 = tpu.assume_multiple %add3A_311, 16 : i32
      %dma_wait3A_313 = arith.constant 0 : i32
      %dma_wait3A_314 = arith.constant 0 : i32
      %dma_wait3A_315 = tpu.memref_slice %arg7[%dma_wait3A_313, %dma_wait3A_314] : memref<128x128xi32, #tpu.memory_space<vmem>> -> memref<16x128xi32, #tpu.memory_space<vmem>>
      %dma_wait3A_316 = tpu.memref_slice %arg6[%multiple_of3A_312] : memref<8192xi32, #tpu.memory_space<vmem>> -> memref<16xi32, #tpu.memory_space<vmem>>
      %dma_wait3A_317 = arith.constant 0 : i32
      %dma_wait3A_318 = arith.constant 0 : i32
      %dma_wait3A_319 = tpu.memref_slice %arg3[%dma_wait3A_317, %dma_wait3A_318] : memref<8192x128xi32, #tpu.memory_space<hbm>> -> memref<8192x128xi32, #tpu.memory_space<hbm>>
      tpu.wait_indirect_dma semaphore(%arg12 : memref<!tpu.dma_semaphore, #tpu.memory_space<semaphore_mem>>) src(%dma_wait3A_319 : memref<8192x128xi32, #tpu.memory_space<hbm>>) dst(%dma_wait3A_315 : memref<16x128xi32, #tpu.memory_space<vmem>>)
      %mul3A_320 = arith.constant 16 : i32
      %mul3A_321 = arith.muli %mul3A_307, %mul3A_320 : i32
      %add3A_322 = arith.constant 1024 : i32
      %add3A_323 = arith.addi %add3A_322, %mul3A_321 : i32
      %multiple_of3A_324 = tpu.assume_multiple %add3A_323, 16 : i32
      %dma_wait3A_325 = arith.constant 16 : i32
      %dma_wait3A_326 = arith.constant 0 : i32
      %dma_wait3A_327 = tpu.memref_slice %arg7[%dma_wait3A_325, %dma_wait3A_326] : memref<128x128xi32, #tpu.memory_space<vmem>> -> memref<16x128xi32, #tpu.memory_space<vmem>>
      %dma_wait3A_328 = tpu.memref_slice %arg6[%multiple_of3A_324] : memref<8192xi32, #tpu.memory_space<vmem>> -> memref<16xi32, #tpu.memory_space<vmem>>
      %dma_wait3A_329 = arith.constant 0 : i32
      %dma_wait3A_330 = arith.constant 0 : i32
      %dma_wait3A_331 = tpu.memref_slice %arg3[%dma_wait3A_329, %dma_wait3A_330] : memref<8192x128xi32, #tpu.memory_space<hbm>> -> memref<8192x128xi32, #tpu.memory_space<hbm>>
      tpu.wait_indirect_dma semaphore(%arg12 : memref<!tpu.dma_semaphore, #tpu.memory_space<semaphore_mem>>) src(%dma_wait3A_331 : memref<8192x128xi32, #tpu.memory_space<hbm>>) dst(%dma_wait3A_327 : memref<16x128xi32, #tpu.memory_space<vmem>>)
      %mul3A_332 = arith.constant 16 : i32
      %mul3A_333 = arith.muli %mul3A_307, %mul3A_332 : i32
      %add3A_334 = arith.constant 2048 : i32
      %add3A_335 = arith.addi %add3A_334, %mul3A_333 : i32
      %multiple_of3A_336 = tpu.assume_multiple %add3A_335, 16 : i32
      %dma_wait3A_337 = arith.constant 32 : i32
      %dma_wait3A_338 = arith.constant 0 : i32
      %dma_wait3A_339 = tpu.memref_slice %arg7[%dma_wait3A_337, %dma_wait3A_338] : memref<128x128xi32, #tpu.memory_space<vmem>> -> memref<16x128xi32, #tpu.memory_space<vmem>>
      %dma_wait3A_340 = tpu.memref_slice %arg6[%multiple_of3A_336] : memref<8192xi32, #tpu.memory_space<vmem>> -> memref<16xi32, #tpu.memory_space<vmem>>
      %dma_wait3A_341 = arith.constant 0 : i32
      %dma_wait3A_342 = arith.constant 0 : i32
      %dma_wait3A_343 = tpu.memref_slice %arg3[%dma_wait3A_341, %dma_wait3A_342] : memref<8192x128xi32, #tpu.memory_space<hbm>> -> memref<8192x128xi32, #tpu.memory_space<hbm>>
      tpu.wait_indirect_dma semaphore(%arg12 : memref<!tpu.dma_semaphore, #tpu.memory_space<semaphore_mem>>) src(%dma_wait3A_343 : memref<8192x128xi32, #tpu.memory_space<hbm>>) dst(%dma_wait3A_339 : memref<16x128xi32, #tpu.memory_space<vmem>>)
      %mul3A_344 = arith.constant 16 : i32
      %mul3A_345 = arith.muli %mul3A_307, %mul3A_344 : i32
      %add3A_346 = arith.constant 3072 : i32
      %add3A_347 = arith.addi %add3A_346, %mul3A_345 : i32
      %multiple_of3A_348 = tpu.assume_multiple %add3A_347, 16 : i32
      %dma_wait3A_349 = arith.constant 48 : i32
      %dma_wait3A_350 = arith.constant 0 : i32
      %dma_wait3A_351 = tpu.memref_slice %arg7[%dma_wait3A_349, %dma_wait3A_350] : memref<128x128xi32, #tpu.memory_space<vmem>> -> memref<16x128xi32, #tpu.memory_space<vmem>>
      %dma_wait3A_352 = tpu.memref_slice %arg6[%multiple_of3A_348] : memref<8192xi32, #tpu.memory_space<vmem>> -> memref<16xi32, #tpu.memory_space<vmem>>
      %dma_wait3A_353 = arith.constant 0 : i32
      %dma_wait3A_354 = arith.constant 0 : i32
      %dma_wait3A_355 = tpu.memref_slice %arg3[%dma_wait3A_353, %dma_wait3A_354] : memref<8192x128xi32, #tpu.memory_space<hbm>> -> memref<8192x128xi32, #tpu.memory_space<hbm>>
      tpu.wait_indirect_dma semaphore(%arg12 : memref<!tpu.dma_semaphore, #tpu.memory_space<semaphore_mem>>) src(%dma_wait3A_355 : memref<8192x128xi32, #tpu.memory_space<hbm>>) dst(%dma_wait3A_351 : memref<16x128xi32, #tpu.memory_space<vmem>>)
      %mul3A_356 = arith.constant 16 : i32
      %mul3A_357 = arith.muli %mul3A_307, %mul3A_356 : i32
      %add3A_358 = arith.constant 4096 : i32
      %add3A_359 = arith.addi %add3A_358, %mul3A_357 : i32
      %multiple_of3A_360 = tpu.assume_multiple %add3A_359, 16 : i32
      %dma_wait3A_361 = arith.constant 64 : i32
      %dma_wait3A_362 = arith.constant 0 : i32
      %dma_wait3A_363 = tpu.memref_slice %arg7[%dma_wait3A_361, %dma_wait3A_362] : memref<128x128xi32, #tpu.memory_space<vmem>> -> memref<16x128xi32, #tpu.memory_space<vmem>>
      %dma_wait3A_364 = tpu.memref_slice %arg6[%multiple_of3A_360] : memref<8192xi32, #tpu.memory_space<vmem>> -> memref<16xi32, #tpu.memory_space<vmem>>
      %dma_wait3A_365 = arith.constant 0 : i32
      %dma_wait3A_366 = arith.constant 0 : i32
      %dma_wait3A_367 = tpu.memref_slice %arg3[%dma_wait3A_365, %dma_wait3A_366] : memref<8192x128xi32, #tpu.memory_space<hbm>> -> memref<8192x128xi32, #tpu.memory_space<hbm>>
      tpu.wait_indirect_dma semaphore(%arg12 : memref<!tpu.dma_semaphore, #tpu.memory_space<semaphore_mem>>) src(%dma_wait3A_367 : memref<8192x128xi32, #tpu.memory_space<hbm>>) dst(%dma_wait3A_363 : memref<16x128xi32, #tpu.memory_space<vmem>>)
      %mul3A_368 = arith.constant 16 : i32
      %mul3A_369 = arith.muli %mul3A_307, %mul3A_368 : i32
      %add3A_370 = arith.constant 5120 : i32
      %add3A_371 = arith.addi %add3A_370, %mul3A_369 : i32
      %multiple_of3A_372 = tpu.assume_multiple %add3A_371, 16 : i32
      %dma_wait3A_373 = arith.constant 80 : i32
      %dma_wait3A_374 = arith.constant 0 : i32
      %dma_wait3A_375 = tpu.memref_slice %arg7[%dma_wait3A_373, %dma_wait3A_374] : memref<128x128xi32, #tpu.memory_space<vmem>> -> memref<16x128xi32, #tpu.memory_space<vmem>>
      %dma_wait3A_376 = tpu.memref_slice %arg6[%multiple_of3A_372] : memref<8192xi32, #tpu.memory_space<vmem>> -> memref<16xi32, #tpu.memory_space<vmem>>
      %dma_wait3A_377 = arith.constant 0 : i32
      %dma_wait3A_378 = arith.constant 0 : i32
      %dma_wait3A_379 = tpu.memref_slice %arg3[%dma_wait3A_377, %dma_wait3A_378] : memref<8192x128xi32, #tpu.memory_space<hbm>> -> memref<8192x128xi32, #tpu.memory_space<hbm>>
      tpu.wait_indirect_dma semaphore(%arg12 : memref<!tpu.dma_semaphore, #tpu.memory_space<semaphore_mem>>) src(%dma_wait3A_379 : memref<8192x128xi32, #tpu.memory_space<hbm>>) dst(%dma_wait3A_375 : memref<16x128xi32, #tpu.memory_space<vmem>>)
      %mul3A_380 = arith.constant 16 : i32
      %mul3A_381 = arith.muli %mul3A_307, %mul3A_380 : i32
      %add3A_382 = arith.constant 6144 : i32
      %add3A_383 = arith.addi %add3A_382, %mul3A_381 : i32
      %multiple_of3A_384 = tpu.assume_multiple %add3A_383, 16 : i32
      %dma_wait3A_385 = arith.constant 96 : i32
      %dma_wait3A_386 = arith.constant 0 : i32
      %dma_wait3A_387 = tpu.memref_slice %arg7[%dma_wait3A_385, %dma_wait3A_386] : memref<128x128xi32, #tpu.memory_space<vmem>> -> memref<16x128xi32, #tpu.memory_space<vmem>>
      %dma_wait3A_388 = tpu.memref_slice %arg6[%multiple_of3A_384] : memref<8192xi32, #tpu.memory_space<vmem>> -> memref<16xi32, #tpu.memory_space<vmem>>
      %dma_wait3A_389 = arith.constant 0 : i32
      %dma_wait3A_390 = arith.constant 0 : i32
      %dma_wait3A_391 = tpu.memref_slice %arg3[%dma_wait3A_389, %dma_wait3A_390] : memref<8192x128xi32, #tpu.memory_space<hbm>> -> memref<8192x128xi32, #tpu.memory_space<hbm>>
      tpu.wait_indirect_dma semaphore(%arg12 : memref<!tpu.dma_semaphore, #tpu.memory_space<semaphore_mem>>) src(%dma_wait3A_391 : memref<8192x128xi32, #tpu.memory_space<hbm>>) dst(%dma_wait3A_387 : memref<16x128xi32, #tpu.memory_space<vmem>>)
      %mul3A_392 = arith.constant 16 : i32
      %mul3A_393 = arith.muli %mul3A_307, %mul3A_392 : i32
      %add3A_394 = arith.constant 7168 : i32
      %add3A_395 = arith.addi %add3A_394, %mul3A_393 : i32
      %multiple_of3A_396 = tpu.assume_multiple %add3A_395, 16 : i32
      %dma_wait3A_397 = arith.constant 112 : i32
      %dma_wait3A_398 = arith.constant 0 : i32
      %dma_wait3A_399 = tpu.memref_slice %arg7[%dma_wait3A_397, %dma_wait3A_398] : memref<128x128xi32, #tpu.memory_space<vmem>> -> memref<16x128xi32, #tpu.memory_space<vmem>>
      %dma_wait3A_400 = tpu.memref_slice %arg6[%multiple_of3A_396] : memref<8192xi32, #tpu.memory_space<vmem>> -> memref<16xi32, #tpu.memory_space<vmem>>
      %dma_wait3A_401 = arith.constant 0 : i32
      %dma_wait3A_402 = arith.constant 0 : i32
      %dma_wait3A_403 = tpu.memref_slice %arg3[%dma_wait3A_401, %dma_wait3A_402] : memref<8192x128xi32, #tpu.memory_space<hbm>> -> memref<8192x128xi32, #tpu.memory_space<hbm>>
      tpu.wait_indirect_dma semaphore(%arg12 : memref<!tpu.dma_semaphore, #tpu.memory_space<semaphore_mem>>) src(%dma_wait3A_403 : memref<8192x128xi32, #tpu.memory_space<hbm>>) dst(%dma_wait3A_399 : memref<16x128xi32, #tpu.memory_space<vmem>>)
      %dma_wait3A_404 = arith.constant 0 : i32
      %dma_wait3A_405 = tpu.memref_slice %arg2[%mul3A_2, %dma_wait3A_404] : memref<32768x256xf32, #tpu.memory_space<hbm>> -> memref<16x256xf32, #tpu.memory_space<hbm>>
      %dma_wait3A_406 = arith.constant 0 : i32
      %dma_wait3A_407 = tpu.memref_slice %arg2[%mul3A_2, %dma_wait3A_406] : memref<32768x256xf32, #tpu.memory_space<hbm>> -> memref<16x256xf32, #tpu.memory_space<hbm>>
      tpu.wait_dma2 semaphore(%arg14 : memref<!tpu.dma_semaphore, #tpu.memory_space<semaphore_mem>>) src(%dma_wait3A_407 : memref<16x256xf32, #tpu.memory_space<hbm>>) dst(%arg9 : memref<16x256xf32, #tpu.memory_space<vmem>>)
      %broadcast_in_dim3A = arith.constant 0.000000e+00 : f32
      %broadcast_in_dim3A_408 = vector.broadcast %broadcast_in_dim3A : f32 to vector<16xf32>
      %scan3A_409 = arith.constant 0 : i32
      %scan3A_410 = arith.constant 16 : i32
      %scan3A_411 = arith.addi %scan3A_409, %scan3A_410 : i32
      %scan3A_412 = arith.constant 1 : i32
      %scan3A_413 = scf.for %scan3A_545 = %scan3A_409 to %scan3A_411 step %scan3A_412 iter_args(%scan3A_546 = %broadcast_in_dim3A_408) -> (vector<16xf32>)  : i32 {
        %broadcast_in_dim3A_547 = arith.constant 0.000000e+00 : f32
        %broadcast_in_dim3A_548 = vector.broadcast %broadcast_in_dim3A_547 : f32 to vector<16xf32>
        %add3A_549 = arith.constant 0 : i32
        %add3A_550 = arith.addi %add3A_549, %scan3A_545 : i32
        %get3A = arith.index_cast %add3A_550 : i32 to index
        %get3A_551 = arith.constant 0 : index
        %get3A_552 = tpu.vector_load %arg7[%get3A, %get3A_551] {strides = array<i32>} : memref<128x128xi32, #tpu.memory_space<vmem>>, vector<16xi32>,
        %bitcast3A = vector.bitcast %get3A_552 : vector<16xi32> to vector<32xbf16>
        %add3A_553 = arith.constant 16 : i32
        %add3A_554 = arith.addi %add3A_553, %scan3A_545 : i32
        %get3A_555 = arith.index_cast %add3A_554 : i32 to index
        %get3A_556 = arith.constant 0 : index
        %get3A_557 = tpu.vector_load %arg7[%get3A_555, %get3A_556] {strides = array<i32>} : memref<128x128xi32, #tpu.memory_space<vmem>>, vector<16xi32>,
        %bitcast3A_558 = vector.bitcast %get3A_557 : vector<16xi32> to vector<32xbf16>
        %add3A_559 = arith.constant 32 : i32
        %add3A_560 = arith.addi %add3A_559, %scan3A_545 : i32
        %get3A_561 = arith.index_cast %add3A_560 : i32 to index
        %get3A_562 = arith.constant 0 : index
        %get3A_563 = tpu.vector_load %arg7[%get3A_561, %get3A_562] {strides = array<i32>} : memref<128x128xi32, #tpu.memory_space<vmem>>, vector<16xi32>,
        %bitcast3A_564 = vector.bitcast %get3A_563 : vector<16xi32> to vector<32xbf16>
        %add3A_565 = arith.constant 48 : i32
        %add3A_566 = arith.addi %add3A_565, %scan3A_545 : i32
        %get3A_567 = arith.index_cast %add3A_566 : i32 to index
        %get3A_568 = arith.constant 0 : index
        %get3A_569 = tpu.vector_load %arg7[%get3A_567, %get3A_568] {strides = array<i32>} : memref<128x128xi32, #tpu.memory_space<vmem>>, vector<16xi32>,
        %bitcast3A_570 = vector.bitcast %get3A_569 : vector<16xi32> to vector<32xbf16>
        %add3A_571 = arith.constant 64 : i32
        %add3A_572 = arith.addi %add3A_571, %scan3A_545 : i32
        %get3A_573 = arith.index_cast %add3A_572 : i32 to index
        %get3A_574 = arith.constant 0 : index
        %get3A_575 = tpu.vector_load %arg7[%get3A_573, %get3A_574] {strides = array<i32>} : memref<128x128xi32, #tpu.memory_space<vmem>>, vector<16xi32>,
        %bitcast3A_576 = vector.bitcast %get3A_575 : vector<16xi32> to vector<32xbf16>
        %add3A_577 = arith.constant 80 : i32
        %add3A_578 = arith.addi %add3A_577, %scan3A_545 : i32
        %get3A_579 = arith.index_cast %add3A_578 : i32 to index
        %get3A_580 = arith.constant 0 : index
        %get3A_581 = tpu.vector_load %arg7[%get3A_579, %get3A_580] {strides = array<i32>} : memref<128x128xi32, #tpu.memory_space<vmem>>, vector<16xi32>,
        %bitcast3A_582 = vector.bitcast %get3A_581 : vector<16xi32> to vector<32xbf16>
        %add3A_583 = arith.constant 96 : i32
        %add3A_584 = arith.addi %add3A_583, %scan3A_545 : i32
        %get3A_585 = arith.index_cast %add3A_584 : i32 to index
        %get3A_586 = arith.constant 0 : index
        %get3A_587 = tpu.vector_load %arg7[%get3A_585, %get3A_586] {strides = array<i32>} : memref<128x128xi32, #tpu.memory_space<vmem>>, vector<16xi32>,
        %bitcast3A_588 = vector.bitcast %get3A_587 : vector<16xi32> to vector<32xbf16>
        %add3A_589 = arith.constant 112 : i32
        %add3A_590 = arith.addi %add3A_589, %scan3A_545 : i32
        %get3A_591 = arith.index_cast %add3A_590 : i32 to index
        %get3A_592 = arith.constant 0 : index
        %get3A_593 = tpu.vector_load %arg7[%get3A_591, %get3A_592] {strides = array<i32>} : memref<128x128xi32, #tpu.memory_space<vmem>>, vector<16xi32>,
        %bitcast3A_594 = vector.bitcast %get3A_593 : vector<16xi32> to vector<32xbf16>
        %add3A_595 = arith.addf %bitcast3A, %bitcast3A_558 : vector<32xbf16>
        %add3A_596 = arith.addf %bitcast3A_564, %bitcast3A_570 : vector<32xbf16>
        %add3A_597 = arith.addf %bitcast3A_576, %bitcast3A_582 : vector<32xbf16>
        %add3A_598 = arith.addf %bitcast3A_588, %bitcast3A_594 : vector<32xbf16>
        %add3A_599 = arith.addf %add3A_595, %add3A_596 : vector<32xbf16>
        %add3A_600 = arith.addf %add3A_597, %add3A_598 : vector<32xbf16>
        %add3A_601 = arith.addf %add3A_599, %add3A_600 : vector<32xbf16>
        %bitcast3A_602 = vector.bitcast %add3A_601 : vector<32xbf16> to vector<16xi32>
        %shift_left3A = arith.constant 16 : i32
        %shift_left3A_603 = vector.broadcast %shift_left3A : i32 to vector<16xi32>
        %shift_left3A_604 = arith.shli %bitcast3A_602, %shift_left3A_603 : vector<16xi32>
        %bitcast3A_605 = vector.bitcast %shift_left3A_604 : vector<16xi32> to vector<16xf32>
        %and3A = arith.constant -65536 : i32
        %and3A_606 = vector.broadcast %and3A : i32 to vector<16xi32>
        %and3A_607 = arith.andi %bitcast3A_602, %and3A_606 : vector<16xi32>
        %bitcast3A_608 = vector.bitcast %and3A_607 : vector<16xi32> to vector<16xf32>
        %get3A_609 = arith.index_cast %scan3A_545 : i32 to index
        %get3A_610 = arith.constant 0 : index
        %get3A_611 = tpu.vector_load %arg9[%get3A_609, %get3A_610] {strides = array<i32>} : memref<16x256xf32, #tpu.memory_space<vmem>>, vector<16xf32>,
        %sub3A = arith.subf %get3A_611, %bitcast3A_605 : vector<16xf32>
        %get3A_612 = arith.index_cast %scan3A_545 : i32 to index
        %get3A_613 = arith.constant 128 : index
        %get3A_614 = tpu.vector_load %arg9[%get3A_612, %get3A_613] {strides = array<i32>} : memref<16x256xf32, #tpu.memory_space<vmem>>, vector<16xf32>,
        %sub3A_615 = arith.subf %get3A_614, %bitcast3A_608 : vector<16xf32>
        %mul3A_616 = arith.mulf %sub3A, %sub3A : vector<16xf32>
        %add3A_617 = arith.addf %broadcast_in_dim3A_548, %mul3A_616 : vector<16xf32>
        %mul3A_618 = arith.mulf %sub3A_615, %sub3A_615 : vector<16xf32>
        %add3A_619 = arith.addf %add3A_617, %mul3A_618 : vector<16xf32>
        %add3A_620 = arith.constant 0 : i32
        %add3A_621 = arith.addi %add3A_620, %scan3A_545 : i32
        %get3A_622 = arith.index_cast %add3A_621 : i32 to index
        %get3A_623 = arith.constant 16 : index
        %get3A_624 = tpu.vector_load %arg7[%get3A_622, %get3A_623] {strides = array<i32>} : memref<128x128xi32, #tpu.memory_space<vmem>>, vector<16xi32>,
        %bitcast3A_625 = vector.bitcast %get3A_624 : vector<16xi32> to vector<32xbf16>
        %add3A_626 = arith.constant 16 : i32
        %add3A_627 = arith.addi %add3A_626, %scan3A_545 : i32
        %get3A_628 = arith.index_cast %add3A_627 : i32 to index
        %get3A_629 = arith.constant 16 : index
        %get3A_630 = tpu.vector_load %arg7[%get3A_628, %get3A_629] {strides = array<i32>} : memref<128x128xi32, #tpu.memory_space<vmem>>, vector<16xi32>,
        %bitcast3A_631 = vector.bitcast %get3A_630 : vector<16xi32> to vector<32xbf16>
        %add3A_632 = arith.constant 32 : i32
        %add3A_633 = arith.addi %add3A_632, %scan3A_545 : i32
        %get3A_634 = arith.index_cast %add3A_633 : i32 to index
        %get3A_635 = arith.constant 16 : index
        %get3A_636 = tpu.vector_load %arg7[%get3A_634, %get3A_635] {strides = array<i32>} : memref<128x128xi32, #tpu.memory_space<vmem>>, vector<16xi32>,
        %bitcast3A_637 = vector.bitcast %get3A_636 : vector<16xi32> to vector<32xbf16>
        %add3A_638 = arith.constant 48 : i32
        %add3A_639 = arith.addi %add3A_638, %scan3A_545 : i32
        %get3A_640 = arith.index_cast %add3A_639 : i32 to index
        %get3A_641 = arith.constant 16 : index
        %get3A_642 = tpu.vector_load %arg7[%get3A_640, %get3A_641] {strides = array<i32>} : memref<128x128xi32, #tpu.memory_space<vmem>>, vector<16xi32>,
        %bitcast3A_643 = vector.bitcast %get3A_642 : vector<16xi32> to vector<32xbf16>
        %add3A_644 = arith.constant 64 : i32
        %add3A_645 = arith.addi %add3A_644, %scan3A_545 : i32
        %get3A_646 = arith.index_cast %add3A_645 : i32 to index
        %get3A_647 = arith.constant 16 : index
        %get3A_648 = tpu.vector_load %arg7[%get3A_646, %get3A_647] {strides = array<i32>} : memref<128x128xi32, #tpu.memory_space<vmem>>, vector<16xi32>,
        %bitcast3A_649 = vector.bitcast %get3A_648 : vector<16xi32> to vector<32xbf16>
        %add3A_650 = arith.constant 80 : i32
        %add3A_651 = arith.addi %add3A_650, %scan3A_545 : i32
        %get3A_652 = arith.index_cast %add3A_651 : i32 to index
        %get3A_653 = arith.constant 16 : index
        %get3A_654 = tpu.vector_load %arg7[%get3A_652, %get3A_653] {strides = array<i32>} : memref<128x128xi32, #tpu.memory_space<vmem>>, vector<16xi32>,
        %bitcast3A_655 = vector.bitcast %get3A_654 : vector<16xi32> to vector<32xbf16>
        %add3A_656 = arith.constant 96 : i32
        %add3A_657 = arith.addi %add3A_656, %scan3A_545 : i32
        %get3A_658 = arith.index_cast %add3A_657 : i32 to index
        %get3A_659 = arith.constant 16 : index
        %get3A_660 = tpu.vector_load %arg7[%get3A_658, %get3A_659] {strides = array<i32>} : memref<128x128xi32, #tpu.memory_space<vmem>>, vector<16xi32>,
        %bitcast3A_661 = vector.bitcast %get3A_660 : vector<16xi32> to vector<32xbf16>
        %add3A_662 = arith.constant 112 : i32
        %add3A_663 = arith.addi %add3A_662, %scan3A_545 : i32
        %get3A_664 = arith.index_cast %add3A_663 : i32 to index
        %get3A_665 = arith.constant 16 : index
        %get3A_666 = tpu.vector_load %arg7[%get3A_664, %get3A_665] {strides = array<i32>} : memref<128x128xi32, #tpu.memory_space<vmem>>, vector<16xi32>,
        %bitcast3A_667 = vector.bitcast %get3A_666 : vector<16xi32> to vector<32xbf16>
        %add3A_668 = arith.addf %bitcast3A_625, %bitcast3A_631 : vector<32xbf16>
        %add3A_669 = arith.addf %bitcast3A_637, %bitcast3A_643 : vector<32xbf16>
        %add3A_670 = arith.addf %bitcast3A_649, %bitcast3A_655 : vector<32xbf16>
        %add3A_671 = arith.addf %bitcast3A_661, %bitcast3A_667 : vector<32xbf16>
        %add3A_672 = arith.addf %add3A_668, %add3A_669 : vector<32xbf16>
        %add3A_673 = arith.addf %add3A_670, %add3A_671 : vector<32xbf16>
        %add3A_674 = arith.addf %add3A_672, %add3A_673 : vector<32xbf16>
        %bitcast3A_675 = vector.bitcast %add3A_674 : vector<32xbf16> to vector<16xi32>
        %shift_left3A_676 = arith.constant 16 : i32
        %shift_left3A_677 = vector.broadcast %shift_left3A_676 : i32 to vector<16xi32>
        %shift_left3A_678 = arith.shli %bitcast3A_675, %shift_left3A_677 : vector<16xi32>
        %bitcast3A_679 = vector.bitcast %shift_left3A_678 : vector<16xi32> to vector<16xf32>
        %and3A_680 = arith.constant -65536 : i32
        %and3A_681 = vector.broadcast %and3A_680 : i32 to vector<16xi32>
        %and3A_682 = arith.andi %bitcast3A_675, %and3A_681 : vector<16xi32>
        %bitcast3A_683 = vector.bitcast %and3A_682 : vector<16xi32> to vector<16xf32>
        %get3A_684 = arith.index_cast %scan3A_545 : i32 to index
        %get3A_685 = arith.constant 16 : index
        %get3A_686 = tpu.vector_load %arg9[%get3A_684, %get3A_685] {strides = array<i32>} : memref<16x256xf32, #tpu.memory_space<vmem>>, vector<16xf32>,
        %sub3A_687 = arith.subf %get3A_686, %bitcast3A_679 : vector<16xf32>
        %get3A_688 = arith.index_cast %scan3A_545 : i32 to index
        %get3A_689 = arith.constant 144 : index
        %get3A_690 = tpu.vector_load %arg9[%get3A_688, %get3A_689] {strides = array<i32>} : memref<16x256xf32, #tpu.memory_space<vmem>>, vector<16xf32>,
        %sub3A_691 = arith.subf %get3A_690, %bitcast3A_683 : vector<16xf32>
        %mul3A_692 = arith.mulf %sub3A_687, %sub3A_687 : vector<16xf32>
        %add3A_693 = arith.addf %add3A_619, %mul3A_692 : vector<16xf32>
        %mul3A_694 = arith.mulf %sub3A_691, %sub3A_691 : vector<16xf32>
        %add3A_695 = arith.addf %add3A_693, %mul3A_694 : vector<16xf32>
        %add3A_696 = arith.constant 0 : i32
        %add3A_697 = arith.addi %add3A_696, %scan3A_545 : i32
        %get3A_698 = arith.index_cast %add3A_697 : i32 to index
        %get3A_699 = arith.constant 32 : index
        %get3A_700 = tpu.vector_load %arg7[%get3A_698, %get3A_699] {strides = array<i32>} : memref<128x128xi32, #tpu.memory_space<vmem>>, vector<16xi32>,
        %bitcast3A_701 = vector.bitcast %get3A_700 : vector<16xi32> to vector<32xbf16>
        %add3A_702 = arith.constant 16 : i32
        %add3A_703 = arith.addi %add3A_702, %scan3A_545 : i32
        %get3A_704 = arith.index_cast %add3A_703 : i32 to index
        %get3A_705 = arith.constant 32 : index
        %get3A_706 = tpu.vector_load %arg7[%get3A_704, %get3A_705] {strides = array<i32>} : memref<128x128xi32, #tpu.memory_space<vmem>>, vector<16xi32>,
        %bitcast3A_707 = vector.bitcast %get3A_706 : vector<16xi32> to vector<32xbf16>
        %add3A_708 = arith.constant 32 : i32
        %add3A_709 = arith.addi %add3A_708, %scan3A_545 : i32
        %get3A_710 = arith.index_cast %add3A_709 : i32 to index
        %get3A_711 = arith.constant 32 : index
        %get3A_712 = tpu.vector_load %arg7[%get3A_710, %get3A_711] {strides = array<i32>} : memref<128x128xi32, #tpu.memory_space<vmem>>, vector<16xi32>,
        %bitcast3A_713 = vector.bitcast %get3A_712 : vector<16xi32> to vector<32xbf16>
        %add3A_714 = arith.constant 48 : i32
        %add3A_715 = arith.addi %add3A_714, %scan3A_545 : i32
        %get3A_716 = arith.index_cast %add3A_715 : i32 to index
        %get3A_717 = arith.constant 32 : index
        %get3A_718 = tpu.vector_load %arg7[%get3A_716, %get3A_717] {strides = array<i32>} : memref<128x128xi32, #tpu.memory_space<vmem>>, vector<16xi32>,
        %bitcast3A_719 = vector.bitcast %get3A_718 : vector<16xi32> to vector<32xbf16>
        %add3A_720 = arith.constant 64 : i32
        %add3A_721 = arith.addi %add3A_720, %scan3A_545 : i32
        %get3A_722 = arith.index_cast %add3A_721 : i32 to index
        %get3A_723 = arith.constant 32 : index
        %get3A_724 = tpu.vector_load %arg7[%get3A_722, %get3A_723] {strides = array<i32>} : memref<128x128xi32, #tpu.memory_space<vmem>>, vector<16xi32>,
        %bitcast3A_725 = vector.bitcast %get3A_724 : vector<16xi32> to vector<32xbf16>
        %add3A_726 = arith.constant 80 : i32
        %add3A_727 = arith.addi %add3A_726, %scan3A_545 : i32
        %get3A_728 = arith.index_cast %add3A_727 : i32 to index
        %get3A_729 = arith.constant 32 : index
        %get3A_730 = tpu.vector_load %arg7[%get3A_728, %get3A_729] {strides = array<i32>} : memref<128x128xi32, #tpu.memory_space<vmem>>, vector<16xi32>,
        %bitcast3A_731 = vector.bitcast %get3A_730 : vector<16xi32> to vector<32xbf16>
        %add3A_732 = arith.constant 96 : i32
        %add3A_733 = arith.addi %add3A_732, %scan3A_545 : i32
        %get3A_734 = arith.index_cast %add3A_733 : i32 to index
        %get3A_735 = arith.constant 32 : index
        %get3A_736 = tpu.vector_load %arg7[%get3A_734, %get3A_735] {strides = array<i32>} : memref<128x128xi32, #tpu.memory_space<vmem>>, vector<16xi32>,
        %bitcast3A_737 = vector.bitcast %get3A_736 : vector<16xi32> to vector<32xbf16>
        %add3A_738 = arith.constant 112 : i32
        %add3A_739 = arith.addi %add3A_738, %scan3A_545 : i32
        %get3A_740 = arith.index_cast %add3A_739 : i32 to index
        %get3A_741 = arith.constant 32 : index
        %get3A_742 = tpu.vector_load %arg7[%get3A_740, %get3A_741] {strides = array<i32>} : memref<128x128xi32, #tpu.memory_space<vmem>>, vector<16xi32>,
        %bitcast3A_743 = vector.bitcast %get3A_742 : vector<16xi32> to vector<32xbf16>
        %add3A_744 = arith.addf %bitcast3A_701, %bitcast3A_707 : vector<32xbf16>
        %add3A_745 = arith.addf %bitcast3A_713, %bitcast3A_719 : vector<32xbf16>
        %add3A_746 = arith.addf %bitcast3A_725, %bitcast3A_731 : vector<32xbf16>
        %add3A_747 = arith.addf %bitcast3A_737, %bitcast3A_743 : vector<32xbf16>
        %add3A_748 = arith.addf %add3A_744, %add3A_745 : vector<32xbf16>
        %add3A_749 = arith.addf %add3A_746, %add3A_747 : vector<32xbf16>
        %add3A_750 = arith.addf %add3A_748, %add3A_749 : vector<32xbf16>
        %bitcast3A_751 = vector.bitcast %add3A_750 : vector<32xbf16> to vector<16xi32>
        %shift_left3A_752 = arith.constant 16 : i32
        %shift_left3A_753 = vector.broadcast %shift_left3A_752 : i32 to vector<16xi32>
        %shift_left3A_754 = arith.shli %bitcast3A_751, %shift_left3A_753 : vector<16xi32>
        %bitcast3A_755 = vector.bitcast %shift_left3A_754 : vector<16xi32> to vector<16xf32>
        %and3A_756 = arith.constant -65536 : i32
        %and3A_757 = vector.broadcast %and3A_756 : i32 to vector<16xi32>
        %and3A_758 = arith.andi %bitcast3A_751, %and3A_757 : vector<16xi32>
        %bitcast3A_759 = vector.bitcast %and3A_758 : vector<16xi32> to vector<16xf32>
        %get3A_760 = arith.index_cast %scan3A_545 : i32 to index
        %get3A_761 = arith.constant 32 : index
        %get3A_762 = tpu.vector_load %arg9[%get3A_760, %get3A_761] {strides = array<i32>} : memref<16x256xf32, #tpu.memory_space<vmem>>, vector<16xf32>,
        %sub3A_763 = arith.subf %get3A_762, %bitcast3A_755 : vector<16xf32>
        %get3A_764 = arith.index_cast %scan3A_545 : i32 to index
        %get3A_765 = arith.constant 160 : index
        %get3A_766 = tpu.vector_load %arg9[%get3A_764, %get3A_765] {strides = array<i32>} : memref<16x256xf32, #tpu.memory_space<vmem>>, vector<16xf32>,
        %sub3A_767 = arith.subf %get3A_766, %bitcast3A_759 : vector<16xf32>
        %mul3A_768 = arith.mulf %sub3A_763, %sub3A_763 : vector<16xf32>
        %add3A_769 = arith.addf %add3A_695, %mul3A_768 : vector<16xf32>
        %mul3A_770 = arith.mulf %sub3A_767, %sub3A_767 : vector<16xf32>
        %add3A_771 = arith.addf %add3A_769, %mul3A_770 : vector<16xf32>
        %add3A_772 = arith.constant 0 : i32
        %add3A_773 = arith.addi %add3A_772, %scan3A_545 : i32
        %get3A_774 = arith.index_cast %add3A_773 : i32 to index
        %get3A_775 = arith.constant 48 : index
        %get3A_776 = tpu.vector_load %arg7[%get3A_774, %get3A_775] {strides = array<i32>} : memref<128x128xi32, #tpu.memory_space<vmem>>, vector<16xi32>,
        %bitcast3A_777 = vector.bitcast %get3A_776 : vector<16xi32> to vector<32xbf16>
        %add3A_778 = arith.constant 16 : i32
        %add3A_779 = arith.addi %add3A_778, %scan3A_545 : i32
        %get3A_780 = arith.index_cast %add3A_779 : i32 to index
        %get3A_781 = arith.constant 48 : index
        %get3A_782 = tpu.vector_load %arg7[%get3A_780, %get3A_781] {strides = array<i32>} : memref<128x128xi32, #tpu.memory_space<vmem>>, vector<16xi32>,
        %bitcast3A_783 = vector.bitcast %get3A_782 : vector<16xi32> to vector<32xbf16>
        %add3A_784 = arith.constant 32 : i32
        %add3A_785 = arith.addi %add3A_784, %scan3A_545 : i32
        %get3A_786 = arith.index_cast %add3A_785 : i32 to index
        %get3A_787 = arith.constant 48 : index
        %get3A_788 = tpu.vector_load %arg7[%get3A_786, %get3A_787] {strides = array<i32>} : memref<128x128xi32, #tpu.memory_space<vmem>>, vector<16xi32>,
        %bitcast3A_789 = vector.bitcast %get3A_788 : vector<16xi32> to vector<32xbf16>
        %add3A_790 = arith.constant 48 : i32
        %add3A_791 = arith.addi %add3A_790, %scan3A_545 : i32
        %get3A_792 = arith.index_cast %add3A_791 : i32 to index
        %get3A_793 = arith.constant 48 : index
        %get3A_794 = tpu.vector_load %arg7[%get3A_792, %get3A_793] {strides = array<i32>} : memref<128x128xi32, #tpu.memory_space<vmem>>, vector<16xi32>,
        %bitcast3A_795 = vector.bitcast %get3A_794 : vector<16xi32> to vector<32xbf16>
        %add3A_796 = arith.constant 64 : i32
        %add3A_797 = arith.addi %add3A_796, %scan3A_545 : i32
        %get3A_798 = arith.index_cast %add3A_797 : i32 to index
        %get3A_799 = arith.constant 48 : index
        %get3A_800 = tpu.vector_load %arg7[%get3A_798, %get3A_799] {strides = array<i32>} : memref<128x128xi32, #tpu.memory_space<vmem>>, vector<16xi32>,
        %bitcast3A_801 = vector.bitcast %get3A_800 : vector<16xi32> to vector<32xbf16>
        %add3A_802 = arith.constant 80 : i32
        %add3A_803 = arith.addi %add3A_802, %scan3A_545 : i32
        %get3A_804 = arith.index_cast %add3A_803 : i32 to index
        %get3A_805 = arith.constant 48 : index
        %get3A_806 = tpu.vector_load %arg7[%get3A_804, %get3A_805] {strides = array<i32>} : memref<128x128xi32, #tpu.memory_space<vmem>>, vector<16xi32>,
        %bitcast3A_807 = vector.bitcast %get3A_806 : vector<16xi32> to vector<32xbf16>
        %add3A_808 = arith.constant 96 : i32
        %add3A_809 = arith.addi %add3A_808, %scan3A_545 : i32
        %get3A_810 = arith.index_cast %add3A_809 : i32 to index
        %get3A_811 = arith.constant 48 : index
        %get3A_812 = tpu.vector_load %arg7[%get3A_810, %get3A_811] {strides = array<i32>} : memref<128x128xi32, #tpu.memory_space<vmem>>, vector<16xi32>,
        %bitcast3A_813 = vector.bitcast %get3A_812 : vector<16xi32> to vector<32xbf16>
        %add3A_814 = arith.constant 112 : i32
        %add3A_815 = arith.addi %add3A_814, %scan3A_545 : i32
        %get3A_816 = arith.index_cast %add3A_815 : i32 to index
        %get3A_817 = arith.constant 48 : index
        %get3A_818 = tpu.vector_load %arg7[%get3A_816, %get3A_817] {strides = array<i32>} : memref<128x128xi32, #tpu.memory_space<vmem>>, vector<16xi32>,
        %bitcast3A_819 = vector.bitcast %get3A_818 : vector<16xi32> to vector<32xbf16>
        %add3A_820 = arith.addf %bitcast3A_777, %bitcast3A_783 : vector<32xbf16>
        %add3A_821 = arith.addf %bitcast3A_789, %bitcast3A_795 : vector<32xbf16>
        %add3A_822 = arith.addf %bitcast3A_801, %bitcast3A_807 : vector<32xbf16>
        %add3A_823 = arith.addf %bitcast3A_813, %bitcast3A_819 : vector<32xbf16>
        %add3A_824 = arith.addf %add3A_820, %add3A_821 : vector<32xbf16>
        %add3A_825 = arith.addf %add3A_822, %add3A_823 : vector<32xbf16>
        %add3A_826 = arith.addf %add3A_824, %add3A_825 : vector<32xbf16>
        %bitcast3A_827 = vector.bitcast %add3A_826 : vector<32xbf16> to vector<16xi32>
        %shift_left3A_828 = arith.constant 16 : i32
        %shift_left3A_829 = vector.broadcast %shift_left3A_828 : i32 to vector<16xi32>
        %shift_left3A_830 = arith.shli %bitcast3A_827, %shift_left3A_829 : vector<16xi32>
        %bitcast3A_831 = vector.bitcast %shift_left3A_830 : vector<16xi32> to vector<16xf32>
        %and3A_832 = arith.constant -65536 : i32
        %and3A_833 = vector.broadcast %and3A_832 : i32 to vector<16xi32>
        %and3A_834 = arith.andi %bitcast3A_827, %and3A_833 : vector<16xi32>
        %bitcast3A_835 = vector.bitcast %and3A_834 : vector<16xi32> to vector<16xf32>
        %get3A_836 = arith.index_cast %scan3A_545 : i32 to index
        %get3A_837 = arith.constant 48 : index
        %get3A_838 = tpu.vector_load %arg9[%get3A_836, %get3A_837] {strides = array<i32>} : memref<16x256xf32, #tpu.memory_space<vmem>>, vector<16xf32>,
        %sub3A_839 = arith.subf %get3A_838, %bitcast3A_831 : vector<16xf32>
        %get3A_840 = arith.index_cast %scan3A_545 : i32 to index
        %get3A_841 = arith.constant 176 : index
        %get3A_842 = tpu.vector_load %arg9[%get3A_840, %get3A_841] {strides = array<i32>} : memref<16x256xf32, #tpu.memory_space<vmem>>, vector<16xf32>,
        %sub3A_843 = arith.subf %get3A_842, %bitcast3A_835 : vector<16xf32>
        %mul3A_844 = arith.mulf %sub3A_839, %sub3A_839 : vector<16xf32>
        %add3A_845 = arith.addf %add3A_771, %mul3A_844 : vector<16xf32>
        %mul3A_846 = arith.mulf %sub3A_843, %sub3A_843 : vector<16xf32>
        %add3A_847 = arith.addf %add3A_845, %mul3A_846 : vector<16xf32>
        %add3A_848 = arith.constant 0 : i32
        %add3A_849 = arith.addi %add3A_848, %scan3A_545 : i32
        %get3A_850 = arith.index_cast %add3A_849 : i32 to index
        %get3A_851 = arith.constant 64 : index
        %get3A_852 = tpu.vector_load %arg7[%get3A_850, %get3A_851] {strides = array<i32>} : memref<128x128xi32, #tpu.memory_space<vmem>>, vector<16xi32>,
        %bitcast3A_853 = vector.bitcast %get3A_852 : vector<16xi32> to vector<32xbf16>
        %add3A_854 = arith.constant 16 : i32
        %add3A_855 = arith.addi %add3A_854, %scan3A_545 : i32
        %get3A_856 = arith.index_cast %add3A_855 : i32 to index
        %get3A_857 = arith.constant 64 : index
        %get3A_858 = tpu.vector_load %arg7[%get3A_856, %get3A_857] {strides = array<i32>} : memref<128x128xi32, #tpu.memory_space<vmem>>, vector<16xi32>,
        %bitcast3A_859 = vector.bitcast %get3A_858 : vector<16xi32> to vector<32xbf16>
        %add3A_860 = arith.constant 32 : i32
        %add3A_861 = arith.addi %add3A_860, %scan3A_545 : i32
        %get3A_862 = arith.index_cast %add3A_861 : i32 to index
        %get3A_863 = arith.constant 64 : index
        %get3A_864 = tpu.vector_load %arg7[%get3A_862, %get3A_863] {strides = array<i32>} : memref<128x128xi32, #tpu.memory_space<vmem>>, vector<16xi32>,
        %bitcast3A_865 = vector.bitcast %get3A_864 : vector<16xi32> to vector<32xbf16>
        %add3A_866 = arith.constant 48 : i32
        %add3A_867 = arith.addi %add3A_866, %scan3A_545 : i32
        %get3A_868 = arith.index_cast %add3A_867 : i32 to index
        %get3A_869 = arith.constant 64 : index
        %get3A_870 = tpu.vector_load %arg7[%get3A_868, %get3A_869] {strides = array<i32>} : memref<128x128xi32, #tpu.memory_space<vmem>>, vector<16xi32>,
        %bitcast3A_871 = vector.bitcast %get3A_870 : vector<16xi32> to vector<32xbf16>
        %add3A_872 = arith.constant 64 : i32
        %add3A_873 = arith.addi %add3A_872, %scan3A_545 : i32
        %get3A_874 = arith.index_cast %add3A_873 : i32 to index
        %get3A_875 = arith.constant 64 : index
        %get3A_876 = tpu.vector_load %arg7[%get3A_874, %get3A_875] {strides = array<i32>} : memref<128x128xi32, #tpu.memory_space<vmem>>, vector<16xi32>,
        %bitcast3A_877 = vector.bitcast %get3A_876 : vector<16xi32> to vector<32xbf16>
        %add3A_878 = arith.constant 80 : i32
        %add3A_879 = arith.addi %add3A_878, %scan3A_545 : i32
        %get3A_880 = arith.index_cast %add3A_879 : i32 to index
        %get3A_881 = arith.constant 64 : index
        %get3A_882 = tpu.vector_load %arg7[%get3A_880, %get3A_881] {strides = array<i32>} : memref<128x128xi32, #tpu.memory_space<vmem>>, vector<16xi32>,
        %bitcast3A_883 = vector.bitcast %get3A_882 : vector<16xi32> to vector<32xbf16>
        %add3A_884 = arith.constant 96 : i32
        %add3A_885 = arith.addi %add3A_884, %scan3A_545 : i32
        %get3A_886 = arith.index_cast %add3A_885 : i32 to index
        %get3A_887 = arith.constant 64 : index
        %get3A_888 = tpu.vector_load %arg7[%get3A_886, %get3A_887] {strides = array<i32>} : memref<128x128xi32, #tpu.memory_space<vmem>>, vector<16xi32>,
        %bitcast3A_889 = vector.bitcast %get3A_888 : vector<16xi32> to vector<32xbf16>
        %add3A_890 = arith.constant 112 : i32
        %add3A_891 = arith.addi %add3A_890, %scan3A_545 : i32
        %get3A_892 = arith.index_cast %add3A_891 : i32 to index
        %get3A_893 = arith.constant 64 : index
        %get3A_894 = tpu.vector_load %arg7[%get3A_892, %get3A_893] {strides = array<i32>} : memref<128x128xi32, #tpu.memory_space<vmem>>, vector<16xi32>,
        %bitcast3A_895 = vector.bitcast %get3A_894 : vector<16xi32> to vector<32xbf16>
        %add3A_896 = arith.addf %bitcast3A_853, %bitcast3A_859 : vector<32xbf16>
        %add3A_897 = arith.addf %bitcast3A_865, %bitcast3A_871 : vector<32xbf16>
        %add3A_898 = arith.addf %bitcast3A_877, %bitcast3A_883 : vector<32xbf16>
        %add3A_899 = arith.addf %bitcast3A_889, %bitcast3A_895 : vector<32xbf16>
        %add3A_900 = arith.addf %add3A_896, %add3A_897 : vector<32xbf16>
        %add3A_901 = arith.addf %add3A_898, %add3A_899 : vector<32xbf16>
        %add3A_902 = arith.addf %add3A_900, %add3A_901 : vector<32xbf16>
        %bitcast3A_903 = vector.bitcast %add3A_902 : vector<32xbf16> to vector<16xi32>
        %shift_left3A_904 = arith.constant 16 : i32
        %shift_left3A_905 = vector.broadcast %shift_left3A_904 : i32 to vector<16xi32>
        %shift_left3A_906 = arith.shli %bitcast3A_903, %shift_left3A_905 : vector<16xi32>
        %bitcast3A_907 = vector.bitcast %shift_left3A_906 : vector<16xi32> to vector<16xf32>
        %and3A_908 = arith.constant -65536 : i32
        %and3A_909 = vector.broadcast %and3A_908 : i32 to vector<16xi32>
        %and3A_910 = arith.andi %bitcast3A_903, %and3A_909 : vector<16xi32>
        %bitcast3A_911 = vector.bitcast %and3A_910 : vector<16xi32> to vector<16xf32>
        %get3A_912 = arith.index_cast %scan3A_545 : i32 to index
        %get3A_913 = arith.constant 64 : index
        %get3A_914 = tpu.vector_load %arg9[%get3A_912, %get3A_913] {strides = array<i32>} : memref<16x256xf32, #tpu.memory_space<vmem>>, vector<16xf32>,
        %sub3A_915 = arith.subf %get3A_914, %bitcast3A_907 : vector<16xf32>
        %get3A_916 = arith.index_cast %scan3A_545 : i32 to index
        %get3A_917 = arith.constant 192 : index
        %get3A_918 = tpu.vector_load %arg9[%get3A_916, %get3A_917] {strides = array<i32>} : memref<16x256xf32, #tpu.memory_space<vmem>>, vector<16xf32>,
        %sub3A_919 = arith.subf %get3A_918, %bitcast3A_911 : vector<16xf32>
        %mul3A_920 = arith.mulf %sub3A_915, %sub3A_915 : vector<16xf32>
        %add3A_921 = arith.addf %add3A_847, %mul3A_920 : vector<16xf32>
        %mul3A_922 = arith.mulf %sub3A_919, %sub3A_919 : vector<16xf32>
        %add3A_923 = arith.addf %add3A_921, %mul3A_922 : vector<16xf32>
        %add3A_924 = arith.constant 0 : i32
        %add3A_925 = arith.addi %add3A_924, %scan3A_545 : i32
        %get3A_926 = arith.index_cast %add3A_925 : i32 to index
        %get3A_927 = arith.constant 80 : index
        %get3A_928 = tpu.vector_load %arg7[%get3A_926, %get3A_927] {strides = array<i32>} : memref<128x128xi32, #tpu.memory_space<vmem>>, vector<16xi32>,
        %bitcast3A_929 = vector.bitcast %get3A_928 : vector<16xi32> to vector<32xbf16>
        %add3A_930 = arith.constant 16 : i32
        %add3A_931 = arith.addi %add3A_930, %scan3A_545 : i32
        %get3A_932 = arith.index_cast %add3A_931 : i32 to index
        %get3A_933 = arith.constant 80 : index
        %get3A_934 = tpu.vector_load %arg7[%get3A_932, %get3A_933] {strides = array<i32>} : memref<128x128xi32, #tpu.memory_space<vmem>>, vector<16xi32>,
        %bitcast3A_935 = vector.bitcast %get3A_934 : vector<16xi32> to vector<32xbf16>
        %add3A_936 = arith.constant 32 : i32
        %add3A_937 = arith.addi %add3A_936, %scan3A_545 : i32
        %get3A_938 = arith.index_cast %add3A_937 : i32 to index
        %get3A_939 = arith.constant 80 : index
        %get3A_940 = tpu.vector_load %arg7[%get3A_938, %get3A_939] {strides = array<i32>} : memref<128x128xi32, #tpu.memory_space<vmem>>, vector<16xi32>,
        %bitcast3A_941 = vector.bitcast %get3A_940 : vector<16xi32> to vector<32xbf16>
        %add3A_942 = arith.constant 48 : i32
        %add3A_943 = arith.addi %add3A_942, %scan3A_545 : i32
        %get3A_944 = arith.index_cast %add3A_943 : i32 to index
        %get3A_945 = arith.constant 80 : index
        %get3A_946 = tpu.vector_load %arg7[%get3A_944, %get3A_945] {strides = array<i32>} : memref<128x128xi32, #tpu.memory_space<vmem>>, vector<16xi32>,
        %bitcast3A_947 = vector.bitcast %get3A_946 : vector<16xi32> to vector<32xbf16>
        %add3A_948 = arith.constant 64 : i32
        %add3A_949 = arith.addi %add3A_948, %scan3A_545 : i32
        %get3A_950 = arith.index_cast %add3A_949 : i32 to index
        %get3A_951 = arith.constant 80 : index
        %get3A_952 = tpu.vector_load %arg7[%get3A_950, %get3A_951] {strides = array<i32>} : memref<128x128xi32, #tpu.memory_space<vmem>>, vector<16xi32>,
        %bitcast3A_953 = vector.bitcast %get3A_952 : vector<16xi32> to vector<32xbf16>
        %add3A_954 = arith.constant 80 : i32
        %add3A_955 = arith.addi %add3A_954, %scan3A_545 : i32
        %get3A_956 = arith.index_cast %add3A_955 : i32 to index
        %get3A_957 = arith.constant 80 : index
        %get3A_958 = tpu.vector_load %arg7[%get3A_956, %get3A_957] {strides = array<i32>} : memref<128x128xi32, #tpu.memory_space<vmem>>, vector<16xi32>,
        %bitcast3A_959 = vector.bitcast %get3A_958 : vector<16xi32> to vector<32xbf16>
        %add3A_960 = arith.constant 96 : i32
        %add3A_961 = arith.addi %add3A_960, %scan3A_545 : i32
        %get3A_962 = arith.index_cast %add3A_961 : i32 to index
        %get3A_963 = arith.constant 80 : index
        %get3A_964 = tpu.vector_load %arg7[%get3A_962, %get3A_963] {strides = array<i32>} : memref<128x128xi32, #tpu.memory_space<vmem>>, vector<16xi32>,
        %bitcast3A_965 = vector.bitcast %get3A_964 : vector<16xi32> to vector<32xbf16>
        %add3A_966 = arith.constant 112 : i32
        %add3A_967 = arith.addi %add3A_966, %scan3A_545 : i32
        %get3A_968 = arith.index_cast %add3A_967 : i32 to index
        %get3A_969 = arith.constant 80 : index
        %get3A_970 = tpu.vector_load %arg7[%get3A_968, %get3A_969] {strides = array<i32>} : memref<128x128xi32, #tpu.memory_space<vmem>>, vector<16xi32>,
        %bitcast3A_971 = vector.bitcast %get3A_970 : vector<16xi32> to vector<32xbf16>
        %add3A_972 = arith.addf %bitcast3A_929, %bitcast3A_935 : vector<32xbf16>
        %add3A_973 = arith.addf %bitcast3A_941, %bitcast3A_947 : vector<32xbf16>
        %add3A_974 = arith.addf %bitcast3A_953, %bitcast3A_959 : vector<32xbf16>
        %add3A_975 = arith.addf %bitcast3A_965, %bitcast3A_971 : vector<32xbf16>
        %add3A_976 = arith.addf %add3A_972, %add3A_973 : vector<32xbf16>
        %add3A_977 = arith.addf %add3A_974, %add3A_975 : vector<32xbf16>
        %add3A_978 = arith.addf %add3A_976, %add3A_977 : vector<32xbf16>
        %bitcast3A_979 = vector.bitcast %add3A_978 : vector<32xbf16> to vector<16xi32>
        %shift_left3A_980 = arith.constant 16 : i32
        %shift_left3A_981 = vector.broadcast %shift_left3A_980 : i32 to vector<16xi32>
        %shift_left3A_982 = arith.shli %bitcast3A_979, %shift_left3A_981 : vector<16xi32>
        %bitcast3A_983 = vector.bitcast %shift_left3A_982 : vector<16xi32> to vector<16xf32>
        %and3A_984 = arith.constant -65536 : i32
        %and3A_985 = vector.broadcast %and3A_984 : i32 to vector<16xi32>
        %and3A_986 = arith.andi %bitcast3A_979, %and3A_985 : vector<16xi32>
        %bitcast3A_987 = vector.bitcast %and3A_986 : vector<16xi32> to vector<16xf32>
        %get3A_988 = arith.index_cast %scan3A_545 : i32 to index
        %get3A_989 = arith.constant 80 : index
        %get3A_990 = tpu.vector_load %arg9[%get3A_988, %get3A_989] {strides = array<i32>} : memref<16x256xf32, #tpu.memory_space<vmem>>, vector<16xf32>,
        %sub3A_991 = arith.subf %get3A_990, %bitcast3A_983 : vector<16xf32>
        %get3A_992 = arith.index_cast %scan3A_545 : i32 to index
        %get3A_993 = arith.constant 208 : index
        %get3A_994 = tpu.vector_load %arg9[%get3A_992, %get3A_993] {strides = array<i32>} : memref<16x256xf32, #tpu.memory_space<vmem>>, vector<16xf32>,
        %sub3A_995 = arith.subf %get3A_994, %bitcast3A_987 : vector<16xf32>
        %mul3A_996 = arith.mulf %sub3A_991, %sub3A_991 : vector<16xf32>
        %add3A_997 = arith.addf %add3A_923, %mul3A_996 : vector<16xf32>
        %mul3A_998 = arith.mulf %sub3A_995, %sub3A_995 : vector<16xf32>
        %add3A_999 = arith.addf %add3A_997, %mul3A_998 : vector<16xf32>
        %add3A_1000 = arith.constant 0 : i32
        %add3A_1001 = arith.addi %add3A_1000, %scan3A_545 : i32
        %get3A_1002 = arith.index_cast %add3A_1001 : i32 to index
        %get3A_1003 = arith.constant 96 : index
        %get3A_1004 = tpu.vector_load %arg7[%get3A_1002, %get3A_1003] {strides = array<i32>} : memref<128x128xi32, #tpu.memory_space<vmem>>, vector<16xi32>,
        %bitcast3A_1005 = vector.bitcast %get3A_1004 : vector<16xi32> to vector<32xbf16>
        %add3A_1006 = arith.constant 16 : i32
        %add3A_1007 = arith.addi %add3A_1006, %scan3A_545 : i32
        %get3A_1008 = arith.index_cast %add3A_1007 : i32 to index
        %get3A_1009 = arith.constant 96 : index
        %get3A_1010 = tpu.vector_load %arg7[%get3A_1008, %get3A_1009] {strides = array<i32>} : memref<128x128xi32, #tpu.memory_space<vmem>>, vector<16xi32>,
        %bitcast3A_1011 = vector.bitcast %get3A_1010 : vector<16xi32> to vector<32xbf16>
        %add3A_1012 = arith.constant 32 : i32
        %add3A_1013 = arith.addi %add3A_1012, %scan3A_545 : i32
        %get3A_1014 = arith.index_cast %add3A_1013 : i32 to index
        %get3A_1015 = arith.constant 96 : index
        %get3A_1016 = tpu.vector_load %arg7[%get3A_1014, %get3A_1015] {strides = array<i32>} : memref<128x128xi32, #tpu.memory_space<vmem>>, vector<16xi32>,
        %bitcast3A_1017 = vector.bitcast %get3A_1016 : vector<16xi32> to vector<32xbf16>
        %add3A_1018 = arith.constant 48 : i32
        %add3A_1019 = arith.addi %add3A_1018, %scan3A_545 : i32
        %get3A_1020 = arith.index_cast %add3A_1019 : i32 to index
        %get3A_1021 = arith.constant 96 : index
        %get3A_1022 = tpu.vector_load %arg7[%get3A_1020, %get3A_1021] {strides = array<i32>} : memref<128x128xi32, #tpu.memory_space<vmem>>, vector<16xi32>,
        %bitcast3A_1023 = vector.bitcast %get3A_1022 : vector<16xi32> to vector<32xbf16>
        %add3A_1024 = arith.constant 64 : i32
        %add3A_1025 = arith.addi %add3A_1024, %scan3A_545 : i32
        %get3A_1026 = arith.index_cast %add3A_1025 : i32 to index
        %get3A_1027 = arith.constant 96 : index
        %get3A_1028 = tpu.vector_load %arg7[%get3A_1026, %get3A_1027] {strides = array<i32>} : memref<128x128xi32, #tpu.memory_space<vmem>>, vector<16xi32>,
        %bitcast3A_1029 = vector.bitcast %get3A_1028 : vector<16xi32> to vector<32xbf16>
        %add3A_1030 = arith.constant 80 : i32
        %add3A_1031 = arith.addi %add3A_1030, %scan3A_545 : i32
        %get3A_1032 = arith.index_cast %add3A_1031 : i32 to index
        %get3A_1033 = arith.constant 96 : index
        %get3A_1034 = tpu.vector_load %arg7[%get3A_1032, %get3A_1033] {strides = array<i32>} : memref<128x128xi32, #tpu.memory_space<vmem>>, vector<16xi32>,
        %bitcast3A_1035 = vector.bitcast %get3A_1034 : vector<16xi32> to vector<32xbf16>
        %add3A_1036 = arith.constant 96 : i32
        %add3A_1037 = arith.addi %add3A_1036, %scan3A_545 : i32
        %get3A_1038 = arith.index_cast %add3A_1037 : i32 to index
        %get3A_1039 = arith.constant 96 : index
        %get3A_1040 = tpu.vector_load %arg7[%get3A_1038, %get3A_1039] {strides = array<i32>} : memref<128x128xi32, #tpu.memory_space<vmem>>, vector<16xi32>,
        %bitcast3A_1041 = vector.bitcast %get3A_1040 : vector<16xi32> to vector<32xbf16>
        %add3A_1042 = arith.constant 112 : i32
        %add3A_1043 = arith.addi %add3A_1042, %scan3A_545 : i32
        %get3A_1044 = arith.index_cast %add3A_1043 : i32 to index
        %get3A_1045 = arith.constant 96 : index
        %get3A_1046 = tpu.vector_load %arg7[%get3A_1044, %get3A_1045] {strides = array<i32>} : memref<128x128xi32, #tpu.memory_space<vmem>>, vector<16xi32>,
        %bitcast3A_1047 = vector.bitcast %get3A_1046 : vector<16xi32> to vector<32xbf16>
        %add3A_1048 = arith.addf %bitcast3A_1005, %bitcast3A_1011 : vector<32xbf16>
        %add3A_1049 = arith.addf %bitcast3A_1017, %bitcast3A_1023 : vector<32xbf16>
        %add3A_1050 = arith.addf %bitcast3A_1029, %bitcast3A_1035 : vector<32xbf16>
        %add3A_1051 = arith.addf %bitcast3A_1041, %bitcast3A_1047 : vector<32xbf16>
        %add3A_1052 = arith.addf %add3A_1048, %add3A_1049 : vector<32xbf16>
        %add3A_1053 = arith.addf %add3A_1050, %add3A_1051 : vector<32xbf16>
        %add3A_1054 = arith.addf %add3A_1052, %add3A_1053 : vector<32xbf16>
        %bitcast3A_1055 = vector.bitcast %add3A_1054 : vector<32xbf16> to vector<16xi32>
        %shift_left3A_1056 = arith.constant 16 : i32
        %shift_left3A_1057 = vector.broadcast %shift_left3A_1056 : i32 to vector<16xi32>
        %shift_left3A_1058 = arith.shli %bitcast3A_1055, %shift_left3A_1057 : vector<16xi32>
        %bitcast3A_1059 = vector.bitcast %shift_left3A_1058 : vector<16xi32> to vector<16xf32>
        %and3A_1060 = arith.constant -65536 : i32
        %and3A_1061 = vector.broadcast %and3A_1060 : i32 to vector<16xi32>
        %and3A_1062 = arith.andi %bitcast3A_1055, %and3A_1061 : vector<16xi32>
        %bitcast3A_1063 = vector.bitcast %and3A_1062 : vector<16xi32> to vector<16xf32>
        %get3A_1064 = arith.index_cast %scan3A_545 : i32 to index
        %get3A_1065 = arith.constant 96 : index
        %get3A_1066 = tpu.vector_load %arg9[%get3A_1064, %get3A_1065] {strides = array<i32>} : memref<16x256xf32, #tpu.memory_space<vmem>>, vector<16xf32>,
        %sub3A_1067 = arith.subf %get3A_1066, %bitcast3A_1059 : vector<16xf32>
        %get3A_1068 = arith.index_cast %scan3A_545 : i32 to index
        %get3A_1069 = arith.constant 224 : index
        %get3A_1070 = tpu.vector_load %arg9[%get3A_1068, %get3A_1069] {strides = array<i32>} : memref<16x256xf32, #tpu.memory_space<vmem>>, vector<16xf32>,
        %sub3A_1071 = arith.subf %get3A_1070, %bitcast3A_1063 : vector<16xf32>
        %mul3A_1072 = arith.mulf %sub3A_1067, %sub3A_1067 : vector<16xf32>
        %add3A_1073 = arith.addf %add3A_999, %mul3A_1072 : vector<16xf32>
        %mul3A_1074 = arith.mulf %sub3A_1071, %sub3A_1071 : vector<16xf32>
        %add3A_1075 = arith.addf %add3A_1073, %mul3A_1074 : vector<16xf32>
        %add3A_1076 = arith.constant 0 : i32
        %add3A_1077 = arith.addi %add3A_1076, %scan3A_545 : i32
        %get3A_1078 = arith.index_cast %add3A_1077 : i32 to index
        %get3A_1079 = arith.constant 112 : index
        %get3A_1080 = tpu.vector_load %arg7[%get3A_1078, %get3A_1079] {strides = array<i32>} : memref<128x128xi32, #tpu.memory_space<vmem>>, vector<16xi32>,
        %bitcast3A_1081 = vector.bitcast %get3A_1080 : vector<16xi32> to vector<32xbf16>
        %add3A_1082 = arith.constant 16 : i32
        %add3A_1083 = arith.addi %add3A_1082, %scan3A_545 : i32
        %get3A_1084 = arith.index_cast %add3A_1083 : i32 to index
        %get3A_1085 = arith.constant 112 : index
        %get3A_1086 = tpu.vector_load %arg7[%get3A_1084, %get3A_1085] {strides = array<i32>} : memref<128x128xi32, #tpu.memory_space<vmem>>, vector<16xi32>,
        %bitcast3A_1087 = vector.bitcast %get3A_1086 : vector<16xi32> to vector<32xbf16>
        %add3A_1088 = arith.constant 32 : i32
        %add3A_1089 = arith.addi %add3A_1088, %scan3A_545 : i32
        %get3A_1090 = arith.index_cast %add3A_1089 : i32 to index
        %get3A_1091 = arith.constant 112 : index
        %get3A_1092 = tpu.vector_load %arg7[%get3A_1090, %get3A_1091] {strides = array<i32>} : memref<128x128xi32, #tpu.memory_space<vmem>>, vector<16xi32>,
        %bitcast3A_1093 = vector.bitcast %get3A_1092 : vector<16xi32> to vector<32xbf16>
        %add3A_1094 = arith.constant 48 : i32
        %add3A_1095 = arith.addi %add3A_1094, %scan3A_545 : i32
        %get3A_1096 = arith.index_cast %add3A_1095 : i32 to index
        %get3A_1097 = arith.constant 112 : index
        %get3A_1098 = tpu.vector_load %arg7[%get3A_1096, %get3A_1097] {strides = array<i32>} : memref<128x128xi32, #tpu.memory_space<vmem>>, vector<16xi32>,
        %bitcast3A_1099 = vector.bitcast %get3A_1098 : vector<16xi32> to vector<32xbf16>
        %add3A_1100 = arith.constant 64 : i32
        %add3A_1101 = arith.addi %add3A_1100, %scan3A_545 : i32
        %get3A_1102 = arith.index_cast %add3A_1101 : i32 to index
        %get3A_1103 = arith.constant 112 : index
        %get3A_1104 = tpu.vector_load %arg7[%get3A_1102, %get3A_1103] {strides = array<i32>} : memref<128x128xi32, #tpu.memory_space<vmem>>, vector<16xi32>,
        %bitcast3A_1105 = vector.bitcast %get3A_1104 : vector<16xi32> to vector<32xbf16>
        %add3A_1106 = arith.constant 80 : i32
        %add3A_1107 = arith.addi %add3A_1106, %scan3A_545 : i32
        %get3A_1108 = arith.index_cast %add3A_1107 : i32 to index
        %get3A_1109 = arith.constant 112 : index
        %get3A_1110 = tpu.vector_load %arg7[%get3A_1108, %get3A_1109] {strides = array<i32>} : memref<128x128xi32, #tpu.memory_space<vmem>>, vector<16xi32>,
        %bitcast3A_1111 = vector.bitcast %get3A_1110 : vector<16xi32> to vector<32xbf16>
        %add3A_1112 = arith.constant 96 : i32
        %add3A_1113 = arith.addi %add3A_1112, %scan3A_545 : i32
        %get3A_1114 = arith.index_cast %add3A_1113 : i32 to index
        %get3A_1115 = arith.constant 112 : index
        %get3A_1116 = tpu.vector_load %arg7[%get3A_1114, %get3A_1115] {strides = array<i32>} : memref<128x128xi32, #tpu.memory_space<vmem>>, vector<16xi32>,
        %bitcast3A_1117 = vector.bitcast %get3A_1116 : vector<16xi32> to vector<32xbf16>
        %add3A_1118 = arith.constant 112 : i32
        %add3A_1119 = arith.addi %add3A_1118, %scan3A_545 : i32
        %get3A_1120 = arith.index_cast %add3A_1119 : i32 to index
        %get3A_1121 = arith.constant 112 : index
        %get3A_1122 = tpu.vector_load %arg7[%get3A_1120, %get3A_1121] {strides = array<i32>} : memref<128x128xi32, #tpu.memory_space<vmem>>, vector<16xi32>,
        %bitcast3A_1123 = vector.bitcast %get3A_1122 : vector<16xi32> to vector<32xbf16>
        %add3A_1124 = arith.addf %bitcast3A_1081, %bitcast3A_1087 : vector<32xbf16>
        %add3A_1125 = arith.addf %bitcast3A_1093, %bitcast3A_1099 : vector<32xbf16>
        %add3A_1126 = arith.addf %bitcast3A_1105, %bitcast3A_1111 : vector<32xbf16>
        %add3A_1127 = arith.addf %bitcast3A_1117, %bitcast3A_1123 : vector<32xbf16>
        %add3A_1128 = arith.addf %add3A_1124, %add3A_1125 : vector<32xbf16>
        %add3A_1129 = arith.addf %add3A_1126, %add3A_1127 : vector<32xbf16>
        %add3A_1130 = arith.addf %add3A_1128, %add3A_1129 : vector<32xbf16>
        %bitcast3A_1131 = vector.bitcast %add3A_1130 : vector<32xbf16> to vector<16xi32>
        %shift_left3A_1132 = arith.constant 16 : i32
        %shift_left3A_1133 = vector.broadcast %shift_left3A_1132 : i32 to vector<16xi32>
        %shift_left3A_1134 = arith.shli %bitcast3A_1131, %shift_left3A_1133 : vector<16xi32>
        %bitcast3A_1135 = vector.bitcast %shift_left3A_1134 : vector<16xi32> to vector<16xf32>
        %and3A_1136 = arith.constant -65536 : i32
        %and3A_1137 = vector.broadcast %and3A_1136 : i32 to vector<16xi32>
        %and3A_1138 = arith.andi %bitcast3A_1131, %and3A_1137 : vector<16xi32>
        %bitcast3A_1139 = vector.bitcast %and3A_1138 : vector<16xi32> to vector<16xf32>
        %get3A_1140 = arith.index_cast %scan3A_545 : i32 to index
        %get3A_1141 = arith.constant 112 : index
        %get3A_1142 = tpu.vector_load %arg9[%get3A_1140, %get3A_1141] {strides = array<i32>} : memref<16x256xf32, #tpu.memory_space<vmem>>, vector<16xf32>,
        %sub3A_1143 = arith.subf %get3A_1142, %bitcast3A_1135 : vector<16xf32>
        %get3A_1144 = arith.index_cast %scan3A_545 : i32 to index
        %get3A_1145 = arith.constant 240 : index
        %get3A_1146 = tpu.vector_load %arg9[%get3A_1144, %get3A_1145] {strides = array<i32>} : memref<16x256xf32, #tpu.memory_space<vmem>>, vector<16xf32>,
        %sub3A_1147 = arith.subf %get3A_1146, %bitcast3A_1139 : vector<16xf32>
        %mul3A_1148 = arith.mulf %sub3A_1143, %sub3A_1143 : vector<16xf32>
        %add3A_1149 = arith.addf %add3A_1075, %mul3A_1148 : vector<16xf32>
        %mul3A_1150 = arith.mulf %sub3A_1147, %sub3A_1147 : vector<16xf32>
        %add3A_1151 = arith.addf %add3A_1149, %mul3A_1150 : vector<16xf32>
        %eq3A = vector.broadcast %scan3A_545 : i32 to vector<16xi32>
        %eq3A_1152 = arith.cmpi eq, %iota3A, %eq3A : vector<16xi32>
        %reduce_sum3A = arith.constant true
        %reduce_sum3A_1153 = vector.broadcast %reduce_sum3A : i1 to vector<16xi1>
        %reduce_sum3A_1154 = tpu.scan <sum>, %add3A_1151 masked %reduce_sum3A_1153 : vector<16xf32>, vector<16xi1> -> vector<16xf32>
        %reduce_sum3A_1155 = vector.extract %reduce_sum3A_1154[15] : f32 from vector<16xf32>
        %broadcast_in_dim3A_1156 = vector.broadcast %reduce_sum3A_1155 : f32 to vector<16xf32>
        %select_n3A = arith.select %eq3A_1152, %broadcast_in_dim3A_1156, %scan3A_546 : vector<16xi1>, vector<16xf32>
        scf.yield %select_n3A : vector<16xf32>
      }
      %scan3A_414 = arith.constant 16 : i32
      %mul3A_415 = arith.constant 16 : i32
      %mul3A_416 = arith.muli %mul3A_307, %mul3A_415 : i32
      %swap3A = arith.index_cast %mul3A_416 : i32 to index
      %swap3A_417 = tpu.vector_load %arg11[%swap3A] {strides = array<i32>} : memref<1024xf32, #tpu.memory_space<vmem>>, vector<16xf32>,
      tpu.vector_store %arg11[%swap3A], %scan3A_413 {strides = array<i32>} : memref<1024xf32, #tpu.memory_space<vmem>>, vector<16xf32>,
      %add3A_418 = arith.constant 2 : i32
      %add3A_419 = arith.addi %mul3A_307, %add3A_418 : i32
      %lt3A = arith.constant 64 : i32
      %lt3A_420 = arith.cmpi slt, %add3A_419, %lt3A : i32
      %convert_element_type3A = arith.extui %lt3A_420 : i1 to i32
      %cond3A = arith.constant 0 : i32
      %cond3A_421 = arith.cmpi ne, %convert_element_type3A, %cond3A : i32
      scf.if %cond3A_421 {
        %add3A_545 = arith.constant 2 : i32
        %add3A_546 = arith.addi %mul3A_307, %add3A_545 : i32
        %mul3A_547 = arith.constant 16 : i32
        %mul3A_548 = arith.muli %add3A_546, %mul3A_547 : i32
        %add3A_549 = arith.addi %mul3A_2, %mul3A_548 : i32
        %mul3A_550 = arith.constant 16 : i32
        %mul3A_551 = arith.muli %add3A_546, %mul3A_550 : i32
        %add3A_552 = arith.constant 0 : i32
        %add3A_553 = arith.addi %add3A_552, %mul3A_551 : i32
        %multiple_of3A_554 = tpu.assume_multiple %add3A_553, 16 : i32
        %dma_start3A_555 = arith.constant 0 : i32
        %dma_start3A_556 = arith.constant 0 : i32
        %dma_start3A_557 = tpu.memref_slice %arg7[%dma_start3A_555, %dma_start3A_556] : memref<128x128xi32, #tpu.memory_space<vmem>> -> memref<16x128xi32, #tpu.memory_space<vmem>>
        %dma_start3A_558 = tpu.memref_slice %arg6[%multiple_of3A_554] : memref<8192xi32, #tpu.memory_space<vmem>> -> memref<16xi32, #tpu.memory_space<vmem>>
        %dma_start3A_559 = arith.constant 0 : i32
        %dma_start3A_560 = arith.constant 0 : i32
        %dma_start3A_561 = tpu.memref_slice %arg3[%dma_start3A_559, %dma_start3A_560] : memref<8192x128xi32, #tpu.memory_space<hbm>> -> memref<8192x128xi32, #tpu.memory_space<hbm>>
        tpu.enqueue_indirect_dma source(%dma_start3A_561 : memref<8192x128xi32, #tpu.memory_space<hbm>>) target(%dma_start3A_557 : memref<16x128xi32, #tpu.memory_space<vmem>>) offsets(%dma_start3A_558 : memref<16xi32, #tpu.memory_space<vmem>>) semaphore(%arg12 : memref<!tpu.dma_semaphore, #tpu.memory_space<semaphore_mem>>)
        %mul3A_562 = arith.constant 16 : i32
        %mul3A_563 = arith.muli %add3A_546, %mul3A_562 : i32
        %add3A_564 = arith.constant 1024 : i32
        %add3A_565 = arith.addi %add3A_564, %mul3A_563 : i32
        %multiple_of3A_566 = tpu.assume_multiple %add3A_565, 16 : i32
        %dma_start3A_567 = arith.constant 16 : i32
        %dma_start3A_568 = arith.constant 0 : i32
        %dma_start3A_569 = tpu.memref_slice %arg7[%dma_start3A_567, %dma_start3A_568] : memref<128x128xi32, #tpu.memory_space<vmem>> -> memref<16x128xi32, #tpu.memory_space<vmem>>
        %dma_start3A_570 = tpu.memref_slice %arg6[%multiple_of3A_566] : memref<8192xi32, #tpu.memory_space<vmem>> -> memref<16xi32, #tpu.memory_space<vmem>>
        %dma_start3A_571 = arith.constant 0 : i32
        %dma_start3A_572 = arith.constant 0 : i32
        %dma_start3A_573 = tpu.memref_slice %arg3[%dma_start3A_571, %dma_start3A_572] : memref<8192x128xi32, #tpu.memory_space<hbm>> -> memref<8192x128xi32, #tpu.memory_space<hbm>>
        tpu.enqueue_indirect_dma source(%dma_start3A_573 : memref<8192x128xi32, #tpu.memory_space<hbm>>) target(%dma_start3A_569 : memref<16x128xi32, #tpu.memory_space<vmem>>) offsets(%dma_start3A_570 : memref<16xi32, #tpu.memory_space<vmem>>) semaphore(%arg12 : memref<!tpu.dma_semaphore, #tpu.memory_space<semaphore_mem>>)
        %mul3A_574 = arith.constant 16 : i32
        %mul3A_575 = arith.muli %add3A_546, %mul3A_574 : i32
        %add3A_576 = arith.constant 2048 : i32
        %add3A_577 = arith.addi %add3A_576, %mul3A_575 : i32
        %multiple_of3A_578 = tpu.assume_multiple %add3A_577, 16 : i32
        %dma_start3A_579 = arith.constant 32 : i32
        %dma_start3A_580 = arith.constant 0 : i32
        %dma_start3A_581 = tpu.memref_slice %arg7[%dma_start3A_579, %dma_start3A_580] : memref<128x128xi32, #tpu.memory_space<vmem>> -> memref<16x128xi32, #tpu.memory_space<vmem>>
        %dma_start3A_582 = tpu.memref_slice %arg6[%multiple_of3A_578] : memref<8192xi32, #tpu.memory_space<vmem>> -> memref<16xi32, #tpu.memory_space<vmem>>
        %dma_start3A_583 = arith.constant 0 : i32
        %dma_start3A_584 = arith.constant 0 : i32
        %dma_start3A_585 = tpu.memref_slice %arg3[%dma_start3A_583, %dma_start3A_584] : memref<8192x128xi32, #tpu.memory_space<hbm>> -> memref<8192x128xi32, #tpu.memory_space<hbm>>
        tpu.enqueue_indirect_dma source(%dma_start3A_585 : memref<8192x128xi32, #tpu.memory_space<hbm>>) target(%dma_start3A_581 : memref<16x128xi32, #tpu.memory_space<vmem>>) offsets(%dma_start3A_582 : memref<16xi32, #tpu.memory_space<vmem>>) semaphore(%arg12 : memref<!tpu.dma_semaphore, #tpu.memory_space<semaphore_mem>>)
        %mul3A_586 = arith.constant 16 : i32
        %mul3A_587 = arith.muli %add3A_546, %mul3A_586 : i32
        %add3A_588 = arith.constant 3072 : i32
        %add3A_589 = arith.addi %add3A_588, %mul3A_587 : i32
        %multiple_of3A_590 = tpu.assume_multiple %add3A_589, 16 : i32
        %dma_start3A_591 = arith.constant 48 : i32
        %dma_start3A_592 = arith.constant 0 : i32
        %dma_start3A_593 = tpu.memref_slice %arg7[%dma_start3A_591, %dma_start3A_592] : memref<128x128xi32, #tpu.memory_space<vmem>> -> memref<16x128xi32, #tpu.memory_space<vmem>>
        %dma_start3A_594 = tpu.memref_slice %arg6[%multiple_of3A_590] : memref<8192xi32, #tpu.memory_space<vmem>> -> memref<16xi32, #tpu.memory_space<vmem>>
        %dma_start3A_595 = arith.constant 0 : i32
        %dma_start3A_596 = arith.constant 0 : i32
        %dma_start3A_597 = tpu.memref_slice %arg3[%dma_start3A_595, %dma_start3A_596] : memref<8192x128xi32, #tpu.memory_space<hbm>> -> memref<8192x128xi32, #tpu.memory_space<hbm>>
        tpu.enqueue_indirect_dma source(%dma_start3A_597 : memref<8192x128xi32, #tpu.memory_space<hbm>>) target(%dma_start3A_593 : memref<16x128xi32, #tpu.memory_space<vmem>>) offsets(%dma_start3A_594 : memref<16xi32, #tpu.memory_space<vmem>>) semaphore(%arg12 : memref<!tpu.dma_semaphore, #tpu.memory_space<semaphore_mem>>)
        %mul3A_598 = arith.constant 16 : i32
        %mul3A_599 = arith.muli %add3A_546, %mul3A_598 : i32
        %add3A_600 = arith.constant 4096 : i32
        %add3A_601 = arith.addi %add3A_600, %mul3A_599 : i32
        %multiple_of3A_602 = tpu.assume_multiple %add3A_601, 16 : i32
        %dma_start3A_603 = arith.constant 64 : i32
        %dma_start3A_604 = arith.constant 0 : i32
        %dma_start3A_605 = tpu.memref_slice %arg7[%dma_start3A_603, %dma_start3A_604] : memref<128x128xi32, #tpu.memory_space<vmem>> -> memref<16x128xi32, #tpu.memory_space<vmem>>
        %dma_start3A_606 = tpu.memref_slice %arg6[%multiple_of3A_602] : memref<8192xi32, #tpu.memory_space<vmem>> -> memref<16xi32, #tpu.memory_space<vmem>>
        %dma_start3A_607 = arith.constant 0 : i32
        %dma_start3A_608 = arith.constant 0 : i32
        %dma_start3A_609 = tpu.memref_slice %arg3[%dma_start3A_607, %dma_start3A_608] : memref<8192x128xi32, #tpu.memory_space<hbm>> -> memref<8192x128xi32, #tpu.memory_space<hbm>>
        tpu.enqueue_indirect_dma source(%dma_start3A_609 : memref<8192x128xi32, #tpu.memory_space<hbm>>) target(%dma_start3A_605 : memref<16x128xi32, #tpu.memory_space<vmem>>) offsets(%dma_start3A_606 : memref<16xi32, #tpu.memory_space<vmem>>) semaphore(%arg12 : memref<!tpu.dma_semaphore, #tpu.memory_space<semaphore_mem>>)
        %mul3A_610 = arith.constant 16 : i32
        %mul3A_611 = arith.muli %add3A_546, %mul3A_610 : i32
        %add3A_612 = arith.constant 5120 : i32
        %add3A_613 = arith.addi %add3A_612, %mul3A_611 : i32
        %multiple_of3A_614 = tpu.assume_multiple %add3A_613, 16 : i32
        %dma_start3A_615 = arith.constant 80 : i32
        %dma_start3A_616 = arith.constant 0 : i32
        %dma_start3A_617 = tpu.memref_slice %arg7[%dma_start3A_615, %dma_start3A_616] : memref<128x128xi32, #tpu.memory_space<vmem>> -> memref<16x128xi32, #tpu.memory_space<vmem>>
        %dma_start3A_618 = tpu.memref_slice %arg6[%multiple_of3A_614] : memref<8192xi32, #tpu.memory_space<vmem>> -> memref<16xi32, #tpu.memory_space<vmem>>
        %dma_start3A_619 = arith.constant 0 : i32
        %dma_start3A_620 = arith.constant 0 : i32
        %dma_start3A_621 = tpu.memref_slice %arg3[%dma_start3A_619, %dma_start3A_620] : memref<8192x128xi32, #tpu.memory_space<hbm>> -> memref<8192x128xi32, #tpu.memory_space<hbm>>
        tpu.enqueue_indirect_dma source(%dma_start3A_621 : memref<8192x128xi32, #tpu.memory_space<hbm>>) target(%dma_start3A_617 : memref<16x128xi32, #tpu.memory_space<vmem>>) offsets(%dma_start3A_618 : memref<16xi32, #tpu.memory_space<vmem>>) semaphore(%arg12 : memref<!tpu.dma_semaphore, #tpu.memory_space<semaphore_mem>>)
        %mul3A_622 = arith.constant 16 : i32
        %mul3A_623 = arith.muli %add3A_546, %mul3A_622 : i32
        %add3A_624 = arith.constant 6144 : i32
        %add3A_625 = arith.addi %add3A_624, %mul3A_623 : i32
        %multiple_of3A_626 = tpu.assume_multiple %add3A_625, 16 : i32
        %dma_start3A_627 = arith.constant 96 : i32
        %dma_start3A_628 = arith.constant 0 : i32
        %dma_start3A_629 = tpu.memref_slice %arg7[%dma_start3A_627, %dma_start3A_628] : memref<128x128xi32, #tpu.memory_space<vmem>> -> memref<16x128xi32, #tpu.memory_space<vmem>>
        %dma_start3A_630 = tpu.memref_slice %arg6[%multiple_of3A_626] : memref<8192xi32, #tpu.memory_space<vmem>> -> memref<16xi32, #tpu.memory_space<vmem>>
        %dma_start3A_631 = arith.constant 0 : i32
        %dma_start3A_632 = arith.constant 0 : i32
        %dma_start3A_633 = tpu.memref_slice %arg3[%dma_start3A_631, %dma_start3A_632] : memref<8192x128xi32, #tpu.memory_space<hbm>> -> memref<8192x128xi32, #tpu.memory_space<hbm>>
        tpu.enqueue_indirect_dma source(%dma_start3A_633 : memref<8192x128xi32, #tpu.memory_space<hbm>>) target(%dma_start3A_629 : memref<16x128xi32, #tpu.memory_space<vmem>>) offsets(%dma_start3A_630 : memref<16xi32, #tpu.memory_space<vmem>>) semaphore(%arg12 : memref<!tpu.dma_semaphore, #tpu.memory_space<semaphore_mem>>)
        %mul3A_634 = arith.constant 16 : i32
        %mul3A_635 = arith.muli %add3A_546, %mul3A_634 : i32
        %add3A_636 = arith.constant 7168 : i32
        %add3A_637 = arith.addi %add3A_636, %mul3A_635 : i32
        %multiple_of3A_638 = tpu.assume_multiple %add3A_637, 16 : i32
        %dma_start3A_639 = arith.constant 112 : i32
        %dma_start3A_640 = arith.constant 0 : i32
        %dma_start3A_641 = tpu.memref_slice %arg7[%dma_start3A_639, %dma_start3A_640] : memref<128x128xi32, #tpu.memory_space<vmem>> -> memref<16x128xi32, #tpu.memory_space<vmem>>
        %dma_start3A_642 = tpu.memref_slice %arg6[%multiple_of3A_638] : memref<8192xi32, #tpu.memory_space<vmem>> -> memref<16xi32, #tpu.memory_space<vmem>>
        %dma_start3A_643 = arith.constant 0 : i32
        %dma_start3A_644 = arith.constant 0 : i32
        %dma_start3A_645 = tpu.memref_slice %arg3[%dma_start3A_643, %dma_start3A_644] : memref<8192x128xi32, #tpu.memory_space<hbm>> -> memref<8192x128xi32, #tpu.memory_space<hbm>>
        tpu.enqueue_indirect_dma source(%dma_start3A_645 : memref<8192x128xi32, #tpu.memory_space<hbm>>) target(%dma_start3A_641 : memref<16x128xi32, #tpu.memory_space<vmem>>) offsets(%dma_start3A_642 : memref<16xi32, #tpu.memory_space<vmem>>) semaphore(%arg12 : memref<!tpu.dma_semaphore, #tpu.memory_space<semaphore_mem>>)
        %dma_start3A_646 = arith.constant 0 : i32
        %dma_start3A_647 = tpu.memref_slice %arg2[%add3A_549, %dma_start3A_646] : memref<32768x256xf32, #tpu.memory_space<hbm>> -> memref<16x256xf32, #tpu.memory_space<hbm>>
        %dma_start3A_648 = arith.constant 0 : i32
        %dma_start3A_649 = tpu.memref_slice %arg2[%add3A_549, %dma_start3A_648] : memref<32768x256xf32, #tpu.memory_space<hbm>> -> memref<16x256xf32, #tpu.memory_space<hbm>>
        tpu.enqueue_dma source(%dma_start3A_649 : memref<16x256xf32, #tpu.memory_space<hbm>>) target(%arg9 : memref<16x256xf32, #tpu.memory_space<vmem>>) target_semaphore(%arg14 : memref<!tpu.dma_semaphore, #tpu.memory_space<semaphore_mem>>)
      } else {
      }
      %add3A_422 = arith.constant 1 : i32
      %add3A_423 = arith.addi %mul3A_307, %add3A_422 : i32
      %mul3A_424 = arith.constant 16 : i32
      %mul3A_425 = arith.muli %add3A_423, %mul3A_424 : i32
      %add3A_426 = arith.constant 0 : i32
      %add3A_427 = arith.addi %add3A_426, %mul3A_425 : i32
      %multiple_of3A_428 = tpu.assume_multiple %add3A_427, 16 : i32
      %dma_wait3A_429 = arith.constant 0 : i32
      %dma_wait3A_430 = arith.constant 0 : i32
      %dma_wait3A_431 = tpu.memref_slice %arg8[%dma_wait3A_429, %dma_wait3A_430] : memref<128x128xi32, #tpu.memory_space<vmem>> -> memref<16x128xi32, #tpu.memory_space<vmem>>
      %dma_wait3A_432 = tpu.memref_slice %arg6[%multiple_of3A_428] : memref<8192xi32, #tpu.memory_space<vmem>> -> memref<16xi32, #tpu.memory_space<vmem>>
      %dma_wait3A_433 = arith.constant 0 : i32
      %dma_wait3A_434 = arith.constant 0 : i32
      %dma_wait3A_435 = tpu.memref_slice %arg3[%dma_wait3A_433, %dma_wait3A_434] : memref<8192x128xi32, #tpu.memory_space<hbm>> -> memref<8192x128xi32, #tpu.memory_space<hbm>>
      tpu.wait_indirect_dma semaphore(%arg13 : memref<!tpu.dma_semaphore, #tpu.memory_space<semaphore_mem>>) src(%dma_wait3A_435 : memref<8192x128xi32, #tpu.memory_space<hbm>>) dst(%dma_wait3A_431 : memref<16x128xi32, #tpu.memory_space<vmem>>)
      %mul3A_436 = arith.constant 16 : i32
      %mul3A_437 = arith.muli %add3A_423, %mul3A_436 : i32
      %add3A_438 = arith.constant 1024 : i32
      %add3A_439 = arith.addi %add3A_438, %mul3A_437 : i32
      %multiple_of3A_440 = tpu.assume_multiple %add3A_439, 16 : i32
      %dma_wait3A_441 = arith.constant 16 : i32
      %dma_wait3A_442 = arith.constant 0 : i32
      %dma_wait3A_443 = tpu.memref_slice %arg8[%dma_wait3A_441, %dma_wait3A_442] : memref<128x128xi32, #tpu.memory_space<vmem>> -> memref<16x128xi32, #tpu.memory_space<vmem>>
      %dma_wait3A_444 = tpu.memref_slice %arg6[%multiple_of3A_440] : memref<8192xi32, #tpu.memory_space<vmem>> -> memref<16xi32, #tpu.memory_space<vmem>>
      %dma_wait3A_445 = arith.constant 0 : i32
      %dma_wait3A_446 = arith.constant 0 : i32
      %dma_wait3A_447 = tpu.memref_slice %arg3[%dma_wait3A_445, %dma_wait3A_446] : memref<8192x128xi32, #tpu.memory_space<hbm>> -> memref<8192x128xi32, #tpu.memory_space<hbm>>
      tpu.wait_indirect_dma semaphore(%arg13 : memref<!tpu.dma_semaphore, #tpu.memory_space<semaphore_mem>>) src(%dma_wait3A_447 : memref<8192x128xi32, #tpu.memory_space<hbm>>) dst(%dma_wait3A_443 : memref<16x128xi32, #tpu.memory_space<vmem>>)
      %mul3A_448 = arith.constant 16 : i32
      %mul3A_449 = arith.muli %add3A_423, %mul3A_448 : i32
      %add3A_450 = arith.constant 2048 : i32
      %add3A_451 = arith.addi %add3A_450, %mul3A_449 : i32
      %multiple_of3A_452 = tpu.assume_multiple %add3A_451, 16 : i32
      %dma_wait3A_453 = arith.constant 32 : i32
      %dma_wait3A_454 = arith.constant 0 : i32
      %dma_wait3A_455 = tpu.memref_slice %arg8[%dma_wait3A_453, %dma_wait3A_454] : memref<128x128xi32, #tpu.memory_space<vmem>> -> memref<16x128xi32, #tpu.memory_space<vmem>>
      %dma_wait3A_456 = tpu.memref_slice %arg6[%multiple_of3A_452] : memref<8192xi32, #tpu.memory_space<vmem>> -> memref<16xi32, #tpu.memory_space<vmem>>
      %dma_wait3A_457 = arith.constant 0 : i32
      %dma_wait3A_458 = arith.constant 0 : i32
      %dma_wait3A_459 = tpu.memref_slice %arg3[%dma_wait3A_457, %dma_wait3A_458] : memref<8192x128xi32, #tpu.memory_space<hbm>> -> memref<8192x128xi32, #tpu.memory_space<hbm>>
      tpu.wait_indirect_dma semaphore(%arg13 : memref<!tpu.dma_semaphore, #tpu.memory_space<semaphore_mem>>) src(%dma_wait3A_459 : memref<8192x128xi32, #tpu.memory_space<hbm>>) dst(%dma_wait3A_455 : memref<16x128xi32, #tpu.memory_space<vmem>>)
      %mul3A_460 = arith.constant 16 : i32
      %mul3A_461 = arith.muli %add3A_423, %mul3A_460 : i32
      %add3A_462 = arith.constant 3072 : i32
      %add3A_463 = arith.addi %add3A_462, %mul3A_461 : i32
      %multiple_of3A_464 = tpu.assume_multiple %add3A_463, 16 : i32
      %dma_wait3A_465 = arith.constant 48 : i32
      %dma_wait3A_466 = arith.constant 0 : i32
      %dma_wait3A_467 = tpu.memref_slice %arg8[%dma_wait3A_465, %dma_wait3A_466] : memref<128x128xi32, #tpu.memory_space<vmem>> -> memref<16x128xi32, #tpu.memory_space<vmem>>
      %dma_wait3A_468 = tpu.memref_slice %arg6[%multiple_of3A_464] : memref<8192xi32, #tpu.memory_space<vmem>> -> memref<16xi32, #tpu.memory_space<vmem>>
      %dma_wait3A_469 = arith.constant 0 : i32
      %dma_wait3A_470 = arith.constant 0 : i32
      %dma_wait3A_471 = tpu.memref_slice %arg3[%dma_wait3A_469, %dma_wait3A_470] : memref<8192x128xi32, #tpu.memory_space<hbm>> -> memref<8192x128xi32, #tpu.memory_space<hbm>>
      tpu.wait_indirect_dma semaphore(%arg13 : memref<!tpu.dma_semaphore, #tpu.memory_space<semaphore_mem>>) src(%dma_wait3A_471 : memref<8192x128xi32, #tpu.memory_space<hbm>>) dst(%dma_wait3A_467 : memref<16x128xi32, #tpu.memory_space<vmem>>)
      %mul3A_472 = arith.constant 16 : i32
      %mul3A_473 = arith.muli %add3A_423, %mul3A_472 : i32
      %add3A_474 = arith.constant 4096 : i32
      %add3A_475 = arith.addi %add3A_474, %mul3A_473 : i32
      %multiple_of3A_476 = tpu.assume_multiple %add3A_475, 16 : i32
      %dma_wait3A_477 = arith.constant 64 : i32
      %dma_wait3A_478 = arith.constant 0 : i32
      %dma_wait3A_479 = tpu.memref_slice %arg8[%dma_wait3A_477, %dma_wait3A_478] : memref<128x128xi32, #tpu.memory_space<vmem>> -> memref<16x128xi32, #tpu.memory_space<vmem>>
      %dma_wait3A_480 = tpu.memref_slice %arg6[%multiple_of3A_476] : memref<8192xi32, #tpu.memory_space<vmem>> -> memref<16xi32, #tpu.memory_space<vmem>>
      %dma_wait3A_481 = arith.constant 0 : i32
      %dma_wait3A_482 = arith.constant 0 : i32
      %dma_wait3A_483 = tpu.memref_slice %arg3[%dma_wait3A_481, %dma_wait3A_482] : memref<8192x128xi32, #tpu.memory_space<hbm>> -> memref<8192x128xi32, #tpu.memory_space<hbm>>
      tpu.wait_indirect_dma semaphore(%arg13 : memref<!tpu.dma_semaphore, #tpu.memory_space<semaphore_mem>>) src(%dma_wait3A_483 : memref<8192x128xi32, #tpu.memory_space<hbm>>) dst(%dma_wait3A_479 : memref<16x128xi32, #tpu.memory_space<vmem>>)
      %mul3A_484 = arith.constant 16 : i32
      %mul3A_485 = arith.muli %add3A_423, %mul3A_484 : i32
      %add3A_486 = arith.constant 5120 : i32
      %add3A_487 = arith.addi %add3A_486, %mul3A_485 : i32
      %multiple_of3A_488 = tpu.assume_multiple %add3A_487, 16 : i32
      %dma_wait3A_489 = arith.constant 80 : i32
      %dma_wait3A_490 = arith.constant 0 : i32
      %dma_wait3A_491 = tpu.memref_slice %arg8[%dma_wait3A_489, %dma_wait3A_490] : memref<128x128xi32, #tpu.memory_space<vmem>> -> memref<16x128xi32, #tpu.memory_space<vmem>>
      %dma_wait3A_492 = tpu.memref_slice %arg6[%multiple_of3A_488] : memref<8192xi32, #tpu.memory_space<vmem>> -> memref<16xi32, #tpu.memory_space<vmem>>
      %dma_wait3A_493 = arith.constant 0 : i32
      %dma_wait3A_494 = arith.constant 0 : i32
      %dma_wait3A_495 = tpu.memref_slice %arg3[%dma_wait3A_493, %dma_wait3A_494] : memref<8192x128xi32, #tpu.memory_space<hbm>> -> memref<8192x128xi32, #tpu.memory_space<hbm>>
      tpu.wait_indirect_dma semaphore(%arg13 : memref<!tpu.dma_semaphore, #tpu.memory_space<semaphore_mem>>) src(%dma_wait3A_495 : memref<8192x128xi32, #tpu.memory_space<hbm>>) dst(%dma_wait3A_491 : memref<16x128xi32, #tpu.memory_space<vmem>>)
      %mul3A_496 = arith.constant 16 : i32
      %mul3A_497 = arith.muli %add3A_423, %mul3A_496 : i32
      %add3A_498 = arith.constant 6144 : i32
      %add3A_499 = arith.addi %add3A_498, %mul3A_497 : i32
      %multiple_of3A_500 = tpu.assume_multiple %add3A_499, 16 : i32
      %dma_wait3A_501 = arith.constant 96 : i32
      %dma_wait3A_502 = arith.constant 0 : i32
      %dma_wait3A_503 = tpu.memref_slice %arg8[%dma_wait3A_501, %dma_wait3A_502] : memref<128x128xi32, #tpu.memory_space<vmem>> -> memref<16x128xi32, #tpu.memory_space<vmem>>
      %dma_wait3A_504 = tpu.memref_slice %arg6[%multiple_of3A_500] : memref<8192xi32, #tpu.memory_space<vmem>> -> memref<16xi32, #tpu.memory_space<vmem>>
      %dma_wait3A_505 = arith.constant 0 : i32
      %dma_wait3A_506 = arith.constant 0 : i32
      %dma_wait3A_507 = tpu.memref_slice %arg3[%dma_wait3A_505, %dma_wait3A_506] : memref<8192x128xi32, #tpu.memory_space<hbm>> -> memref<8192x128xi32, #tpu.memory_space<hbm>>
      tpu.wait_indirect_dma semaphore(%arg13 : memref<!tpu.dma_semaphore, #tpu.memory_space<semaphore_mem>>) src(%dma_wait3A_507 : memref<8192x128xi32, #tpu.memory_space<hbm>>) dst(%dma_wait3A_503 : memref<16x128xi32, #tpu.memory_space<vmem>>)
      %mul3A_508 = arith.constant 16 : i32
      %mul3A_509 = arith.muli %add3A_423, %mul3A_508 : i32
      %add3A_510 = arith.constant 7168 : i32
      %add3A_511 = arith.addi %add3A_510, %mul3A_509 : i32
      %multiple_of3A_512 = tpu.assume_multiple %add3A_511, 16 : i32
      %dma_wait3A_513 = arith.constant 112 : i32
      %dma_wait3A_514 = arith.constant 0 : i32
      %dma_wait3A_515 = tpu.memref_slice %arg8[%dma_wait3A_513, %dma_wait3A_514] : memref<128x128xi32, #tpu.memory_space<vmem>> -> memref<16x128xi32, #tpu.memory_space<vmem>>
      %dma_wait3A_516 = tpu.memref_slice %arg6[%multiple_of3A_512] : memref<8192xi32, #tpu.memory_space<vmem>> -> memref<16xi32, #tpu.memory_space<vmem>>
      %dma_wait3A_517 = arith.constant 0 : i32
      %dma_wait3A_518 = arith.constant 0 : i32
      %dma_wait3A_519 = tpu.memref_slice %arg3[%dma_wait3A_517, %dma_wait3A_518] : memref<8192x128xi32, #tpu.memory_space<hbm>> -> memref<8192x128xi32, #tpu.memory_space<hbm>>
      tpu.wait_indirect_dma semaphore(%arg13 : memref<!tpu.dma_semaphore, #tpu.memory_space<semaphore_mem>>) src(%dma_wait3A_519 : memref<8192x128xi32, #tpu.memory_space<hbm>>) dst(%dma_wait3A_515 : memref<16x128xi32, #tpu.memory_space<vmem>>)
      %dma_wait3A_520 = arith.constant 0 : i32
      %dma_wait3A_521 = tpu.memref_slice %arg2[%mul3A_2, %dma_wait3A_520] : memref<32768x256xf32, #tpu.memory_space<hbm>> -> memref<16x256xf32, #tpu.memory_space<hbm>>
      %dma_wait3A_522 = arith.constant 0 : i32
      %dma_wait3A_523 = tpu.memref_slice %arg2[%mul3A_2, %dma_wait3A_522] : memref<32768x256xf32, #tpu.memory_space<hbm>> -> memref<16x256xf32, #tpu.memory_space<hbm>>
      tpu.wait_dma2 semaphore(%arg15 : memref<!tpu.dma_semaphore, #tpu.memory_space<semaphore_mem>>) src(%dma_wait3A_523 : memref<16x256xf32, #tpu.memory_space<hbm>>) dst(%arg10 : memref<16x256xf32, #tpu.memory_space<vmem>>)
      %add3A_524 = arith.constant 1 : i32
      %add3A_525 = arith.addi %mul3A_307, %add3A_524 : i32
      %broadcast_in_dim3A_526 = arith.constant 0.000000e+00 : f32
      %broadcast_in_dim3A_527 = vector.broadcast %broadcast_in_dim3A_526 : f32 to vector<16xf32>
      %scan3A_528 = arith.constant 0 : i32
      %scan3A_529 = arith.constant 16 : i32
      %scan3A_530 = arith.addi %scan3A_528, %scan3A_529 : i32
      %scan3A_531 = arith.constant 1 : i32
      %scan3A_532 = scf.for %scan3A_545 = %scan3A_528 to %scan3A_530 step %scan3A_531 iter_args(%scan3A_546 = %broadcast_in_dim3A_527) -> (vector<16xf32>)  : i32 {
        %broadcast_in_dim3A_547 = arith.constant 0.000000e+00 : f32
        %broadcast_in_dim3A_548 = vector.broadcast %broadcast_in_dim3A_547 : f32 to vector<16xf32>
        %add3A_549 = arith.constant 0 : i32
        %add3A_550 = arith.addi %add3A_549, %scan3A_545 : i32
        %get3A = arith.index_cast %add3A_550 : i32 to index
        %get3A_551 = arith.constant 0 : index
        %get3A_552 = tpu.vector_load %arg8[%get3A, %get3A_551] {strides = array<i32>} : memref<128x128xi32, #tpu.memory_space<vmem>>, vector<16xi32>,
        %bitcast3A = vector.bitcast %get3A_552 : vector<16xi32> to vector<32xbf16>
        %add3A_553 = arith.constant 16 : i32
        %add3A_554 = arith.addi %add3A_553, %scan3A_545 : i32
        %get3A_555 = arith.index_cast %add3A_554 : i32 to index
        %get3A_556 = arith.constant 0 : index
        %get3A_557 = tpu.vector_load %arg8[%get3A_555, %get3A_556] {strides = array<i32>} : memref<128x128xi32, #tpu.memory_space<vmem>>, vector<16xi32>,
        %bitcast3A_558 = vector.bitcast %get3A_557 : vector<16xi32> to vector<32xbf16>
        %add3A_559 = arith.constant 32 : i32
        %add3A_560 = arith.addi %add3A_559, %scan3A_545 : i32
        %get3A_561 = arith.index_cast %add3A_560 : i32 to index
        %get3A_562 = arith.constant 0 : index
        %get3A_563 = tpu.vector_load %arg8[%get3A_561, %get3A_562] {strides = array<i32>} : memref<128x128xi32, #tpu.memory_space<vmem>>, vector<16xi32>,
        %bitcast3A_564 = vector.bitcast %get3A_563 : vector<16xi32> to vector<32xbf16>
        %add3A_565 = arith.constant 48 : i32
        %add3A_566 = arith.addi %add3A_565, %scan3A_545 : i32
        %get3A_567 = arith.index_cast %add3A_566 : i32 to index
        %get3A_568 = arith.constant 0 : index
        %get3A_569 = tpu.vector_load %arg8[%get3A_567, %get3A_568] {strides = array<i32>} : memref<128x128xi32, #tpu.memory_space<vmem>>, vector<16xi32>,
        %bitcast3A_570 = vector.bitcast %get3A_569 : vector<16xi32> to vector<32xbf16>
        %add3A_571 = arith.constant 64 : i32
        %add3A_572 = arith.addi %add3A_571, %scan3A_545 : i32
        %get3A_573 = arith.index_cast %add3A_572 : i32 to index
        %get3A_574 = arith.constant 0 : index
        %get3A_575 = tpu.vector_load %arg8[%get3A_573, %get3A_574] {strides = array<i32>} : memref<128x128xi32, #tpu.memory_space<vmem>>, vector<16xi32>,
        %bitcast3A_576 = vector.bitcast %get3A_575 : vector<16xi32> to vector<32xbf16>
        %add3A_577 = arith.constant 80 : i32
        %add3A_578 = arith.addi %add3A_577, %scan3A_545 : i32
        %get3A_579 = arith.index_cast %add3A_578 : i32 to index
        %get3A_580 = arith.constant 0 : index
        %get3A_581 = tpu.vector_load %arg8[%get3A_579, %get3A_580] {strides = array<i32>} : memref<128x128xi32, #tpu.memory_space<vmem>>, vector<16xi32>,
        %bitcast3A_582 = vector.bitcast %get3A_581 : vector<16xi32> to vector<32xbf16>
        %add3A_583 = arith.constant 96 : i32
        %add3A_584 = arith.addi %add3A_583, %scan3A_545 : i32
        %get3A_585 = arith.index_cast %add3A_584 : i32 to index
        %get3A_586 = arith.constant 0 : index
        %get3A_587 = tpu.vector_load %arg8[%get3A_585, %get3A_586] {strides = array<i32>} : memref<128x128xi32, #tpu.memory_space<vmem>>, vector<16xi32>,
        %bitcast3A_588 = vector.bitcast %get3A_587 : vector<16xi32> to vector<32xbf16>
        %add3A_589 = arith.constant 112 : i32
        %add3A_590 = arith.addi %add3A_589, %scan3A_545 : i32
        %get3A_591 = arith.index_cast %add3A_590 : i32 to index
        %get3A_592 = arith.constant 0 : index
        %get3A_593 = tpu.vector_load %arg8[%get3A_591, %get3A_592] {strides = array<i32>} : memref<128x128xi32, #tpu.memory_space<vmem>>, vector<16xi32>,
        %bitcast3A_594 = vector.bitcast %get3A_593 : vector<16xi32> to vector<32xbf16>
        %add3A_595 = arith.addf %bitcast3A, %bitcast3A_558 : vector<32xbf16>
        %add3A_596 = arith.addf %bitcast3A_564, %bitcast3A_570 : vector<32xbf16>
        %add3A_597 = arith.addf %bitcast3A_576, %bitcast3A_582 : vector<32xbf16>
        %add3A_598 = arith.addf %bitcast3A_588, %bitcast3A_594 : vector<32xbf16>
        %add3A_599 = arith.addf %add3A_595, %add3A_596 : vector<32xbf16>
        %add3A_600 = arith.addf %add3A_597, %add3A_598 : vector<32xbf16>
        %add3A_601 = arith.addf %add3A_599, %add3A_600 : vector<32xbf16>
        %bitcast3A_602 = vector.bitcast %add3A_601 : vector<32xbf16> to vector<16xi32>
        %shift_left3A = arith.constant 16 : i32
        %shift_left3A_603 = vector.broadcast %shift_left3A : i32 to vector<16xi32>
        %shift_left3A_604 = arith.shli %bitcast3A_602, %shift_left3A_603 : vector<16xi32>
        %bitcast3A_605 = vector.bitcast %shift_left3A_604 : vector<16xi32> to vector<16xf32>
        %and3A = arith.constant -65536 : i32
        %and3A_606 = vector.broadcast %and3A : i32 to vector<16xi32>
        %and3A_607 = arith.andi %bitcast3A_602, %and3A_606 : vector<16xi32>
        %bitcast3A_608 = vector.bitcast %and3A_607 : vector<16xi32> to vector<16xf32>
        %get3A_609 = arith.index_cast %scan3A_545 : i32 to index
        %get3A_610 = arith.constant 0 : index
        %get3A_611 = tpu.vector_load %arg10[%get3A_609, %get3A_610] {strides = array<i32>} : memref<16x256xf32, #tpu.memory_space<vmem>>, vector<16xf32>,
        %sub3A = arith.subf %get3A_611, %bitcast3A_605 : vector<16xf32>
        %get3A_612 = arith.index_cast %scan3A_545 : i32 to index
        %get3A_613 = arith.constant 128 : index
        %get3A_614 = tpu.vector_load %arg10[%get3A_612, %get3A_613] {strides = array<i32>} : memref<16x256xf32, #tpu.memory_space<vmem>>, vector<16xf32>,
        %sub3A_615 = arith.subf %get3A_614, %bitcast3A_608 : vector<16xf32>
        %mul3A_616 = arith.mulf %sub3A, %sub3A : vector<16xf32>
        %add3A_617 = arith.addf %broadcast_in_dim3A_548, %mul3A_616 : vector<16xf32>
        %mul3A_618 = arith.mulf %sub3A_615, %sub3A_615 : vector<16xf32>
        %add3A_619 = arith.addf %add3A_617, %mul3A_618 : vector<16xf32>
        %add3A_620 = arith.constant 0 : i32
        %add3A_621 = arith.addi %add3A_620, %scan3A_545 : i32
        %get3A_622 = arith.index_cast %add3A_621 : i32 to index
        %get3A_623 = arith.constant 16 : index
        %get3A_624 = tpu.vector_load %arg8[%get3A_622, %get3A_623] {strides = array<i32>} : memref<128x128xi32, #tpu.memory_space<vmem>>, vector<16xi32>,
        %bitcast3A_625 = vector.bitcast %get3A_624 : vector<16xi32> to vector<32xbf16>
        %add3A_626 = arith.constant 16 : i32
        %add3A_627 = arith.addi %add3A_626, %scan3A_545 : i32
        %get3A_628 = arith.index_cast %add3A_627 : i32 to index
        %get3A_629 = arith.constant 16 : index
        %get3A_630 = tpu.vector_load %arg8[%get3A_628, %get3A_629] {strides = array<i32>} : memref<128x128xi32, #tpu.memory_space<vmem>>, vector<16xi32>,
        %bitcast3A_631 = vector.bitcast %get3A_630 : vector<16xi32> to vector<32xbf16>
        %add3A_632 = arith.constant 32 : i32
        %add3A_633 = arith.addi %add3A_632, %scan3A_545 : i32
        %get3A_634 = arith.index_cast %add3A_633 : i32 to index
        %get3A_635 = arith.constant 16 : index
        %get3A_636 = tpu.vector_load %arg8[%get3A_634, %get3A_635] {strides = array<i32>} : memref<128x128xi32, #tpu.memory_space<vmem>>, vector<16xi32>,
        %bitcast3A_637 = vector.bitcast %get3A_636 : vector<16xi32> to vector<32xbf16>
        %add3A_638 = arith.constant 48 : i32
        %add3A_639 = arith.addi %add3A_638, %scan3A_545 : i32
        %get3A_640 = arith.index_cast %add3A_639 : i32 to index
        %get3A_641 = arith.constant 16 : index
        %get3A_642 = tpu.vector_load %arg8[%get3A_640, %get3A_641] {strides = array<i32>} : memref<128x128xi32, #tpu.memory_space<vmem>>, vector<16xi32>,
        %bitcast3A_643 = vector.bitcast %get3A_642 : vector<16xi32> to vector<32xbf16>
        %add3A_644 = arith.constant 64 : i32
        %add3A_645 = arith.addi %add3A_644, %scan3A_545 : i32
        %get3A_646 = arith.index_cast %add3A_645 : i32 to index
        %get3A_647 = arith.constant 16 : index
        %get3A_648 = tpu.vector_load %arg8[%get3A_646, %get3A_647] {strides = array<i32>} : memref<128x128xi32, #tpu.memory_space<vmem>>, vector<16xi32>,
        %bitcast3A_649 = vector.bitcast %get3A_648 : vector<16xi32> to vector<32xbf16>
        %add3A_650 = arith.constant 80 : i32
        %add3A_651 = arith.addi %add3A_650, %scan3A_545 : i32
        %get3A_652 = arith.index_cast %add3A_651 : i32 to index
        %get3A_653 = arith.constant 16 : index
        %get3A_654 = tpu.vector_load %arg8[%get3A_652, %get3A_653] {strides = array<i32>} : memref<128x128xi32, #tpu.memory_space<vmem>>, vector<16xi32>,
        %bitcast3A_655 = vector.bitcast %get3A_654 : vector<16xi32> to vector<32xbf16>
        %add3A_656 = arith.constant 96 : i32
        %add3A_657 = arith.addi %add3A_656, %scan3A_545 : i32
        %get3A_658 = arith.index_cast %add3A_657 : i32 to index
        %get3A_659 = arith.constant 16 : index
        %get3A_660 = tpu.vector_load %arg8[%get3A_658, %get3A_659] {strides = array<i32>} : memref<128x128xi32, #tpu.memory_space<vmem>>, vector<16xi32>,
        %bitcast3A_661 = vector.bitcast %get3A_660 : vector<16xi32> to vector<32xbf16>
        %add3A_662 = arith.constant 112 : i32
        %add3A_663 = arith.addi %add3A_662, %scan3A_545 : i32
        %get3A_664 = arith.index_cast %add3A_663 : i32 to index
        %get3A_665 = arith.constant 16 : index
        %get3A_666 = tpu.vector_load %arg8[%get3A_664, %get3A_665] {strides = array<i32>} : memref<128x128xi32, #tpu.memory_space<vmem>>, vector<16xi32>,
        %bitcast3A_667 = vector.bitcast %get3A_666 : vector<16xi32> to vector<32xbf16>
        %add3A_668 = arith.addf %bitcast3A_625, %bitcast3A_631 : vector<32xbf16>
        %add3A_669 = arith.addf %bitcast3A_637, %bitcast3A_643 : vector<32xbf16>
        %add3A_670 = arith.addf %bitcast3A_649, %bitcast3A_655 : vector<32xbf16>
        %add3A_671 = arith.addf %bitcast3A_661, %bitcast3A_667 : vector<32xbf16>
        %add3A_672 = arith.addf %add3A_668, %add3A_669 : vector<32xbf16>
        %add3A_673 = arith.addf %add3A_670, %add3A_671 : vector<32xbf16>
        %add3A_674 = arith.addf %add3A_672, %add3A_673 : vector<32xbf16>
        %bitcast3A_675 = vector.bitcast %add3A_674 : vector<32xbf16> to vector<16xi32>
        %shift_left3A_676 = arith.constant 16 : i32
        %shift_left3A_677 = vector.broadcast %shift_left3A_676 : i32 to vector<16xi32>
        %shift_left3A_678 = arith.shli %bitcast3A_675, %shift_left3A_677 : vector<16xi32>
        %bitcast3A_679 = vector.bitcast %shift_left3A_678 : vector<16xi32> to vector<16xf32>
        %and3A_680 = arith.constant -65536 : i32
        %and3A_681 = vector.broadcast %and3A_680 : i32 to vector<16xi32>
        %and3A_682 = arith.andi %bitcast3A_675, %and3A_681 : vector<16xi32>
        %bitcast3A_683 = vector.bitcast %and3A_682 : vector<16xi32> to vector<16xf32>
        %get3A_684 = arith.index_cast %scan3A_545 : i32 to index
        %get3A_685 = arith.constant 16 : index
        %get3A_686 = tpu.vector_load %arg10[%get3A_684, %get3A_685] {strides = array<i32>} : memref<16x256xf32, #tpu.memory_space<vmem>>, vector<16xf32>,
        %sub3A_687 = arith.subf %get3A_686, %bitcast3A_679 : vector<16xf32>
        %get3A_688 = arith.index_cast %scan3A_545 : i32 to index
        %get3A_689 = arith.constant 144 : index
        %get3A_690 = tpu.vector_load %arg10[%get3A_688, %get3A_689] {strides = array<i32>} : memref<16x256xf32, #tpu.memory_space<vmem>>, vector<16xf32>,
        %sub3A_691 = arith.subf %get3A_690, %bitcast3A_683 : vector<16xf32>
        %mul3A_692 = arith.mulf %sub3A_687, %sub3A_687 : vector<16xf32>
        %add3A_693 = arith.addf %add3A_619, %mul3A_692 : vector<16xf32>
        %mul3A_694 = arith.mulf %sub3A_691, %sub3A_691 : vector<16xf32>
        %add3A_695 = arith.addf %add3A_693, %mul3A_694 : vector<16xf32>
        %add3A_696 = arith.constant 0 : i32
        %add3A_697 = arith.addi %add3A_696, %scan3A_545 : i32
        %get3A_698 = arith.index_cast %add3A_697 : i32 to index
        %get3A_699 = arith.constant 32 : index
        %get3A_700 = tpu.vector_load %arg8[%get3A_698, %get3A_699] {strides = array<i32>} : memref<128x128xi32, #tpu.memory_space<vmem>>, vector<16xi32>,
        %bitcast3A_701 = vector.bitcast %get3A_700 : vector<16xi32> to vector<32xbf16>
        %add3A_702 = arith.constant 16 : i32
        %add3A_703 = arith.addi %add3A_702, %scan3A_545 : i32
        %get3A_704 = arith.index_cast %add3A_703 : i32 to index
        %get3A_705 = arith.constant 32 : index
        %get3A_706 = tpu.vector_load %arg8[%get3A_704, %get3A_705] {strides = array<i32>} : memref<128x128xi32, #tpu.memory_space<vmem>>, vector<16xi32>,
        %bitcast3A_707 = vector.bitcast %get3A_706 : vector<16xi32> to vector<32xbf16>
        %add3A_708 = arith.constant 32 : i32
        %add3A_709 = arith.addi %add3A_708, %scan3A_545 : i32
        %get3A_710 = arith.index_cast %add3A_709 : i32 to index
        %get3A_711 = arith.constant 32 : index
        %get3A_712 = tpu.vector_load %arg8[%get3A_710, %get3A_711] {strides = array<i32>} : memref<128x128xi32, #tpu.memory_space<vmem>>, vector<16xi32>,
        %bitcast3A_713 = vector.bitcast %get3A_712 : vector<16xi32> to vector<32xbf16>
        %add3A_714 = arith.constant 48 : i32
        %add3A_715 = arith.addi %add3A_714, %scan3A_545 : i32
        %get3A_716 = arith.index_cast %add3A_715 : i32 to index
        %get3A_717 = arith.constant 32 : index
        %get3A_718 = tpu.vector_load %arg8[%get3A_716, %get3A_717] {strides = array<i32>} : memref<128x128xi32, #tpu.memory_space<vmem>>, vector<16xi32>,
        %bitcast3A_719 = vector.bitcast %get3A_718 : vector<16xi32> to vector<32xbf16>
        %add3A_720 = arith.constant 64 : i32
        %add3A_721 = arith.addi %add3A_720, %scan3A_545 : i32
        %get3A_722 = arith.index_cast %add3A_721 : i32 to index
        %get3A_723 = arith.constant 32 : index
        %get3A_724 = tpu.vector_load %arg8[%get3A_722, %get3A_723] {strides = array<i32>} : memref<128x128xi32, #tpu.memory_space<vmem>>, vector<16xi32>,
        %bitcast3A_725 = vector.bitcast %get3A_724 : vector<16xi32> to vector<32xbf16>
        %add3A_726 = arith.constant 80 : i32
        %add3A_727 = arith.addi %add3A_726, %scan3A_545 : i32
        %get3A_728 = arith.index_cast %add3A_727 : i32 to index
        %get3A_729 = arith.constant 32 : index
        %get3A_730 = tpu.vector_load %arg8[%get3A_728, %get3A_729] {strides = array<i32>} : memref<128x128xi32, #tpu.memory_space<vmem>>, vector<16xi32>,
        %bitcast3A_731 = vector.bitcast %get3A_730 : vector<16xi32> to vector<32xbf16>
        %add3A_732 = arith.constant 96 : i32
        %add3A_733 = arith.addi %add3A_732, %scan3A_545 : i32
        %get3A_734 = arith.index_cast %add3A_733 : i32 to index
        %get3A_735 = arith.constant 32 : index
        %get3A_736 = tpu.vector_load %arg8[%get3A_734, %get3A_735] {strides = array<i32>} : memref<128x128xi32, #tpu.memory_space<vmem>>, vector<16xi32>,
        %bitcast3A_737 = vector.bitcast %get3A_736 : vector<16xi32> to vector<32xbf16>
        %add3A_738 = arith.constant 112 : i32
        %add3A_739 = arith.addi %add3A_738, %scan3A_545 : i32
        %get3A_740 = arith.index_cast %add3A_739 : i32 to index
        %get3A_741 = arith.constant 32 : index
        %get3A_742 = tpu.vector_load %arg8[%get3A_740, %get3A_741] {strides = array<i32>} : memref<128x128xi32, #tpu.memory_space<vmem>>, vector<16xi32>,
        %bitcast3A_743 = vector.bitcast %get3A_742 : vector<16xi32> to vector<32xbf16>
        %add3A_744 = arith.addf %bitcast3A_701, %bitcast3A_707 : vector<32xbf16>
        %add3A_745 = arith.addf %bitcast3A_713, %bitcast3A_719 : vector<32xbf16>
        %add3A_746 = arith.addf %bitcast3A_725, %bitcast3A_731 : vector<32xbf16>
        %add3A_747 = arith.addf %bitcast3A_737, %bitcast3A_743 : vector<32xbf16>
        %add3A_748 = arith.addf %add3A_744, %add3A_745 : vector<32xbf16>
        %add3A_749 = arith.addf %add3A_746, %add3A_747 : vector<32xbf16>
        %add3A_750 = arith.addf %add3A_748, %add3A_749 : vector<32xbf16>
        %bitcast3A_751 = vector.bitcast %add3A_750 : vector<32xbf16> to vector<16xi32>
        %shift_left3A_752 = arith.constant 16 : i32
        %shift_left3A_753 = vector.broadcast %shift_left3A_752 : i32 to vector<16xi32>
        %shift_left3A_754 = arith.shli %bitcast3A_751, %shift_left3A_753 : vector<16xi32>
        %bitcast3A_755 = vector.bitcast %shift_left3A_754 : vector<16xi32> to vector<16xf32>
        %and3A_756 = arith.constant -65536 : i32
        %and3A_757 = vector.broadcast %and3A_756 : i32 to vector<16xi32>
        %and3A_758 = arith.andi %bitcast3A_751, %and3A_757 : vector<16xi32>
        %bitcast3A_759 = vector.bitcast %and3A_758 : vector<16xi32> to vector<16xf32>
        %get3A_760 = arith.index_cast %scan3A_545 : i32 to index
        %get3A_761 = arith.constant 32 : index
        %get3A_762 = tpu.vector_load %arg10[%get3A_760, %get3A_761] {strides = array<i32>} : memref<16x256xf32, #tpu.memory_space<vmem>>, vector<16xf32>,
        %sub3A_763 = arith.subf %get3A_762, %bitcast3A_755 : vector<16xf32>
        %get3A_764 = arith.index_cast %scan3A_545 : i32 to index
        %get3A_765 = arith.constant 160 : index
        %get3A_766 = tpu.vector_load %arg10[%get3A_764, %get3A_765] {strides = array<i32>} : memref<16x256xf32, #tpu.memory_space<vmem>>, vector<16xf32>,
        %sub3A_767 = arith.subf %get3A_766, %bitcast3A_759 : vector<16xf32>
        %mul3A_768 = arith.mulf %sub3A_763, %sub3A_763 : vector<16xf32>
        %add3A_769 = arith.addf %add3A_695, %mul3A_768 : vector<16xf32>
        %mul3A_770 = arith.mulf %sub3A_767, %sub3A_767 : vector<16xf32>
        %add3A_771 = arith.addf %add3A_769, %mul3A_770 : vector<16xf32>
        %add3A_772 = arith.constant 0 : i32
        %add3A_773 = arith.addi %add3A_772, %scan3A_545 : i32
        %get3A_774 = arith.index_cast %add3A_773 : i32 to index
        %get3A_775 = arith.constant 48 : index
        %get3A_776 = tpu.vector_load %arg8[%get3A_774, %get3A_775] {strides = array<i32>} : memref<128x128xi32, #tpu.memory_space<vmem>>, vector<16xi32>,
        %bitcast3A_777 = vector.bitcast %get3A_776 : vector<16xi32> to vector<32xbf16>
        %add3A_778 = arith.constant 16 : i32
        %add3A_779 = arith.addi %add3A_778, %scan3A_545 : i32
        %get3A_780 = arith.index_cast %add3A_779 : i32 to index
        %get3A_781 = arith.constant 48 : index
        %get3A_782 = tpu.vector_load %arg8[%get3A_780, %get3A_781] {strides = array<i32>} : memref<128x128xi32, #tpu.memory_space<vmem>>, vector<16xi32>,
        %bitcast3A_783 = vector.bitcast %get3A_782 : vector<16xi32> to vector<32xbf16>
        %add3A_784 = arith.constant 32 : i32
        %add3A_785 = arith.addi %add3A_784, %scan3A_545 : i32
        %get3A_786 = arith.index_cast %add3A_785 : i32 to index
        %get3A_787 = arith.constant 48 : index
        %get3A_788 = tpu.vector_load %arg8[%get3A_786, %get3A_787] {strides = array<i32>} : memref<128x128xi32, #tpu.memory_space<vmem>>, vector<16xi32>,
        %bitcast3A_789 = vector.bitcast %get3A_788 : vector<16xi32> to vector<32xbf16>
        %add3A_790 = arith.constant 48 : i32
        %add3A_791 = arith.addi %add3A_790, %scan3A_545 : i32
        %get3A_792 = arith.index_cast %add3A_791 : i32 to index
        %get3A_793 = arith.constant 48 : index
        %get3A_794 = tpu.vector_load %arg8[%get3A_792, %get3A_793] {strides = array<i32>} : memref<128x128xi32, #tpu.memory_space<vmem>>, vector<16xi32>,
        %bitcast3A_795 = vector.bitcast %get3A_794 : vector<16xi32> to vector<32xbf16>
        %add3A_796 = arith.constant 64 : i32
        %add3A_797 = arith.addi %add3A_796, %scan3A_545 : i32
        %get3A_798 = arith.index_cast %add3A_797 : i32 to index
        %get3A_799 = arith.constant 48 : index
        %get3A_800 = tpu.vector_load %arg8[%get3A_798, %get3A_799] {strides = array<i32>} : memref<128x128xi32, #tpu.memory_space<vmem>>, vector<16xi32>,
        %bitcast3A_801 = vector.bitcast %get3A_800 : vector<16xi32> to vector<32xbf16>
        %add3A_802 = arith.constant 80 : i32
        %add3A_803 = arith.addi %add3A_802, %scan3A_545 : i32
        %get3A_804 = arith.index_cast %add3A_803 : i32 to index
        %get3A_805 = arith.constant 48 : index
        %get3A_806 = tpu.vector_load %arg8[%get3A_804, %get3A_805] {strides = array<i32>} : memref<128x128xi32, #tpu.memory_space<vmem>>, vector<16xi32>,
        %bitcast3A_807 = vector.bitcast %get3A_806 : vector<16xi32> to vector<32xbf16>
        %add3A_808 = arith.constant 96 : i32
        %add3A_809 = arith.addi %add3A_808, %scan3A_545 : i32
        %get3A_810 = arith.index_cast %add3A_809 : i32 to index
        %get3A_811 = arith.constant 48 : index
        %get3A_812 = tpu.vector_load %arg8[%get3A_810, %get3A_811] {strides = array<i32>} : memref<128x128xi32, #tpu.memory_space<vmem>>, vector<16xi32>,
        %bitcast3A_813 = vector.bitcast %get3A_812 : vector<16xi32> to vector<32xbf16>
        %add3A_814 = arith.constant 112 : i32
        %add3A_815 = arith.addi %add3A_814, %scan3A_545 : i32
        %get3A_816 = arith.index_cast %add3A_815 : i32 to index
        %get3A_817 = arith.constant 48 : index
        %get3A_818 = tpu.vector_load %arg8[%get3A_816, %get3A_817] {strides = array<i32>} : memref<128x128xi32, #tpu.memory_space<vmem>>, vector<16xi32>,
        %bitcast3A_819 = vector.bitcast %get3A_818 : vector<16xi32> to vector<32xbf16>
        %add3A_820 = arith.addf %bitcast3A_777, %bitcast3A_783 : vector<32xbf16>
        %add3A_821 = arith.addf %bitcast3A_789, %bitcast3A_795 : vector<32xbf16>
        %add3A_822 = arith.addf %bitcast3A_801, %bitcast3A_807 : vector<32xbf16>
        %add3A_823 = arith.addf %bitcast3A_813, %bitcast3A_819 : vector<32xbf16>
        %add3A_824 = arith.addf %add3A_820, %add3A_821 : vector<32xbf16>
        %add3A_825 = arith.addf %add3A_822, %add3A_823 : vector<32xbf16>
        %add3A_826 = arith.addf %add3A_824, %add3A_825 : vector<32xbf16>
        %bitcast3A_827 = vector.bitcast %add3A_826 : vector<32xbf16> to vector<16xi32>
        %shift_left3A_828 = arith.constant 16 : i32
        %shift_left3A_829 = vector.broadcast %shift_left3A_828 : i32 to vector<16xi32>
        %shift_left3A_830 = arith.shli %bitcast3A_827, %shift_left3A_829 : vector<16xi32>
        %bitcast3A_831 = vector.bitcast %shift_left3A_830 : vector<16xi32> to vector<16xf32>
        %and3A_832 = arith.constant -65536 : i32
        %and3A_833 = vector.broadcast %and3A_832 : i32 to vector<16xi32>
        %and3A_834 = arith.andi %bitcast3A_827, %and3A_833 : vector<16xi32>
        %bitcast3A_835 = vector.bitcast %and3A_834 : vector<16xi32> to vector<16xf32>
        %get3A_836 = arith.index_cast %scan3A_545 : i32 to index
        %get3A_837 = arith.constant 48 : index
        %get3A_838 = tpu.vector_load %arg10[%get3A_836, %get3A_837] {strides = array<i32>} : memref<16x256xf32, #tpu.memory_space<vmem>>, vector<16xf32>,
        %sub3A_839 = arith.subf %get3A_838, %bitcast3A_831 : vector<16xf32>
        %get3A_840 = arith.index_cast %scan3A_545 : i32 to index
        %get3A_841 = arith.constant 176 : index
        %get3A_842 = tpu.vector_load %arg10[%get3A_840, %get3A_841] {strides = array<i32>} : memref<16x256xf32, #tpu.memory_space<vmem>>, vector<16xf32>,
        %sub3A_843 = arith.subf %get3A_842, %bitcast3A_835 : vector<16xf32>
        %mul3A_844 = arith.mulf %sub3A_839, %sub3A_839 : vector<16xf32>
        %add3A_845 = arith.addf %add3A_771, %mul3A_844 : vector<16xf32>
        %mul3A_846 = arith.mulf %sub3A_843, %sub3A_843 : vector<16xf32>
        %add3A_847 = arith.addf %add3A_845, %mul3A_846 : vector<16xf32>
        %add3A_848 = arith.constant 0 : i32
        %add3A_849 = arith.addi %add3A_848, %scan3A_545 : i32
        %get3A_850 = arith.index_cast %add3A_849 : i32 to index
        %get3A_851 = arith.constant 64 : index
        %get3A_852 = tpu.vector_load %arg8[%get3A_850, %get3A_851] {strides = array<i32>} : memref<128x128xi32, #tpu.memory_space<vmem>>, vector<16xi32>,
        %bitcast3A_853 = vector.bitcast %get3A_852 : vector<16xi32> to vector<32xbf16>
        %add3A_854 = arith.constant 16 : i32
        %add3A_855 = arith.addi %add3A_854, %scan3A_545 : i32
        %get3A_856 = arith.index_cast %add3A_855 : i32 to index
        %get3A_857 = arith.constant 64 : index
        %get3A_858 = tpu.vector_load %arg8[%get3A_856, %get3A_857] {strides = array<i32>} : memref<128x128xi32, #tpu.memory_space<vmem>>, vector<16xi32>,
        %bitcast3A_859 = vector.bitcast %get3A_858 : vector<16xi32> to vector<32xbf16>
        %add3A_860 = arith.constant 32 : i32
        %add3A_861 = arith.addi %add3A_860, %scan3A_545 : i32
        %get3A_862 = arith.index_cast %add3A_861 : i32 to index
        %get3A_863 = arith.constant 64 : index
        %get3A_864 = tpu.vector_load %arg8[%get3A_862, %get3A_863] {strides = array<i32>} : memref<128x128xi32, #tpu.memory_space<vmem>>, vector<16xi32>,
        %bitcast3A_865 = vector.bitcast %get3A_864 : vector<16xi32> to vector<32xbf16>
        %add3A_866 = arith.constant 48 : i32
        %add3A_867 = arith.addi %add3A_866, %scan3A_545 : i32
        %get3A_868 = arith.index_cast %add3A_867 : i32 to index
        %get3A_869 = arith.constant 64 : index
        %get3A_870 = tpu.vector_load %arg8[%get3A_868, %get3A_869] {strides = array<i32>} : memref<128x128xi32, #tpu.memory_space<vmem>>, vector<16xi32>,
        %bitcast3A_871 = vector.bitcast %get3A_870 : vector<16xi32> to vector<32xbf16>
        %add3A_872 = arith.constant 64 : i32
        %add3A_873 = arith.addi %add3A_872, %scan3A_545 : i32
        %get3A_874 = arith.index_cast %add3A_873 : i32 to index
        %get3A_875 = arith.constant 64 : index
        %get3A_876 = tpu.vector_load %arg8[%get3A_874, %get3A_875] {strides = array<i32>} : memref<128x128xi32, #tpu.memory_space<vmem>>, vector<16xi32>,
        %bitcast3A_877 = vector.bitcast %get3A_876 : vector<16xi32> to vector<32xbf16>
        %add3A_878 = arith.constant 80 : i32
        %add3A_879 = arith.addi %add3A_878, %scan3A_545 : i32
        %get3A_880 = arith.index_cast %add3A_879 : i32 to index
        %get3A_881 = arith.constant 64 : index
        %get3A_882 = tpu.vector_load %arg8[%get3A_880, %get3A_881] {strides = array<i32>} : memref<128x128xi32, #tpu.memory_space<vmem>>, vector<16xi32>,
        %bitcast3A_883 = vector.bitcast %get3A_882 : vector<16xi32> to vector<32xbf16>
        %add3A_884 = arith.constant 96 : i32
        %add3A_885 = arith.addi %add3A_884, %scan3A_545 : i32
        %get3A_886 = arith.index_cast %add3A_885 : i32 to index
        %get3A_887 = arith.constant 64 : index
        %get3A_888 = tpu.vector_load %arg8[%get3A_886, %get3A_887] {strides = array<i32>} : memref<128x128xi32, #tpu.memory_space<vmem>>, vector<16xi32>,
        %bitcast3A_889 = vector.bitcast %get3A_888 : vector<16xi32> to vector<32xbf16>
        %add3A_890 = arith.constant 112 : i32
        %add3A_891 = arith.addi %add3A_890, %scan3A_545 : i32
        %get3A_892 = arith.index_cast %add3A_891 : i32 to index
        %get3A_893 = arith.constant 64 : index
        %get3A_894 = tpu.vector_load %arg8[%get3A_892, %get3A_893] {strides = array<i32>} : memref<128x128xi32, #tpu.memory_space<vmem>>, vector<16xi32>,
        %bitcast3A_895 = vector.bitcast %get3A_894 : vector<16xi32> to vector<32xbf16>
        %add3A_896 = arith.addf %bitcast3A_853, %bitcast3A_859 : vector<32xbf16>
        %add3A_897 = arith.addf %bitcast3A_865, %bitcast3A_871 : vector<32xbf16>
        %add3A_898 = arith.addf %bitcast3A_877, %bitcast3A_883 : vector<32xbf16>
        %add3A_899 = arith.addf %bitcast3A_889, %bitcast3A_895 : vector<32xbf16>
        %add3A_900 = arith.addf %add3A_896, %add3A_897 : vector<32xbf16>
        %add3A_901 = arith.addf %add3A_898, %add3A_899 : vector<32xbf16>
        %add3A_902 = arith.addf %add3A_900, %add3A_901 : vector<32xbf16>
        %bitcast3A_903 = vector.bitcast %add3A_902 : vector<32xbf16> to vector<16xi32>
        %shift_left3A_904 = arith.constant 16 : i32
        %shift_left3A_905 = vector.broadcast %shift_left3A_904 : i32 to vector<16xi32>
        %shift_left3A_906 = arith.shli %bitcast3A_903, %shift_left3A_905 : vector<16xi32>
        %bitcast3A_907 = vector.bitcast %shift_left3A_906 : vector<16xi32> to vector<16xf32>
        %and3A_908 = arith.constant -65536 : i32
        %and3A_909 = vector.broadcast %and3A_908 : i32 to vector<16xi32>
        %and3A_910 = arith.andi %bitcast3A_903, %and3A_909 : vector<16xi32>
        %bitcast3A_911 = vector.bitcast %and3A_910 : vector<16xi32> to vector<16xf32>
        %get3A_912 = arith.index_cast %scan3A_545 : i32 to index
        %get3A_913 = arith.constant 64 : index
        %get3A_914 = tpu.vector_load %arg10[%get3A_912, %get3A_913] {strides = array<i32>} : memref<16x256xf32, #tpu.memory_space<vmem>>, vector<16xf32>,
        %sub3A_915 = arith.subf %get3A_914, %bitcast3A_907 : vector<16xf32>
        %get3A_916 = arith.index_cast %scan3A_545 : i32 to index
        %get3A_917 = arith.constant 192 : index
        %get3A_918 = tpu.vector_load %arg10[%get3A_916, %get3A_917] {strides = array<i32>} : memref<16x256xf32, #tpu.memory_space<vmem>>, vector<16xf32>,
        %sub3A_919 = arith.subf %get3A_918, %bitcast3A_911 : vector<16xf32>
        %mul3A_920 = arith.mulf %sub3A_915, %sub3A_915 : vector<16xf32>
        %add3A_921 = arith.addf %add3A_847, %mul3A_920 : vector<16xf32>
        %mul3A_922 = arith.mulf %sub3A_919, %sub3A_919 : vector<16xf32>
        %add3A_923 = arith.addf %add3A_921, %mul3A_922 : vector<16xf32>
        %add3A_924 = arith.constant 0 : i32
        %add3A_925 = arith.addi %add3A_924, %scan3A_545 : i32
        %get3A_926 = arith.index_cast %add3A_925 : i32 to index
        %get3A_927 = arith.constant 80 : index
        %get3A_928 = tpu.vector_load %arg8[%get3A_926, %get3A_927] {strides = array<i32>} : memref<128x128xi32, #tpu.memory_space<vmem>>, vector<16xi32>,
        %bitcast3A_929 = vector.bitcast %get3A_928 : vector<16xi32> to vector<32xbf16>
        %add3A_930 = arith.constant 16 : i32
        %add3A_931 = arith.addi %add3A_930, %scan3A_545 : i32
        %get3A_932 = arith.index_cast %add3A_931 : i32 to index
        %get3A_933 = arith.constant 80 : index
        %get3A_934 = tpu.vector_load %arg8[%get3A_932, %get3A_933] {strides = array<i32>} : memref<128x128xi32, #tpu.memory_space<vmem>>, vector<16xi32>,
        %bitcast3A_935 = vector.bitcast %get3A_934 : vector<16xi32> to vector<32xbf16>
        %add3A_936 = arith.constant 32 : i32
        %add3A_937 = arith.addi %add3A_936, %scan3A_545 : i32
        %get3A_938 = arith.index_cast %add3A_937 : i32 to index
        %get3A_939 = arith.constant 80 : index
        %get3A_940 = tpu.vector_load %arg8[%get3A_938, %get3A_939] {strides = array<i32>} : memref<128x128xi32, #tpu.memory_space<vmem>>, vector<16xi32>,
        %bitcast3A_941 = vector.bitcast %get3A_940 : vector<16xi32> to vector<32xbf16>
        %add3A_942 = arith.constant 48 : i32
        %add3A_943 = arith.addi %add3A_942, %scan3A_545 : i32
        %get3A_944 = arith.index_cast %add3A_943 : i32 to index
        %get3A_945 = arith.constant 80 : index
        %get3A_946 = tpu.vector_load %arg8[%get3A_944, %get3A_945] {strides = array<i32>} : memref<128x128xi32, #tpu.memory_space<vmem>>, vector<16xi32>,
        %bitcast3A_947 = vector.bitcast %get3A_946 : vector<16xi32> to vector<32xbf16>
        %add3A_948 = arith.constant 64 : i32
        %add3A_949 = arith.addi %add3A_948, %scan3A_545 : i32
        %get3A_950 = arith.index_cast %add3A_949 : i32 to index
        %get3A_951 = arith.constant 80 : index
        %get3A_952 = tpu.vector_load %arg8[%get3A_950, %get3A_951] {strides = array<i32>} : memref<128x128xi32, #tpu.memory_space<vmem>>, vector<16xi32>,
        %bitcast3A_953 = vector.bitcast %get3A_952 : vector<16xi32> to vector<32xbf16>
        %add3A_954 = arith.constant 80 : i32
        %add3A_955 = arith.addi %add3A_954, %scan3A_545 : i32
        %get3A_956 = arith.index_cast %add3A_955 : i32 to index
        %get3A_957 = arith.constant 80 : index
        %get3A_958 = tpu.vector_load %arg8[%get3A_956, %get3A_957] {strides = array<i32>} : memref<128x128xi32, #tpu.memory_space<vmem>>, vector<16xi32>,
        %bitcast3A_959 = vector.bitcast %get3A_958 : vector<16xi32> to vector<32xbf16>
        %add3A_960 = arith.constant 96 : i32
        %add3A_961 = arith.addi %add3A_960, %scan3A_545 : i32
        %get3A_962 = arith.index_cast %add3A_961 : i32 to index
        %get3A_963 = arith.constant 80 : index
        %get3A_964 = tpu.vector_load %arg8[%get3A_962, %get3A_963] {strides = array<i32>} : memref<128x128xi32, #tpu.memory_space<vmem>>, vector<16xi32>,
        %bitcast3A_965 = vector.bitcast %get3A_964 : vector<16xi32> to vector<32xbf16>
        %add3A_966 = arith.constant 112 : i32
        %add3A_967 = arith.addi %add3A_966, %scan3A_545 : i32
        %get3A_968 = arith.index_cast %add3A_967 : i32 to index
        %get3A_969 = arith.constant 80 : index
        %get3A_970 = tpu.vector_load %arg8[%get3A_968, %get3A_969] {strides = array<i32>} : memref<128x128xi32, #tpu.memory_space<vmem>>, vector<16xi32>,
        %bitcast3A_971 = vector.bitcast %get3A_970 : vector<16xi32> to vector<32xbf16>
        %add3A_972 = arith.addf %bitcast3A_929, %bitcast3A_935 : vector<32xbf16>
        %add3A_973 = arith.addf %bitcast3A_941, %bitcast3A_947 : vector<32xbf16>
        %add3A_974 = arith.addf %bitcast3A_953, %bitcast3A_959 : vector<32xbf16>
        %add3A_975 = arith.addf %bitcast3A_965, %bitcast3A_971 : vector<32xbf16>
        %add3A_976 = arith.addf %add3A_972, %add3A_973 : vector<32xbf16>
        %add3A_977 = arith.addf %add3A_974, %add3A_975 : vector<32xbf16>
        %add3A_978 = arith.addf %add3A_976, %add3A_977 : vector<32xbf16>
        %bitcast3A_979 = vector.bitcast %add3A_978 : vector<32xbf16> to vector<16xi32>
        %shift_left3A_980 = arith.constant 16 : i32
        %shift_left3A_981 = vector.broadcast %shift_left3A_980 : i32 to vector<16xi32>
        %shift_left3A_982 = arith.shli %bitcast3A_979, %shift_left3A_981 : vector<16xi32>
        %bitcast3A_983 = vector.bitcast %shift_left3A_982 : vector<16xi32> to vector<16xf32>
        %and3A_984 = arith.constant -65536 : i32
        %and3A_985 = vector.broadcast %and3A_984 : i32 to vector<16xi32>
        %and3A_986 = arith.andi %bitcast3A_979, %and3A_985 : vector<16xi32>
        %bitcast3A_987 = vector.bitcast %and3A_986 : vector<16xi32> to vector<16xf32>
        %get3A_988 = arith.index_cast %scan3A_545 : i32 to index
        %get3A_989 = arith.constant 80 : index
        %get3A_990 = tpu.vector_load %arg10[%get3A_988, %get3A_989] {strides = array<i32>} : memref<16x256xf32, #tpu.memory_space<vmem>>, vector<16xf32>,
        %sub3A_991 = arith.subf %get3A_990, %bitcast3A_983 : vector<16xf32>
        %get3A_992 = arith.index_cast %scan3A_545 : i32 to index
        %get3A_993 = arith.constant 208 : index
        %get3A_994 = tpu.vector_load %arg10[%get3A_992, %get3A_993] {strides = array<i32>} : memref<16x256xf32, #tpu.memory_space<vmem>>, vector<16xf32>,
        %sub3A_995 = arith.subf %get3A_994, %bitcast3A_987 : vector<16xf32>
        %mul3A_996 = arith.mulf %sub3A_991, %sub3A_991 : vector<16xf32>
        %add3A_997 = arith.addf %add3A_923, %mul3A_996 : vector<16xf32>
        %mul3A_998 = arith.mulf %sub3A_995, %sub3A_995 : vector<16xf32>
        %add3A_999 = arith.addf %add3A_997, %mul3A_998 : vector<16xf32>
        %add3A_1000 = arith.constant 0 : i32
        %add3A_1001 = arith.addi %add3A_1000, %scan3A_545 : i32
        %get3A_1002 = arith.index_cast %add3A_1001 : i32 to index
        %get3A_1003 = arith.constant 96 : index
        %get3A_1004 = tpu.vector_load %arg8[%get3A_1002, %get3A_1003] {strides = array<i32>} : memref<128x128xi32, #tpu.memory_space<vmem>>, vector<16xi32>,
        %bitcast3A_1005 = vector.bitcast %get3A_1004 : vector<16xi32> to vector<32xbf16>
        %add3A_1006 = arith.constant 16 : i32
        %add3A_1007 = arith.addi %add3A_1006, %scan3A_545 : i32
        %get3A_1008 = arith.index_cast %add3A_1007 : i32 to index
        %get3A_1009 = arith.constant 96 : index
        %get3A_1010 = tpu.vector_load %arg8[%get3A_1008, %get3A_1009] {strides = array<i32>} : memref<128x128xi32, #tpu.memory_space<vmem>>, vector<16xi32>,
        %bitcast3A_1011 = vector.bitcast %get3A_1010 : vector<16xi32> to vector<32xbf16>
        %add3A_1012 = arith.constant 32 : i32
        %add3A_1013 = arith.addi %add3A_1012, %scan3A_545 : i32
        %get3A_1014 = arith.index_cast %add3A_1013 : i32 to index
        %get3A_1015 = arith.constant 96 : index
        %get3A_1016 = tpu.vector_load %arg8[%get3A_1014, %get3A_1015] {strides = array<i32>} : memref<128x128xi32, #tpu.memory_space<vmem>>, vector<16xi32>,
        %bitcast3A_1017 = vector.bitcast %get3A_1016 : vector<16xi32> to vector<32xbf16>
        %add3A_1018 = arith.constant 48 : i32
        %add3A_1019 = arith.addi %add3A_1018, %scan3A_545 : i32
        %get3A_1020 = arith.index_cast %add3A_1019 : i32 to index
        %get3A_1021 = arith.constant 96 : index
        %get3A_1022 = tpu.vector_load %arg8[%get3A_1020, %get3A_1021] {strides = array<i32>} : memref<128x128xi32, #tpu.memory_space<vmem>>, vector<16xi32>,
        %bitcast3A_1023 = vector.bitcast %get3A_1022 : vector<16xi32> to vector<32xbf16>
        %add3A_1024 = arith.constant 64 : i32
        %add3A_1025 = arith.addi %add3A_1024, %scan3A_545 : i32
        %get3A_1026 = arith.index_cast %add3A_1025 : i32 to index
        %get3A_1027 = arith.constant 96 : index
        %get3A_1028 = tpu.vector_load %arg8[%get3A_1026, %get3A_1027] {strides = array<i32>} : memref<128x128xi32, #tpu.memory_space<vmem>>, vector<16xi32>,
        %bitcast3A_1029 = vector.bitcast %get3A_1028 : vector<16xi32> to vector<32xbf16>
        %add3A_1030 = arith.constant 80 : i32
        %add3A_1031 = arith.addi %add3A_1030, %scan3A_545 : i32
        %get3A_1032 = arith.index_cast %add3A_1031 : i32 to index
        %get3A_1033 = arith.constant 96 : index
        %get3A_1034 = tpu.vector_load %arg8[%get3A_1032, %get3A_1033] {strides = array<i32>} : memref<128x128xi32, #tpu.memory_space<vmem>>, vector<16xi32>,
        %bitcast3A_1035 = vector.bitcast %get3A_1034 : vector<16xi32> to vector<32xbf16>
        %add3A_1036 = arith.constant 96 : i32
        %add3A_1037 = arith.addi %add3A_1036, %scan3A_545 : i32
        %get3A_1038 = arith.index_cast %add3A_1037 : i32 to index
        %get3A_1039 = arith.constant 96 : index
        %get3A_1040 = tpu.vector_load %arg8[%get3A_1038, %get3A_1039] {strides = array<i32>} : memref<128x128xi32, #tpu.memory_space<vmem>>, vector<16xi32>,
        %bitcast3A_1041 = vector.bitcast %get3A_1040 : vector<16xi32> to vector<32xbf16>
        %add3A_1042 = arith.constant 112 : i32
        %add3A_1043 = arith.addi %add3A_1042, %scan3A_545 : i32
        %get3A_1044 = arith.index_cast %add3A_1043 : i32 to index
        %get3A_1045 = arith.constant 96 : index
        %get3A_1046 = tpu.vector_load %arg8[%get3A_1044, %get3A_1045] {strides = array<i32>} : memref<128x128xi32, #tpu.memory_space<vmem>>, vector<16xi32>,
        %bitcast3A_1047 = vector.bitcast %get3A_1046 : vector<16xi32> to vector<32xbf16>
        %add3A_1048 = arith.addf %bitcast3A_1005, %bitcast3A_1011 : vector<32xbf16>
        %add3A_1049 = arith.addf %bitcast3A_1017, %bitcast3A_1023 : vector<32xbf16>
        %add3A_1050 = arith.addf %bitcast3A_1029, %bitcast3A_1035 : vector<32xbf16>
        %add3A_1051 = arith.addf %bitcast3A_1041, %bitcast3A_1047 : vector<32xbf16>
        %add3A_1052 = arith.addf %add3A_1048, %add3A_1049 : vector<32xbf16>
        %add3A_1053 = arith.addf %add3A_1050, %add3A_1051 : vector<32xbf16>
        %add3A_1054 = arith.addf %add3A_1052, %add3A_1053 : vector<32xbf16>
        %bitcast3A_1055 = vector.bitcast %add3A_1054 : vector<32xbf16> to vector<16xi32>
        %shift_left3A_1056 = arith.constant 16 : i32
        %shift_left3A_1057 = vector.broadcast %shift_left3A_1056 : i32 to vector<16xi32>
        %shift_left3A_1058 = arith.shli %bitcast3A_1055, %shift_left3A_1057 : vector<16xi32>
        %bitcast3A_1059 = vector.bitcast %shift_left3A_1058 : vector<16xi32> to vector<16xf32>
        %and3A_1060 = arith.constant -65536 : i32
        %and3A_1061 = vector.broadcast %and3A_1060 : i32 to vector<16xi32>
        %and3A_1062 = arith.andi %bitcast3A_1055, %and3A_1061 : vector<16xi32>
        %bitcast3A_1063 = vector.bitcast %and3A_1062 : vector<16xi32> to vector<16xf32>
        %get3A_1064 = arith.index_cast %scan3A_545 : i32 to index
        %get3A_1065 = arith.constant 96 : index
        %get3A_1066 = tpu.vector_load %arg10[%get3A_1064, %get3A_1065] {strides = array<i32>} : memref<16x256xf32, #tpu.memory_space<vmem>>, vector<16xf32>,
        %sub3A_1067 = arith.subf %get3A_1066, %bitcast3A_1059 : vector<16xf32>
        %get3A_1068 = arith.index_cast %scan3A_545 : i32 to index
        %get3A_1069 = arith.constant 224 : index
        %get3A_1070 = tpu.vector_load %arg10[%get3A_1068, %get3A_1069] {strides = array<i32>} : memref<16x256xf32, #tpu.memory_space<vmem>>, vector<16xf32>,
        %sub3A_1071 = arith.subf %get3A_1070, %bitcast3A_1063 : vector<16xf32>
        %mul3A_1072 = arith.mulf %sub3A_1067, %sub3A_1067 : vector<16xf32>
        %add3A_1073 = arith.addf %add3A_999, %mul3A_1072 : vector<16xf32>
        %mul3A_1074 = arith.mulf %sub3A_1071, %sub3A_1071 : vector<16xf32>
        %add3A_1075 = arith.addf %add3A_1073, %mul3A_1074 : vector<16xf32>
        %add3A_1076 = arith.constant 0 : i32
        %add3A_1077 = arith.addi %add3A_1076, %scan3A_545 : i32
        %get3A_1078 = arith.index_cast %add3A_1077 : i32 to index
        %get3A_1079 = arith.constant 112 : index
        %get3A_1080 = tpu.vector_load %arg8[%get3A_1078, %get3A_1079] {strides = array<i32>} : memref<128x128xi32, #tpu.memory_space<vmem>>, vector<16xi32>,
        %bitcast3A_1081 = vector.bitcast %get3A_1080 : vector<16xi32> to vector<32xbf16>
        %add3A_1082 = arith.constant 16 : i32
        %add3A_1083 = arith.addi %add3A_1082, %scan3A_545 : i32
        %get3A_1084 = arith.index_cast %add3A_1083 : i32 to index
        %get3A_1085 = arith.constant 112 : index
        %get3A_1086 = tpu.vector_load %arg8[%get3A_1084, %get3A_1085] {strides = array<i32>} : memref<128x128xi32, #tpu.memory_space<vmem>>, vector<16xi32>,
        %bitcast3A_1087 = vector.bitcast %get3A_1086 : vector<16xi32> to vector<32xbf16>
        %add3A_1088 = arith.constant 32 : i32
        %add3A_1089 = arith.addi %add3A_1088, %scan3A_545 : i32
        %get3A_1090 = arith.index_cast %add3A_1089 : i32 to index
        %get3A_1091 = arith.constant 112 : index
        %get3A_1092 = tpu.vector_load %arg8[%get3A_1090, %get3A_1091] {strides = array<i32>} : memref<128x128xi32, #tpu.memory_space<vmem>>, vector<16xi32>,
        %bitcast3A_1093 = vector.bitcast %get3A_1092 : vector<16xi32> to vector<32xbf16>
        %add3A_1094 = arith.constant 48 : i32
        %add3A_1095 = arith.addi %add3A_1094, %scan3A_545 : i32
        %get3A_1096 = arith.index_cast %add3A_1095 : i32 to index
        %get3A_1097 = arith.constant 112 : index
        %get3A_1098 = tpu.vector_load %arg8[%get3A_1096, %get3A_1097] {strides = array<i32>} : memref<128x128xi32, #tpu.memory_space<vmem>>, vector<16xi32>,
        %bitcast3A_1099 = vector.bitcast %get3A_1098 : vector<16xi32> to vector<32xbf16>
        %add3A_1100 = arith.constant 64 : i32
        %add3A_1101 = arith.addi %add3A_1100, %scan3A_545 : i32
        %get3A_1102 = arith.index_cast %add3A_1101 : i32 to index
        %get3A_1103 = arith.constant 112 : index
        %get3A_1104 = tpu.vector_load %arg8[%get3A_1102, %get3A_1103] {strides = array<i32>} : memref<128x128xi32, #tpu.memory_space<vmem>>, vector<16xi32>,
        %bitcast3A_1105 = vector.bitcast %get3A_1104 : vector<16xi32> to vector<32xbf16>
        %add3A_1106 = arith.constant 80 : i32
        %add3A_1107 = arith.addi %add3A_1106, %scan3A_545 : i32
        %get3A_1108 = arith.index_cast %add3A_1107 : i32 to index
        %get3A_1109 = arith.constant 112 : index
        %get3A_1110 = tpu.vector_load %arg8[%get3A_1108, %get3A_1109] {strides = array<i32>} : memref<128x128xi32, #tpu.memory_space<vmem>>, vector<16xi32>,
        %bitcast3A_1111 = vector.bitcast %get3A_1110 : vector<16xi32> to vector<32xbf16>
        %add3A_1112 = arith.constant 96 : i32
        %add3A_1113 = arith.addi %add3A_1112, %scan3A_545 : i32
        %get3A_1114 = arith.index_cast %add3A_1113 : i32 to index
        %get3A_1115 = arith.constant 112 : index
        %get3A_1116 = tpu.vector_load %arg8[%get3A_1114, %get3A_1115] {strides = array<i32>} : memref<128x128xi32, #tpu.memory_space<vmem>>, vector<16xi32>,
        %bitcast3A_1117 = vector.bitcast %get3A_1116 : vector<16xi32> to vector<32xbf16>
        %add3A_1118 = arith.constant 112 : i32
        %add3A_1119 = arith.addi %add3A_1118, %scan3A_545 : i32
        %get3A_1120 = arith.index_cast %add3A_1119 : i32 to index
        %get3A_1121 = arith.constant 112 : index
        %get3A_1122 = tpu.vector_load %arg8[%get3A_1120, %get3A_1121] {strides = array<i32>} : memref<128x128xi32, #tpu.memory_space<vmem>>, vector<16xi32>,
        %bitcast3A_1123 = vector.bitcast %get3A_1122 : vector<16xi32> to vector<32xbf16>
        %add3A_1124 = arith.addf %bitcast3A_1081, %bitcast3A_1087 : vector<32xbf16>
        %add3A_1125 = arith.addf %bitcast3A_1093, %bitcast3A_1099 : vector<32xbf16>
        %add3A_1126 = arith.addf %bitcast3A_1105, %bitcast3A_1111 : vector<32xbf16>
        %add3A_1127 = arith.addf %bitcast3A_1117, %bitcast3A_1123 : vector<32xbf16>
        %add3A_1128 = arith.addf %add3A_1124, %add3A_1125 : vector<32xbf16>
        %add3A_1129 = arith.addf %add3A_1126, %add3A_1127 : vector<32xbf16>
        %add3A_1130 = arith.addf %add3A_1128, %add3A_1129 : vector<32xbf16>
        %bitcast3A_1131 = vector.bitcast %add3A_1130 : vector<32xbf16> to vector<16xi32>
        %shift_left3A_1132 = arith.constant 16 : i32
        %shift_left3A_1133 = vector.broadcast %shift_left3A_1132 : i32 to vector<16xi32>
        %shift_left3A_1134 = arith.shli %bitcast3A_1131, %shift_left3A_1133 : vector<16xi32>
        %bitcast3A_1135 = vector.bitcast %shift_left3A_1134 : vector<16xi32> to vector<16xf32>
        %and3A_1136 = arith.constant -65536 : i32
        %and3A_1137 = vector.broadcast %and3A_1136 : i32 to vector<16xi32>
        %and3A_1138 = arith.andi %bitcast3A_1131, %and3A_1137 : vector<16xi32>
        %bitcast3A_1139 = vector.bitcast %and3A_1138 : vector<16xi32> to vector<16xf32>
        %get3A_1140 = arith.index_cast %scan3A_545 : i32 to index
        %get3A_1141 = arith.constant 112 : index
        %get3A_1142 = tpu.vector_load %arg10[%get3A_1140, %get3A_1141] {strides = array<i32>} : memref<16x256xf32, #tpu.memory_space<vmem>>, vector<16xf32>,
        %sub3A_1143 = arith.subf %get3A_1142, %bitcast3A_1135 : vector<16xf32>
        %get3A_1144 = arith.index_cast %scan3A_545 : i32 to index
        %get3A_1145 = arith.constant 240 : index
        %get3A_1146 = tpu.vector_load %arg10[%get3A_1144, %get3A_1145] {strides = array<i32>} : memref<16x256xf32, #tpu.memory_space<vmem>>, vector<16xf32>,
        %sub3A_1147 = arith.subf %get3A_1146, %bitcast3A_1139 : vector<16xf32>
        %mul3A_1148 = arith.mulf %sub3A_1143, %sub3A_1143 : vector<16xf32>
        %add3A_1149 = arith.addf %add3A_1075, %mul3A_1148 : vector<16xf32>
        %mul3A_1150 = arith.mulf %sub3A_1147, %sub3A_1147 : vector<16xf32>
        %add3A_1151 = arith.addf %add3A_1149, %mul3A_1150 : vector<16xf32>
        %eq3A = vector.broadcast %scan3A_545 : i32 to vector<16xi32>
        %eq3A_1152 = arith.cmpi eq, %iota3A, %eq3A : vector<16xi32>
        %reduce_sum3A = arith.constant true
        %reduce_sum3A_1153 = vector.broadcast %reduce_sum3A : i1 to vector<16xi1>
        %reduce_sum3A_1154 = tpu.scan <sum>, %add3A_1151 masked %reduce_sum3A_1153 : vector<16xf32>, vector<16xi1> -> vector<16xf32>
        %reduce_sum3A_1155 = vector.extract %reduce_sum3A_1154[15] : f32 from vector<16xf32>
        %broadcast_in_dim3A_1156 = vector.broadcast %reduce_sum3A_1155 : f32 to vector<16xf32>
        %select_n3A = arith.select %eq3A_1152, %broadcast_in_dim3A_1156, %scan3A_546 : vector<16xi1>, vector<16xf32>
        scf.yield %select_n3A : vector<16xf32>
      }
      %scan3A_533 = arith.constant 16 : i32
      %mul3A_534 = arith.constant 16 : i32
      %mul3A_535 = arith.muli %add3A_525, %mul3A_534 : i32
      %swap3A_536 = arith.index_cast %mul3A_535 : i32 to index
      %swap3A_537 = tpu.vector_load %arg11[%swap3A_536] {strides = array<i32>} : memref<1024xf32, #tpu.memory_space<vmem>>, vector<16xf32>,
      tpu.vector_store %arg11[%swap3A_536], %scan3A_532 {strides = array<i32>} : memref<1024xf32, #tpu.memory_space<vmem>>, vector<16xf32>,
      %add3A_538 = arith.constant 3 : i32
      %add3A_539 = arith.addi %mul3A_307, %add3A_538 : i32
      %lt3A_540 = arith.constant 64 : i32
      %lt3A_541 = arith.cmpi slt, %add3A_539, %lt3A_540 : i32
      %convert_element_type3A_542 = arith.extui %lt3A_541 : i1 to i32
      %cond3A_543 = arith.constant 0 : i32
      %cond3A_544 = arith.cmpi ne, %convert_element_type3A_542, %cond3A_543 : i32
      scf.if %cond3A_544 {
        %add3A_545 = arith.constant 3 : i32
        %add3A_546 = arith.addi %mul3A_307, %add3A_545 : i32
        %mul3A_547 = arith.constant 16 : i32
        %mul3A_548 = arith.muli %add3A_546, %mul3A_547 : i32
        %add3A_549 = arith.addi %mul3A_2, %mul3A_548 : i32
        %mul3A_550 = arith.constant 16 : i32
        %mul3A_551 = arith.muli %add3A_546, %mul3A_550 : i32
        %add3A_552 = arith.constant 0 : i32
        %add3A_553 = arith.addi %add3A_552, %mul3A_551 : i32
        %multiple_of3A_554 = tpu.assume_multiple %add3A_553, 16 : i32
        %dma_start3A_555 = arith.constant 0 : i32
        %dma_start3A_556 = arith.constant 0 : i32
        %dma_start3A_557 = tpu.memref_slice %arg8[%dma_start3A_555, %dma_start3A_556] : memref<128x128xi32, #tpu.memory_space<vmem>> -> memref<16x128xi32, #tpu.memory_space<vmem>>
        %dma_start3A_558 = tpu.memref_slice %arg6[%multiple_of3A_554] : memref<8192xi32, #tpu.memory_space<vmem>> -> memref<16xi32, #tpu.memory_space<vmem>>
        %dma_start3A_559 = arith.constant 0 : i32
        %dma_start3A_560 = arith.constant 0 : i32
        %dma_start3A_561 = tpu.memref_slice %arg3[%dma_start3A_559, %dma_start3A_560] : memref<8192x128xi32, #tpu.memory_space<hbm>> -> memref<8192x128xi32, #tpu.memory_space<hbm>>
        tpu.enqueue_indirect_dma source(%dma_start3A_561 : memref<8192x128xi32, #tpu.memory_space<hbm>>) target(%dma_start3A_557 : memref<16x128xi32, #tpu.memory_space<vmem>>) offsets(%dma_start3A_558 : memref<16xi32, #tpu.memory_space<vmem>>) semaphore(%arg13 : memref<!tpu.dma_semaphore, #tpu.memory_space<semaphore_mem>>)
        %mul3A_562 = arith.constant 16 : i32
        %mul3A_563 = arith.muli %add3A_546, %mul3A_562 : i32
        %add3A_564 = arith.constant 1024 : i32
        %add3A_565 = arith.addi %add3A_564, %mul3A_563 : i32
        %multiple_of3A_566 = tpu.assume_multiple %add3A_565, 16 : i32
        %dma_start3A_567 = arith.constant 16 : i32
        %dma_start3A_568 = arith.constant 0 : i32
        %dma_start3A_569 = tpu.memref_slice %arg8[%dma_start3A_567, %dma_start3A_568] : memref<128x128xi32, #tpu.memory_space<vmem>> -> memref<16x128xi32, #tpu.memory_space<vmem>>
        %dma_start3A_570 = tpu.memref_slice %arg6[%multiple_of3A_566] : memref<8192xi32, #tpu.memory_space<vmem>> -> memref<16xi32, #tpu.memory_space<vmem>>
        %dma_start3A_571 = arith.constant 0 : i32
        %dma_start3A_572 = arith.constant 0 : i32
        %dma_start3A_573 = tpu.memref_slice %arg3[%dma_start3A_571, %dma_start3A_572] : memref<8192x128xi32, #tpu.memory_space<hbm>> -> memref<8192x128xi32, #tpu.memory_space<hbm>>
        tpu.enqueue_indirect_dma source(%dma_start3A_573 : memref<8192x128xi32, #tpu.memory_space<hbm>>) target(%dma_start3A_569 : memref<16x128xi32, #tpu.memory_space<vmem>>) offsets(%dma_start3A_570 : memref<16xi32, #tpu.memory_space<vmem>>) semaphore(%arg13 : memref<!tpu.dma_semaphore, #tpu.memory_space<semaphore_mem>>)
        %mul3A_574 = arith.constant 16 : i32
        %mul3A_575 = arith.muli %add3A_546, %mul3A_574 : i32
        %add3A_576 = arith.constant 2048 : i32
        %add3A_577 = arith.addi %add3A_576, %mul3A_575 : i32
        %multiple_of3A_578 = tpu.assume_multiple %add3A_577, 16 : i32
        %dma_start3A_579 = arith.constant 32 : i32
        %dma_start3A_580 = arith.constant 0 : i32
        %dma_start3A_581 = tpu.memref_slice %arg8[%dma_start3A_579, %dma_start3A_580] : memref<128x128xi32, #tpu.memory_space<vmem>> -> memref<16x128xi32, #tpu.memory_space<vmem>>
        %dma_start3A_582 = tpu.memref_slice %arg6[%multiple_of3A_578] : memref<8192xi32, #tpu.memory_space<vmem>> -> memref<16xi32, #tpu.memory_space<vmem>>
        %dma_start3A_583 = arith.constant 0 : i32
        %dma_start3A_584 = arith.constant 0 : i32
        %dma_start3A_585 = tpu.memref_slice %arg3[%dma_start3A_583, %dma_start3A_584] : memref<8192x128xi32, #tpu.memory_space<hbm>> -> memref<8192x128xi32, #tpu.memory_space<hbm>>
        tpu.enqueue_indirect_dma source(%dma_start3A_585 : memref<8192x128xi32, #tpu.memory_space<hbm>>) target(%dma_start3A_581 : memref<16x128xi32, #tpu.memory_space<vmem>>) offsets(%dma_start3A_582 : memref<16xi32, #tpu.memory_space<vmem>>) semaphore(%arg13 : memref<!tpu.dma_semaphore, #tpu.memory_space<semaphore_mem>>)
        %mul3A_586 = arith.constant 16 : i32
        %mul3A_587 = arith.muli %add3A_546, %mul3A_586 : i32
        %add3A_588 = arith.constant 3072 : i32
        %add3A_589 = arith.addi %add3A_588, %mul3A_587 : i32
        %multiple_of3A_590 = tpu.assume_multiple %add3A_589, 16 : i32
        %dma_start3A_591 = arith.constant 48 : i32
        %dma_start3A_592 = arith.constant 0 : i32
        %dma_start3A_593 = tpu.memref_slice %arg8[%dma_start3A_591, %dma_start3A_592] : memref<128x128xi32, #tpu.memory_space<vmem>> -> memref<16x128xi32, #tpu.memory_space<vmem>>
        %dma_start3A_594 = tpu.memref_slice %arg6[%multiple_of3A_590] : memref<8192xi32, #tpu.memory_space<vmem>> -> memref<16xi32, #tpu.memory_space<vmem>>
        %dma_start3A_595 = arith.constant 0 : i32
        %dma_start3A_596 = arith.constant 0 : i32
        %dma_start3A_597 = tpu.memref_slice %arg3[%dma_start3A_595, %dma_start3A_596] : memref<8192x128xi32, #tpu.memory_space<hbm>> -> memref<8192x128xi32, #tpu.memory_space<hbm>>
        tpu.enqueue_indirect_dma source(%dma_start3A_597 : memref<8192x128xi32, #tpu.memory_space<hbm>>) target(%dma_start3A_593 : memref<16x128xi32, #tpu.memory_space<vmem>>) offsets(%dma_start3A_594 : memref<16xi32, #tpu.memory_space<vmem>>) semaphore(%arg13 : memref<!tpu.dma_semaphore, #tpu.memory_space<semaphore_mem>>)
        %mul3A_598 = arith.constant 16 : i32
        %mul3A_599 = arith.muli %add3A_546, %mul3A_598 : i32
        %add3A_600 = arith.constant 4096 : i32
        %add3A_601 = arith.addi %add3A_600, %mul3A_599 : i32
        %multiple_of3A_602 = tpu.assume_multiple %add3A_601, 16 : i32
        %dma_start3A_603 = arith.constant 64 : i32
        %dma_start3A_604 = arith.constant 0 : i32
        %dma_start3A_605 = tpu.memref_slice %arg8[%dma_start3A_603, %dma_start3A_604] : memref<128x128xi32, #tpu.memory_space<vmem>> -> memref<16x128xi32, #tpu.memory_space<vmem>>
        %dma_start3A_606 = tpu.memref_slice %arg6[%multiple_of3A_602] : memref<8192xi32, #tpu.memory_space<vmem>> -> memref<16xi32, #tpu.memory_space<vmem>>
        %dma_start3A_607 = arith.constant 0 : i32
        %dma_start3A_608 = arith.constant 0 : i32
        %dma_start3A_609 = tpu.memref_slice %arg3[%dma_start3A_607, %dma_start3A_608] : memref<8192x128xi32, #tpu.memory_space<hbm>> -> memref<8192x128xi32, #tpu.memory_space<hbm>>
        tpu.enqueue_indirect_dma source(%dma_start3A_609 : memref<8192x128xi32, #tpu.memory_space<hbm>>) target(%dma_start3A_605 : memref<16x128xi32, #tpu.memory_space<vmem>>) offsets(%dma_start3A_606 : memref<16xi32, #tpu.memory_space<vmem>>) semaphore(%arg13 : memref<!tpu.dma_semaphore, #tpu.memory_space<semaphore_mem>>)
        %mul3A_610 = arith.constant 16 : i32
        %mul3A_611 = arith.muli %add3A_546, %mul3A_610 : i32
        %add3A_612 = arith.constant 5120 : i32
        %add3A_613 = arith.addi %add3A_612, %mul3A_611 : i32
        %multiple_of3A_614 = tpu.assume_multiple %add3A_613, 16 : i32
        %dma_start3A_615 = arith.constant 80 : i32
        %dma_start3A_616 = arith.constant 0 : i32
        %dma_start3A_617 = tpu.memref_slice %arg8[%dma_start3A_615, %dma_start3A_616] : memref<128x128xi32, #tpu.memory_space<vmem>> -> memref<16x128xi32, #tpu.memory_space<vmem>>
        %dma_start3A_618 = tpu.memref_slice %arg6[%multiple_of3A_614] : memref<8192xi32, #tpu.memory_space<vmem>> -> memref<16xi32, #tpu.memory_space<vmem>>
        %dma_start3A_619 = arith.constant 0 : i32
        %dma_start3A_620 = arith.constant 0 : i32
        %dma_start3A_621 = tpu.memref_slice %arg3[%dma_start3A_619, %dma_start3A_620] : memref<8192x128xi32, #tpu.memory_space<hbm>> -> memref<8192x128xi32, #tpu.memory_space<hbm>>
        tpu.enqueue_indirect_dma source(%dma_start3A_621 : memref<8192x128xi32, #tpu.memory_space<hbm>>) target(%dma_start3A_617 : memref<16x128xi32, #tpu.memory_space<vmem>>) offsets(%dma_start3A_618 : memref<16xi32, #tpu.memory_space<vmem>>) semaphore(%arg13 : memref<!tpu.dma_semaphore, #tpu.memory_space<semaphore_mem>>)
        %mul3A_622 = arith.constant 16 : i32
        %mul3A_623 = arith.muli %add3A_546, %mul3A_622 : i32
        %add3A_624 = arith.constant 6144 : i32
        %add3A_625 = arith.addi %add3A_624, %mul3A_623 : i32
        %multiple_of3A_626 = tpu.assume_multiple %add3A_625, 16 : i32
        %dma_start3A_627 = arith.constant 96 : i32
        %dma_start3A_628 = arith.constant 0 : i32
        %dma_start3A_629 = tpu.memref_slice %arg8[%dma_start3A_627, %dma_start3A_628] : memref<128x128xi32, #tpu.memory_space<vmem>> -> memref<16x128xi32, #tpu.memory_space<vmem>>
        %dma_start3A_630 = tpu.memref_slice %arg6[%multiple_of3A_626] : memref<8192xi32, #tpu.memory_space<vmem>> -> memref<16xi32, #tpu.memory_space<vmem>>
        %dma_start3A_631 = arith.constant 0 : i32
        %dma_start3A_632 = arith.constant 0 : i32
        %dma_start3A_633 = tpu.memref_slice %arg3[%dma_start3A_631, %dma_start3A_632] : memref<8192x128xi32, #tpu.memory_space<hbm>> -> memref<8192x128xi32, #tpu.memory_space<hbm>>
        tpu.enqueue_indirect_dma source(%dma_start3A_633 : memref<8192x128xi32, #tpu.memory_space<hbm>>) target(%dma_start3A_629 : memref<16x128xi32, #tpu.memory_space<vmem>>) offsets(%dma_start3A_630 : memref<16xi32, #tpu.memory_space<vmem>>) semaphore(%arg13 : memref<!tpu.dma_semaphore, #tpu.memory_space<semaphore_mem>>)
        %mul3A_634 = arith.constant 16 : i32
        %mul3A_635 = arith.muli %add3A_546, %mul3A_634 : i32
        %add3A_636 = arith.constant 7168 : i32
        %add3A_637 = arith.addi %add3A_636, %mul3A_635 : i32
        %multiple_of3A_638 = tpu.assume_multiple %add3A_637, 16 : i32
        %dma_start3A_639 = arith.constant 112 : i32
        %dma_start3A_640 = arith.constant 0 : i32
        %dma_start3A_641 = tpu.memref_slice %arg8[%dma_start3A_639, %dma_start3A_640] : memref<128x128xi32, #tpu.memory_space<vmem>> -> memref<16x128xi32, #tpu.memory_space<vmem>>
        %dma_start3A_642 = tpu.memref_slice %arg6[%multiple_of3A_638] : memref<8192xi32, #tpu.memory_space<vmem>> -> memref<16xi32, #tpu.memory_space<vmem>>
        %dma_start3A_643 = arith.constant 0 : i32
        %dma_start3A_644 = arith.constant 0 : i32
        %dma_start3A_645 = tpu.memref_slice %arg3[%dma_start3A_643, %dma_start3A_644] : memref<8192x128xi32, #tpu.memory_space<hbm>> -> memref<8192x128xi32, #tpu.memory_space<hbm>>
        tpu.enqueue_indirect_dma source(%dma_start3A_645 : memref<8192x128xi32, #tpu.memory_space<hbm>>) target(%dma_start3A_641 : memref<16x128xi32, #tpu.memory_space<vmem>>) offsets(%dma_start3A_642 : memref<16xi32, #tpu.memory_space<vmem>>) semaphore(%arg13 : memref<!tpu.dma_semaphore, #tpu.memory_space<semaphore_mem>>)
        %dma_start3A_646 = arith.constant 0 : i32
        %dma_start3A_647 = tpu.memref_slice %arg2[%add3A_549, %dma_start3A_646] : memref<32768x256xf32, #tpu.memory_space<hbm>> -> memref<16x256xf32, #tpu.memory_space<hbm>>
        %dma_start3A_648 = arith.constant 0 : i32
        %dma_start3A_649 = tpu.memref_slice %arg2[%add3A_549, %dma_start3A_648] : memref<32768x256xf32, #tpu.memory_space<hbm>> -> memref<16x256xf32, #tpu.memory_space<hbm>>
        tpu.enqueue_dma source(%dma_start3A_649 : memref<16x256xf32, #tpu.memory_space<hbm>>) target(%arg10 : memref<16x256xf32, #tpu.memory_space<vmem>>) target_semaphore(%arg15 : memref<!tpu.dma_semaphore, #tpu.memory_space<semaphore_mem>>)
      } else {
      }
    }
    %scan3A_304 = arith.constant 32 : i32
    "tpu.region"() ({
      %run_scoped3A = tpu.sem_alloc : memref<!tpu.dma_semaphore, #tpu.memory_space<semaphore_mem>>
      %dma_start3A_305 = tpu.memref_slice %arg5[%mul3A_2] : memref<32768xf32, #tpu.memory_space<hbm>> -> memref<1024xf32, #tpu.memory_space<hbm>>
      %dma_start3A_306 = tpu.memref_slice %arg5[%mul3A_2] : memref<32768xf32, #tpu.memory_space<hbm>> -> memref<1024xf32, #tpu.memory_space<hbm>>
      tpu.enqueue_dma source(%arg11 : memref<1024xf32, #tpu.memory_space<vmem>>) target(%dma_start3A_306 : memref<1024xf32, #tpu.memory_space<hbm>>) target_semaphore(%run_scoped3A : memref<!tpu.dma_semaphore, #tpu.memory_space<semaphore_mem>>)
      %dma_wait3A_307 = tpu.memref_slice %arg5[%mul3A_2] : memref<32768xf32, #tpu.memory_space<hbm>> -> memref<1024xf32, #tpu.memory_space<hbm>>
      %dma_wait3A_308 = tpu.memref_slice %arg5[%mul3A_2] : memref<32768xf32, #tpu.memory_space<hbm>> -> memref<1024xf32, #tpu.memory_space<hbm>>
      tpu.wait_dma2 semaphore(%run_scoped3A : memref<!tpu.dma_semaphore, #tpu.memory_space<semaphore_mem>>) src(%arg11 : memref<1024xf32, #tpu.memory_space<vmem>>) dst(%dma_wait3A_308 : memref<1024xf32, #tpu.memory_space<hbm>>)
      tpu.yield
    }) : () -> ()
    return
  }
}

</mosaic_0001>

<sc_bundles>
// kernel: kernel.3.cloned.1.call-start
scs
__scs_entry_jumppad:
0x0: {  	(pc) =	sbr.rel $0x88, $3  }
0x1: {  	(tag) =	ssettag $0x0;
	lr =	simm.s32 $0x1  }
0x2: {  	[smem:$0x3F9E] =	sst lr;
	_ =	strace $0xD0000000  }
0x3: {  	_ = 	snop  }
0x4: {  	_ = 	snop  }
0x5: {  	_ = 	snop  }
0x6: {  	_ = 	snop  }
0x7: {  	_ = 	snop  }
__scs_overlays_trampoline_lowered:
0x8: {  	[smem:$0x3FAD] =	sst s0  }
0x9: {  	[smem:$0x3FAE] =	sst s1  }
0xa: {  	[smem:$0x3FAF] =	sst s2  }
0xb: {  	[smem:$0x3FB0] =	sst s3  }
0xc: {  	[smem:$0x3FB1] =	sst s4  }
0xd: {  	[smem:$0x3FB2] =	sst s5  }
0xe: {  	[smem:$0x3FB3] =	sst s6  }
0xf: {  	[smem:$0x3FB4] =	sst s7  }
0x10: {  	[smem:$0x3FB5] =	sst s8  }
0x11: {  	[smem:$0x3FB6] =	sst s9;
	s0 =	simm.s32 @!p0 $0x0  }
0x12: {  	s1 =	sld [smem:$0x3F9C];
	s0 =	simm.s32 @p0 $0x1  }
0x13: {  	[smem:$0x3FB7] =	sst s0;
	s0 =	simm.s32 @!p1 $0x0  }
0x14: {  	s2 =	sld [smem:$0x3F9B];
	s0 =	simm.s32 @p1 $0x1  }
0x15: {  	[smem:$0x3FB8] =	sst s0;
	s0 =	simm.s32 @!p2 $0x0  }
0x16: {  	s3 =	sld [smem:$0x3FDB];
	s0 =	simm.s32 @p2 $0x1  }
0x17: {  	s4 =	simm.s32 $0x1BF5;
	[smem:$0x3FBA] =	sst s0  }
0x18: {  	s0 =	sld [smem:$0x3F9D];
	_ =	swait.ge [sflag:s4], $0x0  }
0x19: {  	s7 =	sld [smem:$0x3F9E]  }
0x1a: {  	s8 =	sadd.s32 $0xFFFFE003, lr  }
0x1b: {  	s9 =	sadd.s32 $0xFFFFFEF7, lr;
	s5 =	simm.s32 $0xFFFFFFFF;
	p2 =	slt.u32 s8, $0xFFFFF086  }
0x1c: {  	p1 =	slt.u32 s9, $0xF7A;
	s5 =	simm.s32 @!p2 $0x0  }
0x1d: {  	s5 =	simm.s32 @p1 $0x1;
	p0 =	seq.s32 s7, s2  }
0x1e: {  	s7 =	smul.u32 @!p0 $0xF7A, s2;
	p2 =	seq.s32 @!p0 s5, $0x0  }
0x1f: {  	s9 =	smul.u32 $0xF7A, s1;
	s8 =	simm.s32 @!p0 $0x1BF5;
	p2 =	por !p2, p0  }
0x20: {  	[sflag:s8] =	ssyncset.s32 @!p0 $0xFFFFF086;
	s6 =	sadd.s32 @!p0 s3, s7;
	s7 =	simm.s32 @!p0 $0x108  }
0x21: {  	s3 =	sadd.s32 s3, s9;
	s6 =	sadd.s32 @!p0 $0x88, s6;
	s7 =	simm.s32 @p2 $0x1082  }
0x22: {  	[simem:s7], [sflag:s8] =	dma.local @!p0 [hbm:s6], $0xF7A  }
0x23: {  	s9 =	sor.u32 $0xD0000000, s2;
	s6 =	simm.s32 $0x108;
	_ =	swait.ge @!p0 [sflag:s8], $0x0  }
0x24: {  	s3 =	sadd.s32 $0x88, s3;
	s6 =	simm.s32 @!p1 $0x1082;
	[sflag:s4] =	ssyncset.s32 $0xFFFFF086  }
0x25: {  	[simem:s6], [sflag:s4] =	dma.local [hbm:s3], $0xF7A  }
0x26: {  	[smem:$0x3F9E] =	sst s1;
	(tag) =	ssettag s2;
	_ =	strace s9  }
0x27: {  	s1 =	sld [smem:$0x3FAE]  }
0x28: {  	s2 =	sld [smem:$0x3FAF]  }
0x29: {  	s4 =	sld [smem:$0x3FB1]  }
0x2a: {  	p0 =	seq.s32 s5, $0x0;
	s5 =	sld [smem:$0x3FB2]  }
0x2b: {  	s6 =	sld [smem:$0x3FB3]  }
0x2c: {  	s7 =	sld [smem:$0x3FB4]  }
0x2d: {  	s3 =	simm.s32 $0x108;
	s8 =	sld [smem:$0x3FB5]  }
0x2e: {  	s3 =	simm.s32 @!p0 $0x1082;
	s9 =	sld [smem:$0x3FB6]  }
0x2f: {  	lr =	sadd.s32 s0, s3;
	s0 =	sld [smem:$0x3FAD]  }
0x30: {  	s3 =	sld [smem:$0x3FB0]  }
0x31: {  	[smem:$0x3FB9] =	sst s10  }
0x32: {  	s10 =	sld [smem:$0x3FB7];
	_ =	sdelay $0x3  }
0x33: {  	p0 =	seq.s32 s10, $0x1;
	s10 =	sld [smem:$0x3FB9];
	_ =	sdelay $0x3  }
0x34: {  	[smem:$0x3FB9] =	sst s10  }
0x35: {  	s10 =	sld [smem:$0x3FB8];
	_ =	sdelay $0x3  }
0x36: {  	p1 =	seq.s32 s10, $0x1;
	s10 =	sld [smem:$0x3FB9];
	_ =	sdelay $0x3  }
0x37: {  	[smem:$0x3FB9] =	sst s10  }
0x38: {  	s10 =	sld [smem:$0x3FBA]  }
0x39: {  	_ = 	snop;
	(pc) =	sbr.ind lr, $3  }
0x3a: {  	_ = 	snop  }
0x3b: {  	_ = 	snop  }
0x3c: {  	p2 =	seq.s32 s10, $0x1;
	s10 =	sld [smem:$0x3FB9]  }
0x3d: {  	_ =	shalt  }
0x3e: {  	_ =	shalt  }
0x3f: {  	_ =	shalt  }
0x40: {  	_ =	shalt  }
0x41: {  	_ =	shalt  }
0x42: {  	_ =	shalt  }
0x43: {  	_ =	shalt  }
0x44: {  	_ =	shalt  }
0x45: {  	_ =	shalt  }
0x46: {  	_ =	shalt  }
0x47: {  	_ =	shalt  }
0x48: {  	_ =	shalt  }
0x49: {  	_ =	shalt  }
0x4a: {  	_ =	shalt  }
0x4b: {  	_ =	shalt  }
0x4c: {  	_ =	shalt  }
0x4d: {  	_ =	shalt  }
0x4e: {  	_ =	shalt  }
0x4f: {  	_ =	shalt  }
0x50: {  	_ =	shalt  }
0x51: {  	_ =	shalt  }
0x52: {  	_ =	shalt  }
0x53: {  	_ =	shalt  }
0x54: {  	_ =	shalt  }
0x55: {  	_ =	shalt  }
0x56: {  	_ =	shalt  }
0x57: {  	_ =	shalt  }
0x58: {  	_ =	shalt  }
0x59: {  	_ =	shalt  }
0x5a: {  	_ =	shalt  }
0x5b: {  	_ =	shalt  }
0x5c: {  	_ =	shalt  }
0x5d: {  	_ =	shalt  }
0x5e: {  	_ =	shalt  }
0x5f: {  	_ =	shalt  }
0x60: {  	_ =	shalt  }
0x61: {  	_ =	shalt  }
0x62: {  	_ =	shalt  }
0x63: {  	_ =	shalt  }
0x64: {  	_ =	shalt  }
0x65: {  	_ =	shalt  }
0x66: {  	_ =	shalt  }
0x67: {  	_ =	shalt  }
0x68: {  	_ =	shalt  }
0x69: {  	_ =	shalt  }
0x6a: {  	_ =	shalt  }
0x6b: {  	_ =	shalt  }
0x6c: {  	_ =	shalt  }
0x6d: {  	_ =	shalt  }
0x6e: {  	_ =	shalt  }
0x6f: {  	_ =	shalt  }
0x70: {  	_ =	shalt  }
0x71: {  	_ =	shalt  }
0x72: {  	_ =	shalt  }
0x73: {  	_ =	shalt  }
0x74: {  	_ =	shalt  }
0x75: {  	_ =	shalt  }
0x76: {  	_ =	shalt  }
0x77: {  	_ =	shalt  }
0x78: {  	_ =	shalt  }
0x79: {  	_ =	shalt  }
0x7a: {  	_ =	shalt  }
0x7b: {  	_ =	shalt  }
0x7c: {  	_ =	shalt  }
0x7d: {  	_ =	shalt  }
0x7e: {  	_ =	shalt  }
0x7f: {  	_ =	shalt  }
0x80: {  	_ =	shalt  }
0x81: {  	_ =	shalt  }
0x82: {  	_ =	shalt  }
0x83: {  	_ =	shalt  }
0x84: {  	_ =	shalt  }
0x85: {  	_ =	shalt  }
0x86: {  	_ =	shalt  }
0x87: {  	_ =	shalt  }
.Lfunc_end0:
.L_simem_size_0:
called_computation_lowered:
.L_overlay_start_0:
0x88: {  	s2 =	sld [smem:$0x3FD9]  }
0x89: {  	s3 =	sld [smem:$0x3FFE];
	_ =	sdelay $0x1  }
0x8a: {  	s1 =	srdreg.scid  }
0x8b: {  	s0 =	sand.u32 $0x1, s1  }
0x8c: {  	s17 =	sshll.u32 s0, $0xA;
	s2 =	sadd.s32 s3, s2  }
0x8d: {  	s2 =	sadd.s32 s2, s17  }
0x8e: {  	[smem:$0x3FC5] =	sst s2  }
0x8f: {  	_ = 	snop  }
0x90: {  	s2 =	sld [smem:$0x3FC9]  }
0x91: {  	s18 =	sld [smem:$0x3FC7]  }
0x92: {  	s4 =	sld [smem:$0x3FD0];
	(tm) =	ssettm $0x1  }
0x93: {  	s5 =	sld [smem:$0x3FFB];
	_ =	sdelay $0x3  }
0x94: {  	_ =	strace s5  }
0x95: {  	s5 =	sld [smem:$0x3FFC];
	_ =	sdelay $0x3  }
0x96: {  	_ =	strace s5  }
0x97: {  	s5 =	sld [smem:$0x3FFD];
	_ =	sdelay $0x3  }
0x98: {  	_ =	strace s5  }
0x99: {  	_ =	strace $0x8FFFFFFF  }
0x9a: {  	s19 =	sld [smem:$0x3FDB];
	_ =	sdelay $0x1  }
0x9b: {  	s6 =	simm.s32 $_scs_section_size  }
0x9c: {  	s7 =	simm.s32 $_size__tile_overlayer_lowered;
	s8 =	simm.s32 $_tile_overlayer_lowered  }
0x9d: {  	s22 =	simm.s32 $0x1BFF;
	s21 =	sshll.u32 s8, $0x1;
	s5 =	sadd.s32 s6, s19  }
0x9e: {  	s9 =	simm.s32 $0x0;
	s20 =	sshll.u32 s7, $0x1;
	s7 =	sadd.s32 s21, s5  }
0x9f: {  	[timem:s9], [sflag:s22] =	dma.local [hbm:s7], s20  }
0xa0: {  	_ =	swait.ge [sflag:s22], s20  }
0xa1: {  	s6 =	ssub.s32 $0x0, s20;
	[sflag:s22] =	ssyncset.done $0x0  }
0xa2: {  	[sflag:s22] =	ssyncadd.s32 s6;
	_ =	sdelay $0x1  }
0xa3: {  	s23 =	simm.s32 $0x1B8B  }
0xa4: {  	_ =	swait.ge [sflag:s23], $0x1  }
0xa5: {  	[sflag:s23] =	ssyncset.done $0x0  }
0xa6: {  	s25 =	simm.s32 $0x1B8E;
	s24 =	sld [smem:$0x3FFE];
	[sflag:s23] =	ssyncadd.s32 $0xFFFFFFFF  }
0xa7: {  	s26 =	simm.s32 $execute0_lowered;
	[smem:$0x3FD2] =	sst s25  }
0xa8: {  	s7 =	sshll.u32 s26, $0x1;
	_ =	strace $0x80000046;
	[dreg:$0x1] =	wrdreg $0xFFFFFFFF  }
0xa9: {  	s28 =	simm.s32 $_size_execute0_lowered;
	s5 =	sadd.s32 s5, s7;
	[dreg:$0x0] =	wrdreg $0x0  }
0xaa: {  	s7 =	sshll.u32 s28, $0x1;
	[dreg:$0x2] =	wrdreg s5  }
0xab: {  	[dreg:$0x3] =	wrdreg s7  }
0xac: {  	[dreg:$0x4] =	wrdreg $0xC0  }
0xad: {  	_ =	task [dreg:s9], $0x5FFFF  }
0xae: {  	[dreg:$0x1] =	wrdreg $0xFFFFFFFF  }
0xaf: {  	[dreg:$0x0] =	wrdreg $0x60  }
0xb0: {  	[dreg:$0x2] =	wrdreg s2  }
0xb1: {  	[dreg:$0x3] =	wrdreg s24  }
0xb2: {  	[dreg:$0x4] =	wrdreg s18  }
0xb3: {  	[dreg:$0x5] =	wrdreg s4  }
0xb4: {  	[dreg:$0x6] =	wrdreg $0x9  }
0xb5: {  	_ =	task.clear_ibuf [dreg:s9], $0x7FFFF;
	_ =	strace $0x90000046  }
0xb6: {  	s29 =	simm.s32 $0x9;
	_ =	strace $0x80000048  }
0xb7: {  	_ =	swait.ge [sflag:s29], $0x1  }
0xb8: {  	[sflag:s29] =	ssyncadd.s32 $0xFFFFFFFF  }
0xb9: {  	_ =	strace $0x90000048  }
0xba: {  	_ =	sfence  }
0xbb: {  	s30 =	sld [smem:$0x0];
	_ =	sdelay $0x2  }
0xbc: {  	s31 =	sshll.u32 s1, $0xD;
	s1 =	sshrl.u32 s1, $0x2  }
0xbd: {  	s3 =	sand.u32 $0x4000, s31;
	s1 =	sadd.s32 s1, s30  }
0xbe: {  	s0 =	sor.u32 s3, s0;
	s1 =	sshll.u32 s1, $0x11  }
0xbf: {  	s0 =	sor.u32 s1, s0  }
0xc0: {  	s0 =	sadd.s32 $0x8F2B, s0  }
0xc1: {  	[sflag:s0] =	ssyncadd.remote.s32 $0x1  }
0xc2: {  	_ =	sfence.sel $0xFFFF  }
0xc3: {  	[dreg:$0x0] =	wrdreg $0xFFFFFFFF;
	(pc) =	sbr.abs _section_cstart, $3  }
0xc4: {  	[dreg:$0x1] =	wrdreg $0xFFFFFFFF  }
0xc5: {  	_ =	task.clear_ibuf [dreg:s9], $0x2FFFF;
	_ =	strace $0x9FFFFFFF  }
0xc6: {  	(tm) =	ssettm $0x7FFFFFFF  }
0xc7: {  	_ =	shalt  }
tec
execute0_lowered:
.L_overlay_start_1:
0x0: {  	(tag) =	ssettag $0x1  }
0x1: {  	s1 =	rddreg [dreg:$0x0]  }
0x2: {  	s0 =	rddreg [dreg:$0x1]  }
0x3: {  	s2 =	rddreg [dreg:$0x2]  }
0x4: {  	s6 =	rddreg [dreg:$0x3]  }
0x5: {  	s3 =	simm.s32 $0x0;
	s4 =	srdreg.scid;
	s5 =	stileid.u32  }
0x6: {  	s28 =	simm.s32 $0x10;
	s30 =	simm.s32 $0x6800;
	s4 =	sand.u32 $0x1, s4  }
0x7: {  	s5 =	sshll.u32 s5, $0xA;
	s7 =	ssub.s32 $0x2, s4;
	s4 =	sshll.u32 s4, $0xE  }
0x8: {  	s31 =	simm.s32 $0x7800;
	s29 =	simm.s32 $0x8000;
	s4 =	sor.u32 s5, s4  }
0x9: {  	s9 =	simm.s32 $0x0;
	[smem:$0x7FF] =	sst s3;
	s17 =	sadd.s32 s2, s4  }
0xa: {  	_ =	strace $0x80000047;
	s2 =	sadd.s32 $0x10, s17;
	[dreg:$0x5] =	wrdreg s17  }
0xb: {  	s8 =	sshrl.u32 s7, $0x1;
	s18 =	sadd.s32 $0x20, s17;
	[dreg:$0x6] =	wrdreg s2  }
0xc: {  	s5 =	sadd.s32 $0x400, s0;
	s19 =	sadd.s32 $0x30, s17;
	[dreg:$0x7] =	wrdreg s18  }
0xd: {  	s16 =	ssub.s32 s7, s8;
	s20 =	sadd.s32 $0x40, s17;
	[dreg:$0x8] =	wrdreg s19  }
0xe: {  	s22 =	sshll.u32 s4, $0x5;
	s21 =	sadd.s32 $0x50, s17;
	[dreg:$0x9] =	wrdreg s20  }
0xf: {  	s25 =	sshrl.u32 s4, $0x3;
	s23 =	sadd.s32 $0x60, s17;
	[dreg:$0xa] =	wrdreg s21  }
0x10: {  	s24 =	sadd.s32 s1, s22;
	s7 =	sadd.s32 $0x70, s17;
	[dreg:$0xb] =	wrdreg s23  }
0x11: {  	s0 =	smax.u32 s16, $0x1;
	s22 =	simm.s32 $0x9800;
	[dreg:$0xd] =	wrdreg s7  }
0x12: {  	[dreg:$0xc] =	wrdreg s24;
	s26 =	sadd.s32 $0x200, s24;
	s2 =	sadd.s32 s6, s25  }
.Ltmp0:
0x13: {  	[dreg:$0x10] =	wrdreg s0;
	s18 =	simm.s32 $0x80;
	(pc) =	sbr.rel .LBB2_1-.Ltmp0, $4  }
0x14: {  	s19 =	simm.s32 $0x400;
	s0 =	simm.s32 $0x7000;
	s20 =	simm.s32 $0x8800  }
0x15: {  	s21 =	simm.s32 $0x9000;
	s23 =	simm.s32 $0xB000;
	s24 =	simm.s32 $0x1  }
0x16: {  	s25 =	simm.s32 $0x2;
	s7 =	simm.s32 $0x4;
	[dreg:$0xe] =	wrdreg s26  }
0x17: {  	v0 =	vlaneseq.u32;
	[dreg:$0xf] =	wrdreg s2;
	s26 =	simm.s32 $0x3;
	s2 =	simm.s32 $0x6000  }
.LBB2_8:
0x18: {  	s6 =	rddreg [dreg:$0xf];
	s8 =	simm.s32 $0xC000;
	s16 =	simm.s32 $0x5  }
0x19: {  	[hbm4b:s6+s3] =	stream.linear.scatter [tilespmem:s8], [sflag:$0x5], $0x400, $0x38;
	[tilespmem:$0xC400] =	vst v63  }
0x1a: {  	_ =	swait.ge [sflag:s16], $0x400  }
0x1b: {  	s9 =	sadd.s32 $0x1, s9;
	s17 =	rddreg [dreg:$0x10]  }
0x1c: {  	p0 =	sne.s32 s9, s17  }
.Ltmp1:
0x1d: {  	_ = 	snop;
	(pc) =	sbr.rel @!p0 .LBB2_9-.Ltmp1, $3  }
0x1e: {  	_ =	sdelay $0x1  }
0x1f: {  	[sflag:s16] =	ssyncset.done $0x0  }
0x20: {  	[sflag:s16] =	ssyncadd.s32 $0xFFFFFC00  }
.LBB2_1:
0x21: {  	s6 =	rddreg [dreg:$0x5]  }
0x22: {  	[tilespmem:s3], [sflag:$0x3] =	stream.strided.gather [hbm4b:s6+s18], $0x400, s19, s18, $0x38;
	[tilespmem:$0xC400] =	vst v63  }
0x23: {  	s11 =	rddreg [dreg:$0x6]  }
0x24: {  	[tilespmem:s19], [sflag:$0x3] =	stream.strided.gather [hbm4b:s11+s18], $0x400, s19, s18, $0x38;
	[tilespmem:$0xC400] =	vst v63  }
0x25: {  	s12 =	rddreg [dreg:$0x7];
	s8 =	simm.s32 $0x800  }
0x26: {  	[tilespmem:s8], [sflag:$0x3] =	stream.strided.gather [hbm4b:s12+s18], $0x400, s19, s18, $0x38;
	[tilespmem:$0xC400] =	vst v63  }
0x27: {  	s13 =	rddreg [dreg:$0x8];
	s10 =	simm.s32 $0xC00  }
0x28: {  	[tilespmem:s10], [sflag:$0x3] =	stream.strided.gather [hbm4b:s13+s18], $0x400, s19, s18, $0x38;
	[tilespmem:$0xC400] =	vst v63  }
0x29: {  	s14 =	rddreg [dreg:$0x9];
	s11 =	simm.s32 $0x1000  }
0x2a: {  	[tilespmem:s11], [sflag:$0x3] =	stream.strided.gather [hbm4b:s14+s18], $0x400, s19, s18, $0x38;
	[tilespmem:$0xC400] =	vst v63  }
0x2b: {  	s15 =	rddreg [dreg:$0xa];
	s12 =	simm.s32 $0x1400  }
0x2c: {  	[tilespmem:s12], [sflag:$0x3] =	stream.strided.gather [hbm4b:s15+s18], $0x400, s19, s18, $0x38;
	[tilespmem:$0xC400] =	vst v63  }
0x2d: {  	s16 =	rddreg [dreg:$0xb];
	s13 =	simm.s32 $0x1800  }
0x2e: {  	[tilespmem:s13], [sflag:$0x3] =	stream.strided.gather [hbm4b:s16+s18], $0x400, s19, s18, $0x38;
	[tilespmem:$0xC400] =	vst v63  }
0x2f: {  	s17 =	rddreg [dreg:$0xd];
	s14 =	simm.s32 $0x1C00  }
0x30: {  	[tilespmem:s14], [sflag:$0x3] =	stream.strided.gather [hbm4b:s17+s18], $0x400, s19, s18, $0x38;
	[tilespmem:$0xC400] =	vst v63  }
0x31: {  	_ =	swait.ge [sflag:s26], $0x400  }
0x32: {  	[sflag:s26] =	ssyncset.done $0x0  }
0x33: {  	[sflag:s26] =	ssyncadd.s32 $0xFFFFFC00  }
0x34: {  	_ =	swait.ge [sflag:s26], $0x400  }
0x35: {  	[sflag:s26] =	ssyncset.done $0x0  }
0x36: {  	[sflag:s26] =	ssyncadd.s32 $0xFFFFFC00  }
0x37: {  	_ =	swait.ge [sflag:s26], $0x400  }
0x38: {  	[sflag:s26] =	ssyncset.done $0x0  }
0x39: {  	[sflag:s26] =	ssyncadd.s32 $0xFFFFFC00  }
0x3a: {  	_ =	swait.ge [sflag:s26], $0x400  }
0x3b: {  	[sflag:s26] =	ssyncset.done $0x0  }
0x3c: {  	[sflag:s26] =	ssyncadd.s32 $0xFFFFFC00  }
0x3d: {  	_ =	swait.ge [sflag:s26], $0x400  }
0x3e: {  	[sflag:s26] =	ssyncset.done $0x0  }
0x3f: {  	[sflag:s26] =	ssyncadd.s32 $0xFFFFFC00  }
0x40: {  	_ =	swait.ge [sflag:s26], $0x400  }
0x41: {  	[sflag:s26] =	ssyncset.done $0x0  }
0x42: {  	[sflag:s26] =	ssyncadd.s32 $0xFFFFFC00  }
0x43: {  	_ =	swait.ge [sflag:s26], $0x400  }
0x44: {  	[sflag:s26] =	ssyncset.done $0x0  }
0x45: {  	[sflag:s26] =	ssyncadd.s32 $0xFFFFFC00  }
0x46: {  	_ =	swait.ge [sflag:s26], $0x400  }
0x47: {  	[sflag:s26] =	ssyncset.done $0x0  }
0x48: {  	s15 =	simm.s32 $0x2000;
	[sflag:s26] =	ssyncadd.s32 $0xFFFFFC00  }
0x49: {  	[tilespmem:s15], [sflag:$0x1] =	stream.indirect.gather [hbm4b:s5+s28], $0x80, s3, s28, $0xb8;
	[tilespmem:$0xC400] =	vst v63  }
0x4a: {  	s16 =	simm.s32 $0x2800  }
0x4b: {  	[tilespmem:s16], [sflag:$0x1] =	stream.indirect.gather [hbm4b:s5+s28], $0x80, s19, s28, $0xb8;
	[tilespmem:$0xC400] =	vst v63  }
0x4c: {  	s17 =	simm.s32 $0x3000  }
0x4d: {  	[tilespmem:s17], [sflag:$0x1] =	stream.indirect.gather [hbm4b:s5+s28], $0x80, s8, s28, $0xb8;
	[tilespmem:$0xC400] =	vst v63  }
0x4e: {  	s8 =	simm.s32 $0x3800  }
0x4f: {  	[tilespmem:s8], [sflag:$0x1] =	stream.indirect.gather [hbm4b:s5+s28], $0x80, s10, s28, $0xb8;
	[tilespmem:$0xC400] =	vst v63  }
0x50: {  	s10 =	simm.s32 $0x4000  }
0x51: {  	[tilespmem:s10], [sflag:$0x1] =	stream.indirect.gather [hbm4b:s5+s28], $0x80, s11, s28, $0xb8;
	[tilespmem:$0xC400] =	vst v63  }
0x52: {  	s11 =	simm.s32 $0x4800  }
0x53: {  	[tilespmem:s11], [sflag:$0x1] =	stream.indirect.gather [hbm4b:s5+s28], $0x80, s12, s28, $0xb8;
	[tilespmem:$0xC400] =	vst v63  }
0x54: {  	s12 =	simm.s32 $0x5000  }
0x55: {  	[tilespmem:s12], [sflag:$0x1] =	stream.indirect.gather [hbm4b:s5+s28], $0x80, s13, s28, $0xb8;
	[tilespmem:$0xC400] =	vst v63  }
0x56: {  	s15 =	simm.s32 $0x5800  }
0x57: {  	[tilespmem:s15], [sflag:$0x1] =	stream.indirect.gather [hbm4b:s5+s28], $0x80, s14, s28, $0xb8;
	[tilespmem:$0xC400] =	vst v63  }
0x58: {  	s16 =	rddreg [dreg:$0xc];
	s17 =	simm.s32 $0xA000  }
0x59: {  	[tilespmem:s17], [sflag:$0x3] =	stream.linear.gather [hbm4b:s16+s3], $0x1000, $0x38;
	[tilespmem:$0xC400] =	vst v63  }
0x5a: {  	_ = 	snop  }
0x5b: {  	[tilespmem:s2], [sflag:$0x2] =	stream.indirect.gather [hbm4b:s5+s28], $0x80, s28, s28, $0xb8;
	[tilespmem:$0xC400] =	vst v63  }
0x5c: {  	s10 =	simm.s32 $0x410  }
0x5d: {  	[tilespmem:s30], [sflag:$0x2] =	stream.indirect.gather [hbm4b:s5+s28], $0x80, s10, s28, $0xb8;
	[tilespmem:$0xC400] =	vst v63  }
0x5e: {  	s11 =	simm.s32 $0x810  }
0x5f: {  	[tilespmem:s0], [sflag:$0x2] =	stream.indirect.gather [hbm4b:s5+s28], $0x80, s11, s28, $0xb8;
	[tilespmem:$0xC400] =	vst v63  }
0x60: {  	s12 =	simm.s32 $0xC10  }
0x61: {  	[tilespmem:s31], [sflag:$0x2] =	stream.indirect.gather [hbm4b:s5+s28], $0x80, s12, s28, $0xb8;
	[tilespmem:$0xC400] =	vst v63  }
0x62: {  	s13 =	simm.s32 $0x1010  }
0x63: {  	[tilespmem:s29], [sflag:$0x2] =	stream.indirect.gather [hbm4b:s5+s28], $0x80, s13, s28, $0xb8;
	[tilespmem:$0xC400] =	vst v63  }
0x64: {  	s14 =	simm.s32 $0x1410  }
0x65: {  	[tilespmem:s20], [sflag:$0x2] =	stream.indirect.gather [hbm4b:s5+s28], $0x80, s14, s28, $0xb8;
	[tilespmem:$0xC400] =	vst v63  }
0x66: {  	s15 =	simm.s32 $0x1810  }
0x67: {  	[tilespmem:s21], [sflag:$0x2] =	stream.indirect.gather [hbm4b:s5+s28], $0x80, s15, s28, $0xb8;
	[tilespmem:$0xC400] =	vst v63  }
0x68: {  	s16 =	simm.s32 $0x1C10  }
0x69: {  	[tilespmem:s22], [sflag:$0x2] =	stream.indirect.gather [hbm4b:s5+s28], $0x80, s16, s28, $0xb8;
	[tilespmem:$0xC400] =	vst v63  }
0x6a: {  	s17 =	rddreg [dreg:$0xe];
	s10 =	simm.s32 $0x0  }
0x6b: {  	[tilespmem:s23], [sflag:$0x4] =	stream.linear.gather [hbm4b:s17+s3], $0x1000, $0x38;
	[tilespmem:$0xC400] =	vst v63  }
.LBB2_2:
0x6c: {  	_ =	swait.ge [sflag:s24], $0x800  }
0x6d: {  	[sflag:s24] =	ssyncset.done $0x0  }
0x6e: {  	[sflag:s24] =	ssyncadd.s32 $0xFFFFF800  }
0x6f: {  	_ =	swait.ge [sflag:s24], $0x800  }
0x70: {  	[sflag:s24] =	ssyncset.done $0x0  }
0x71: {  	[sflag:s24] =	ssyncadd.s32 $0xFFFFF800  }
0x72: {  	_ =	swait.ge [sflag:s24], $0x800  }
0x73: {  	[sflag:s24] =	ssyncset.done $0x0  }
0x74: {  	[sflag:s24] =	ssyncadd.s32 $0xFFFFF800  }
0x75: {  	_ =	swait.ge [sflag:s24], $0x800  }
0x76: {  	[sflag:s24] =	ssyncset.done $0x0  }
0x77: {  	[sflag:s24] =	ssyncadd.s32 $0xFFFFF800  }
0x78: {  	_ =	swait.ge [sflag:s24], $0x800  }
0x79: {  	[sflag:s24] =	ssyncset.done $0x0  }
0x7a: {  	[sflag:s24] =	ssyncadd.s32 $0xFFFFF800  }
0x7b: {  	_ =	swait.ge [sflag:s24], $0x800  }
0x7c: {  	[sflag:s24] =	ssyncset.done $0x0  }
0x7d: {  	[sflag:s24] =	ssyncadd.s32 $0xFFFFF800  }
0x7e: {  	_ =	swait.ge [sflag:s24], $0x800  }
0x7f: {  	[sflag:s24] =	ssyncset.done $0x0  }
0x80: {  	[sflag:s24] =	ssyncadd.s32 $0xFFFFF800  }
0x81: {  	_ =	swait.ge [sflag:s24], $0x800  }
0x82: {  	[sflag:s24] =	ssyncset.done $0x0  }
0x83: {  	[sflag:s24] =	ssyncadd.s32 $0xFFFFF800  }
0x84: {  	_ =	swait.ge [sflag:s26], $0x1000  }
0x85: {  	[sflag:s26] =	ssyncset.done $0x0  }
0x86: {  	s6 =	simm.s32 $0x4000;
	[sflag:s26] =	ssyncadd.s32 $0xFFFFF000  }
0x87: {  	v1 =	vld [tilespmem:s6+$0xFFFFE070]  }
0x88: {  	v2 =	vld [tilespmem:s6+$0xFFFFE870]  }
0x89: {  	v3 =	vld [tilespmem:s6+$0xFFFFF070]  }
0x8a: {  	v4 =	vld [tilespmem:s6+$0xFFFFF870]  }
0x8b: {  	v5 =	vld [tilespmem:s6+$0x70]  }
0x8c: {  	v6 =	vld [tilespmem:s6+$0x870]  }
0x8d: {  	v7 =	vld [tilespmem:s6+$0xFFFFE060]  }
0x8e: {  	v8 =	vld [tilespmem:s6+$0xFFFFE860]  }
0x8f: {  	v9 =	vld [tilespmem:s6+$0xFFFFF060]  }
0x90: {  	v10 =	vld [tilespmem:s6+$0xFFFFF860]  }
0x91: {  	v11 =	vld [tilespmem:s6+$0x60]  }
0x92: {  	v12 =	vld [tilespmem:s6+$0x860]  }
0x93: {  	v13 =	vld [tilespmem:s6+$0xFFFFE050]  }
0x94: {  	v14 =	vld [tilespmem:s6+$0xFFFFE850]  }
0x95: {  	v15 =	vld [tilespmem:s6+$0xFFFFF050]  }
0x96: {  	v16 =	vld [tilespmem:s6+$0xFFFFF850]  }
0x97: {  	v17 =	vld [tilespmem:s6+$0x50]  }
0x98: {  	v18 =	vld [tilespmem:s6+$0x850]  }
0x99: {  	v19 =	vld [tilespmem:s6+$0xFFFFE040]  }
0x9a: {  	v20 =	vld [tilespmem:s6+$0xFFFFE840]  }
0x9b: {  	v21 =	vld [tilespmem:s6+$0xFFFFF040]  }
0x9c: {  	v22 =	vld [tilespmem:s6+$0xFFFFF840]  }
0x9d: {  	v23 =	vld [tilespmem:s6+$0x40]  }
0x9e: {  	v24 =	vld [tilespmem:s6+$0x840]  }
0x9f: {  	v25 =	vld [tilespmem:s6+$0xFFFFE030]  }
0xa0: {  	v26 =	vld [tilespmem:s6+$0xFFFFE830]  }
0xa1: {  	v27 =	vld [tilespmem:s6+$0xFFFFF030]  }
0xa2: {  	v28 =	vld [tilespmem:s6+$0xFFFFF830]  }
0xa3: {  	v29 =	vld [tilespmem:s6+$0x30]  }
0xa4: {  	v30 =	vld [tilespmem:s6+$0x830]  }
0xa5: {  	v31 =	vld [tilespmem:s6+$0xFFFFE020]  }
0xa6: {  	v32 =	vld [tilespmem:s6+$0xFFFFE820]  }
0xa7: {  	v33 =	vld [tilespmem:s6+$0xFFFFF020]  }
0xa8: {  	v34 =	vld [tilespmem:s6+$0xFFFFF820]  }
0xa9: {  	v35 =	vld [tilespmem:s6+$0xFFFFE010]  }
0xaa: {  	v36 =	vld [tilespmem:s6+$0xFFFFE810]  }
0xab: {  	v37 =	vld [tilespmem:s6+$0xFFFFF010]  }
0xac: {  	v38 =	vld [tilespmem:s6+$0xFFFFF810]  }
0xad: {  	v39 =	vld [tilespmem:s6+$0x10]  }
0xae: {  	v40 =	vld [tilespmem:s6+$0x810]  }
0xaf: {  	v41 =	vld [tilespmem:s6+$0x1010]  }
0xb0: {  	v42 =	vld [tilespmem:s6+$0xFFFFE000]  }
0xb1: {  	v43 =	vld [tilespmem:s6+$0xFFFFE800]  }
0xb2: {  	v44 =	vld [tilespmem:s6+$0xFFFFF000]  }
0xb3: {  	v45 =	vld [tilespmem:s6+$0xFFFFF800]  }
0xb4: {  	v46 =	vld [tilespmem:s6+$0x0]  }
0xb5: {  	v47 =	vld [tilespmem:s6+$0x800]  }
0xb6: {  	v48 =	vld [tilespmem:s6+$0x1000]  }
0xb7: {  	v49 =	vld [tilespmem:s6+$0x1800]  }
0xb8: {  	v50 =	vld [tilespmem:s6+$0x1810]  }
0xb9: {  	v51 =	vld [tilespmem:s6+$0x20]  }
0xba: {  	s12 =	simm.s32 $0x0;
	v52 =	vld [tilespmem:s6+$0x820]  }
0xbb: {  	s11 =	sand.u32 $0x800, s12;
	s13 =	sand.u32 $0x380, s12;
	v53 =	vld [tilespmem:s6+$0x1020]  }
0xbc: {  	s13 =	sor.u32 s13, s11;
	v54 =	vld [tilespmem:s6+$0x1820]  }
0xbd: {  	v55 =	vld [tilespmem:s13+$0xA000]  }
0xbe: {  	v56 =	vld [tilespmem:s13+$0xA400]  }
0xbf: {  	v57 =	vld [tilespmem:s6+$0x1030]  }
0xc0: {  	v58 =	vld [tilespmem:s13+$0xA010]  }
0xc1: {  	v61 =	vld [tilespmem:s6+$0x1040]  }
0xc2: {  	v59 =	vld [tilespmem:s6+$0x1830]  }
0xc3: {  	v60 =	vld [tilespmem:s13+$0xA410]  }
0xc4: {  	v62 =	vld [tilespmem:s13+$0xA020];
	v2 =	vadd.bf16 v2, v1;
	v3 =	vadd.bf16 v4, v3  }
0xc5: {  	v63 =	vld [tilespmem:s6+$0x1840];
	v8 =	vadd.bf16 v8, v7;
	v5 =	vadd.bf16 v6, v5  }
0xc6: {  	[tilespmem:$0x1FFE0] =	vst v61;
	v61 =	vld [tilespmem:s13+$0xA420];
	v10 =	vadd.bf16 v10, v9;
	v11 =	vadd.bf16 v12, v11  }
0xc7: {  	v1 =	vld [tilespmem:s6+$0x1050];
	v13 =	vadd.bf16 v14, v13;
	v14 =	vadd.bf16 v16, v15  }
0xc8: {  	v7 =	vld [tilespmem:s13+$0xA030];
	v16 =	vadd.bf16 v20, v19;
	v17 =	vadd.bf16 v18, v17  }
0xc9: {  	v12 =	vld [tilespmem:s6+$0x1850];
	v19 =	vadd.bf16 v22, v21;
	v20 =	vadd.bf16 v24, v23  }
0xca: {  	v15 =	vld [tilespmem:s13+$0xA430];
	v22 =	vadd.bf16 v26, v25;
	v23 =	vadd.bf16 v28, v27  }
0xcb: {  	v18 =	vld [tilespmem:s6+$0x1060];
	v25 =	vadd.bf16 v32, v31;
	v26 =	vadd.bf16 v30, v29  }
0xcc: {  	v21 =	vld [tilespmem:s13+$0xA040];
	v4 =	vadd.bf16 v36, v35;
	v6 =	vadd.bf16 v38, v37  }
0xcd: {  	v24 =	vld [tilespmem:s6+$0x1860];
	v9 =	vadd.bf16 v43, v42;
	v29 =	vadd.bf16 v45, v44  }
0xce: {  	v27 =	vld [tilespmem:s13+$0xA440];
	v31 =	vadd.bf16 v47, v46;
	v47 =	vadd.bf16 v49, v48  }
0xcf: {  	v28 =	vld [tilespmem:s6+$0x1070];
	v48 =	vadd.bf16 v40, v39;
	v49 =	vadd.bf16 v50, v41  }
0xd0: {  	v30 =	vld [tilespmem:s13+$0xA050];
	v29 =	vadd.bf16 v29, v9;
	v31 =	vadd.bf16 v47, v31  }
0xd1: {  	v35 =	vld [tilespmem:s6+$0x1870];
	v6 =	vadd.bf16 v6, v4  }
0xd2: {  	v38 =	vld [tilespmem:s13+$0xA450];
	v29 =	vadd.bf16 v31, v29;
	v31 =	vadd.bf16 v49, v48  }
0xd3: {  	v50 =	vadd.bf16 v34, v33;
	v33 =	vld [tilespmem:s13+$0xA060];
	v53 =	vadd.bf16 v54, v53  }
0xd4: {  	v37 =	vld [tilespmem:s13+$0xA460];
	v54 =	vshll.u32 v29, $0x10;
	v29 =	vand.u32 $0xFFFF0000, v29;
	v31 =	vadd.bf16 v31, v6  }
0xd5: {  	s11 =	simm.s32 $0x4080;
	v40 =	vld [tilespmem:s13+$0xA070];
	v39 =	vsub.f32 v55, v54;
	v29 =	vsub.f32 v56, v29  }
0xd6: {  	v52 =	vadd.bf16 v52, v51;
	v36 =	vld [tilespmem:s11+$0xFFFFF870];
	v56 =	vshll.u32 v31, $0x10  }
0xd7: {  	v41 =	vld [tilespmem:s13+$0xA470];
	v39 =	vmul.f32 v39, v39;
	v29 =	vmul.f32 v29, v29;
	v32 =	vsub.f32 v58, v56  }
0xd8: {  	v42 =	vld [tilespmem:s11+$0x70];
	v25 =	vadd.bf16 v50, v25;
	[tilespmem:$0x1FFF0] =	vst v61;
	v61 =	vadd.bf16 v59, v57;
	v31 =	vand.u32 $0xFFFF0000, v31  }
0xd9: {  	v43 =	vld [tilespmem:s11+$0xFFFFE060];
	v31 =	vsub.f32 v60, v31;
	v29 =	vadd.f32 v29, v39;
	v32 =	vmul.f32 v32, v32  }
0xda: {  	v44 =	vld [tilespmem:s11+$0xFFFFE860];
	v22 =	vadd.bf16 v23, v22;
	v26 =	vadd.bf16 v61, v26  }
0xdb: {  	v45 =	vld [tilespmem:s11+$0xFFFFF060];
	v34 =	vadd.bf16 v53, v52;
	v31 =	vmul.f32 v31, v31;
	v29 =	vadd.f32 v32, v29  }
0xdc: {  	v22 =	vadd.bf16 v26, v22;
	v26 =	vld [tilespmem:$0x1FFE0]  }
0xdd: {  	v25 =	vadd.bf16 v34, v25;
	v29 =	vadd.f32 v29, v31;
	v31 =	vld [tilespmem:$0x1FFF0]  }
0xde: {  	v46 =	vld [tilespmem:s11+$0xFFFFF860]  }
0xdf: {  	v51 =	vld [tilespmem:s11+$0xFFFFF850];
	v23 =	vshll.u32 v25, $0x10  }
0xe0: {  	v9 =	vld [tilespmem:s11+$0xFFFFE070];
	v23 =	vsub.f32 v62, v23  }
0xe1: {  	v4 =	vld [tilespmem:s11+$0xFFFFE870];
	v25 =	vand.u32 $0xFFFF0000, v25;
	v26 =	vadd.bf16 v63, v26  }
0xe2: {  	v47 =	vld [tilespmem:s11+$0x60];
	v23 =	vmul.f32 v23, v23;
	v25 =	vsub.f32 v31, v25  }
0xe3: {  	v16 =	vadd.bf16 v19, v16;
	v50 =	vld [tilespmem:s11+$0xFFFFF050];
	v19 =	vadd.bf16 v26, v20;
	v31 =	vshll.u32 v22, $0x10  }
0xe4: {  	v52 =	vld [tilespmem:s11+$0x50];
	v20 =	vadd.f32 v23, v29;
	v7 =	vsub.f32 v7, v31;
	v23 =	vmul.f32 v25, v25  }
0xe5: {  	v53 =	vld [tilespmem:s11+$0x850];
	v1 =	vadd.bf16 v12, v1;
	v16 =	vadd.bf16 v19, v16;
	v22 =	vand.u32 $0xFFFF0000, v22  }
0xe6: {  	v49 =	vld [tilespmem:s11+$0xFFFFE850];
	v15 =	vsub.f32 v15, v22;
	v7 =	vmul.f32 v7, v7;
	v19 =	vadd.f32 v20, v23  }
0xe7: {  	v13 =	vadd.bf16 v14, v13;
	v34 =	vld [tilespmem:s11+$0xFFFFF800];
	v1 =	vadd.bf16 v1, v17;
	v20 =	vshll.u32 v16, $0x10  }
0xe8: {  	v12 =	vld [tilespmem:s11+$0xFFFFE050];
	v14 =	vmul.f32 v15, v15;
	v15 =	vsub.f32 v21, v20;
	v7 =	vadd.f32 v7, v19  }
0xe9: {  	v6 =	vld [tilespmem:s11+$0xFFFFF070];
	v1 =	vadd.bf16 v1, v13;
	v13 =	vadd.bf16 v24, v18;
	v16 =	vand.u32 $0xFFFF0000, v16  }
0xea: {  	v54 =	vld [tilespmem:s11+$0xFFFFE840];
	v15 =	vmul.f32 v15, v15;
	v7 =	vadd.f32 v7, v14;
	v14 =	vsub.f32 v27, v16  }
0xeb: {  	v8 =	vadd.bf16 v10, v8;
	v61 =	vld [tilespmem:s11+$0xFFFFF840];
	v10 =	vadd.bf16 v13, v11;
	v16 =	vshll.u32 v1, $0x10  }
0xec: {  	v62 =	vld [tilespmem:s11+$0x40];
	v7 =	vadd.f32 v15, v7;
	v13 =	vmul.f32 v14, v14;
	v14 =	vsub.f32 v30, v16  }
0xed: {  	v17 =	vld [tilespmem:s11+$0xFFFFE830];
	v8 =	vadd.bf16 v10, v8;
	v10 =	vadd.bf16 v35, v28;
	v1 =	vand.u32 $0xFFFF0000, v1  }
0xee: {  	v60 =	vld [tilespmem:s11+$0xFFFFF040];
	v1 =	vsub.f32 v38, v1;
	v7 =	vadd.f32 v7, v13;
	v13 =	vmul.f32 v14, v14  }
0xef: {  	v2 =	vadd.bf16 v3, v2;
	v18 =	vld [tilespmem:s11+$0xFFFFF030];
	v3 =	vadd.bf16 v10, v5;
	v14 =	vshll.u32 v8, $0x10  }
0xf0: {  	v24 =	vld [tilespmem:s11+$0x830];
	v1 =	vmul.f32 v1, v1;
	v5 =	vadd.f32 v13, v7;
	v7 =	vsub.f32 v33, v14  }
0xf1: {  	v39 =	vld [tilespmem:s11+$0x870];
	v2 =	vadd.bf16 v3, v2;
	v8 =	vand.u32 $0xFFFF0000, v8  }
0xf2: {  	v11 =	vld [tilespmem:s11+$0xFFFFE040];
	v3 =	vsub.f32 v37, v8;
	v1 =	vadd.f32 v5, v1;
	v5 =	vmul.f32 v7, v7  }
0xf3: {  	v28 =	vld [tilespmem:s11+$0xFFFFE810];
	v7 =	vshll.u32 v2, $0x10  }
0xf4: {  	v32 =	vld [tilespmem:s11+$0xFFFFE800];
	v3 =	vmul.f32 v3, v3;
	v1 =	vadd.f32 v5, v1;
	v5 =	vsub.f32 v40, v7  }
0xf5: {  	v35 =	vld [tilespmem:s11+$0x0];
	v2 =	vand.u32 $0xFFFF0000, v2  }
0xf6: {  	v63 =	vld [tilespmem:s11+$0x860];
	v2 =	vsub.f32 v41, v2;
	v1 =	vadd.f32 v1, v3;
	v3 =	vmul.f32 v5, v5  }
0xf7: {  	v26 =	vld [tilespmem:s11+$0xFFFFE820]  }
0xf8: {  	v29 =	vld [tilespmem:s11+$0xFFFFF010];
	v2 =	vmul.f32 v2, v2;
	v1 =	vadd.f32 v3, v1  }
0xf9: {  	v22 =	vld [tilespmem:s11+$0x810]  }
0xfa: {  	v31 =	vld [tilespmem:s11+$0xFFFFE000];
	v1 =	vadd.f32 v1, v2  }
0xfb: {  	v25 =	vld [tilespmem:s11+$0xFFFFE020]  }
0xfc: {  	v23 =	vld [tilespmem:s11+$0x1010];
	(xrf2) =	vadd.scan.msk.f32 $0xffff, v1  }
0xfd: {  	v21 =	vld [tilespmem:s11+$0xFFFFF830]  }
0xfe: {  	v20 =	vld [tilespmem:s11+$0x10]  }
0xff: {  	v19 =	vld [tilespmem:s11+$0x30]  }
0x100: {  	v13 =	vld [tilespmem:s11+$0x840]  }
0x101: {  	v27 =	vld [tilespmem:s11+$0xFFFFE010]  }
0x102: {  	v38 =	vld [tilespmem:s11+$0x1800]  }
0x103: {  	v10 =	vmov s12;
	v16 =	vld [tilespmem:s11+$0xFFFFE030]  }
0x104: {  	vm0 =	veq.s32 v10, v0;
	v11 =	vadd.bf16 v54, v11;
	v10 =	vadd.bf16 v53, v52;
	v15 =	vld [tilespmem:s11+$0xFFFFF820]  }
0x105: {  	v30 =	vld [tilespmem:s11+$0xFFFFF810];
	v7 =	vadd.bf16 v63, v47;
	v13 =	vadd.bf16 v13, v62  }
0x106: {  	v37 =	vld [tilespmem:s11+$0x1000];
	v5 =	vadd.bf16 v44, v43;
	v3 =	vadd.bf16 v36, v6;
	v8, _, _ =	vpop (xrf2)  }
0x107: {  	v14 =	vld [tilespmem:s11+$0xFFFFF020];
	v6 =	vadd.bf16 v46, v45;
	v2 =	vadd.bf16 v4, v9;
	v63 =	vbroadcast v8, $0xF  }
0x108: {  	v33 =	vld [tilespmem:s11+$0xFFFFF000];
	v4 =	vadd.bf16 v39, v42;
	v9 =	vadd.bf16 v51, v50;
	v1 =	vimm.f32 $0.0e+00  }
0x109: {  	s14 =	simm.s32 $0x1;
	s16 =	simm.s32 $0x2;
	s15 =	simm.s32 $0x0;
	v36 =	vld [tilespmem:s11+$0x800];
	v8 =	vadd.bf16 v49, v12;
	v12 =	vadd.bf16 v61, v60;
	v1 =	vsel vm0, v63, v1  }
.LBB2_3:
0x10a: {  	p0 =	sne.s32 s16, $0xF;
	v39 =	vld [tilespmem:s11+$0x1810];
	v16 =	vadd.bf16 v17, v16;
	v17 =	vadd.bf16 v21, v18  }
0x10b: {  	v21 =	vadd.bf16 v26, v25;
	v19 =	vadd.bf16 v24, v19;
	v18 =	vld [tilespmem:s11+$0x20]  }
0x10c: {  	v24 =	vadd.bf16 v28, v27;
	v25 =	vadd.bf16 v30, v29;
	s12 =	sadd.s32 $0x100, s12;
	s15 =	sadd.s32 $0x80, s15;
	v26 =	vld [tilespmem:s11+$0x820]  }
0x10d: {  	v27 =	vadd.bf16 v32, v31;
	v28 =	vadd.bf16 v34, v33;
	s6 =	sand.u32 $0x800, s12;
	s13 =	sand.u32 $0x380, s15;
	v29 =	vld [tilespmem:s11+$0x1020]  }
0x10e: {  	v30 =	vadd.bf16 v36, v35;
	s13 =	sor.u32 s13, s6;
	v31 =	vadd.bf16 v38, v37;
	v32 =	vld [tilespmem:s11+$0x1820]  }
0x10f: {  	v20 =	vadd.bf16 v22, v20;
	v33 =	vld [tilespmem:s13+$0xA000];
	v22 =	vadd.bf16 v39, v23  }
0x110: {  	v23 =	vadd.bf16 v28, v27;
	v27 =	vadd.bf16 v31, v30;
	v28 =	vld [tilespmem:s13+$0xA400]  }
0x111: {  	v14 =	vadd.bf16 v15, v14;
	v24 =	vadd.bf16 v25, v24;
	v15 =	vld [tilespmem:s11+$0x1030]  }
0x112: {  	v20 =	vadd.bf16 v22, v20;
	v23 =	vadd.bf16 v27, v23;
	v22 =	vld [tilespmem:s13+$0xA010]  }
0x113: {  	v18 =	vadd.bf16 v26, v18;
	v25 =	vadd.bf16 v32, v29;
	v26 =	vld [tilespmem:s11+$0x1830]  }
0x114: {  	v20 =	vadd.bf16 v20, v24;
	v27 =	vshll.u32 v23, $0x10;
	v23 =	vand.u32 $0xFFFF0000, v23;
	v24 =	vld [tilespmem:s13+$0xA410]  }
0x115: {  	v27 =	vsub.f32 v33, v27;
	v23 =	vsub.f32 v28, v23;
	v28 =	vld [tilespmem:s11+$0x1040]  }
0x116: {  	v14 =	vadd.bf16 v14, v21;
	v29 =	vshll.u32 v20, $0x10;
	v18 =	vadd.bf16 v25, v18;
	v21 =	vld [tilespmem:s13+$0xA020]  }
0x117: {  	v25 =	vmul.f32 v27, v27;
	v23 =	vmul.f32 v23, v23;
	v22 =	vsub.f32 v22, v29;
	v27 =	vld [tilespmem:s11+$0x1840]  }
0x118: {  	v20 =	vand.u32 $0xFFFF0000, v20;
	v14 =	vadd.bf16 v18, v14;
	v18 =	vld [tilespmem:s13+$0xA420];
	v15 =	vadd.bf16 v26, v15  }
0x119: {  	v23 =	vadd.f32 v23, v25;
	v20 =	vsub.f32 v24, v20;
	v22 =	vmul.f32 v22, v22;
	v24 =	vld [tilespmem:s11+$0x1050]  }
0x11a: {  	v16 =	vadd.bf16 v17, v16;
	v25 =	vshll.u32 v14, $0x10;
	v15 =	vadd.bf16 v15, v19;
	v17 =	vld [tilespmem:s13+$0xA030]  }
0x11b: {  	v19 =	vadd.f32 v22, v23;
	v20 =	vmul.f32 v20, v20;
	v21 =	vsub.f32 v21, v25;
	v22 =	vld [tilespmem:s11+$0x1850]  }
0x11c: {  	v14 =	vand.u32 $0xFFFF0000, v14;
	v15 =	vadd.bf16 v15, v16;
	v16 =	vld [tilespmem:s13+$0xA430];
	v23 =	vadd.bf16 v27, v28  }
0x11d: {  	v19 =	vadd.f32 v19, v20;
	v14 =	vsub.f32 v18, v14;
	v18 =	vmul.f32 v21, v21;
	v20 =	vld [tilespmem:s11+$0x1060]  }
0x11e: {  	v11 =	vadd.bf16 v12, v11;
	v21 =	vshll.u32 v15, $0x10;
	v12 =	vadd.bf16 v23, v13;
	v13 =	vld [tilespmem:s13+$0xA040]  }
0x11f: {  	v18 =	vadd.f32 v18, v19;
	v14 =	vmul.f32 v14, v14;
	v17 =	vsub.f32 v17, v21;
	v19 =	vld [tilespmem:s11+$0x1860]  }
0x120: {  	v15 =	vand.u32 $0xFFFF0000, v15;
	v11 =	vadd.bf16 v12, v11;
	v12 =	vld [tilespmem:s13+$0xA440];
	v21 =	vadd.bf16 v22, v24  }
0x121: {  	v14 =	vadd.f32 v18, v14;
	v15 =	vsub.f32 v16, v15;
	v16 =	vmul.f32 v17, v17;
	v17 =	vld [tilespmem:s11+$0x1070]  }
0x122: {  	v8 =	vadd.bf16 v9, v8;
	v18 =	vshll.u32 v11, $0x10;
	v9 =	vadd.bf16 v21, v10;
	v10 =	vld [tilespmem:s13+$0xA050]  }
0x123: {  	v14 =	vadd.f32 v16, v14;
	v15 =	vmul.f32 v15, v15;
	v13 =	vsub.f32 v13, v18;
	v16 =	vld [tilespmem:s11+$0x1870]  }
0x124: {  	v11 =	vand.u32 $0xFFFF0000, v11;
	s11 =	sadd.s32 $0x80, s11;
	v9 =	vadd.bf16 v9, v8;
	v18 =	vld [tilespmem:s13+$0xA450];
	v19 =	vadd.bf16 v19, v20  }
0x125: {  	v8 =	vld [tilespmem:s11+$0xFFFFE070];
	v14 =	vadd.f32 v14, v15;
	v11 =	vsub.f32 v12, v11;
	v12 =	vmul.f32 v13, v13  }
0x126: {  	v6 =	vadd.bf16 v6, v5;
	v13 =	vshll.u32 v9, $0x10;
	v7 =	vadd.bf16 v19, v7;
	v15 =	vld [tilespmem:s13+$0xA060]  }
0x127: {  	v5 =	vld [tilespmem:s11+$0xFFFFE870];
	v12 =	vadd.f32 v12, v14;
	v11 =	vmul.f32 v11, v11;
	v10 =	vsub.f32 v10, v13  }
0x128: {  	v9 =	vand.u32 $0xFFFF0000, v9;
	v6 =	vadd.bf16 v7, v6;
	v7 =	vld [tilespmem:s13+$0xA460];
	v13 =	vadd.bf16 v16, v17  }
0x129: {  	v34 =	vld [tilespmem:s11+$0xFFFFF070];
	v11 =	vadd.f32 v12, v11;
	v9 =	vsub.f32 v18, v9;
	v10 =	vmul.f32 v10, v10  }
0x12a: {  	v2 =	vadd.bf16 v3, v2;
	v12 =	vshll.u32 v6, $0x10;
	v3 =	vadd.bf16 v13, v4;
	v4 =	vld [tilespmem:s13+$0xA070]  }
0x12b: {  	v13 =	vld [tilespmem:s11+$0xFFFFF870];
	v10 =	vadd.f32 v10, v11;
	v9 =	vmul.f32 v9, v9;
	v11 =	vsub.f32 v15, v12  }
0x12c: {  	v6 =	vand.u32 $0xFFFF0000, v6;
	v2 =	vadd.bf16 v3, v2;
	v3 =	vld [tilespmem:s13+$0xA470]  }
0x12d: {  	v12 =	vld [tilespmem:s11+$0x70];
	v9 =	vadd.f32 v10, v9;
	v6 =	vsub.f32 v7, v6;
	v7 =	vmul.f32 v11, v11  }
0x12e: {  	v10 =	vld [tilespmem:s11+$0x870];
	v11 =	vshll.u32 v2, $0x10  }
0x12f: {  	v35 =	vld [tilespmem:s11+$0xFFFFE060];
	v7 =	vadd.f32 v7, v9;
	v6 =	vmul.f32 v6, v6;
	v4 =	vsub.f32 v4, v11  }
0x130: {  	v2 =	vand.u32 $0xFFFF0000, v2;
	v9 =	vld [tilespmem:s11+$0xFFFFE860]  }
0x131: {  	v11 =	vld [tilespmem:s11+$0xFFFFF060];
	v6 =	vadd.f32 v7, v6;
	v2 =	vsub.f32 v3, v2;
	v3 =	vmul.f32 v4, v4  }
0x132: {  	v7 =	vld [tilespmem:s11+$0xFFFFF860]  }
0x133: {  	v36 =	vld [tilespmem:s11+$0x60];
	v3 =	vadd.f32 v3, v6;
	v2 =	vmul.f32 v2, v2  }
0x134: {  	v37 =	vld [tilespmem:s11+$0x860]  }
0x135: {  	v38 =	vld [tilespmem:s11+$0xFFFFE050];
	v2 =	vadd.f32 v3, v2  }
0x136: {  	v39 =	vld [tilespmem:s11+$0xFFFFE850]  }
0x137: {  	v40 =	vld [tilespmem:s11+$0xFFFFF050];
	(xrf2) =	vadd.scan.msk.f32 $0xffff, v2  }
0x138: {  	v41 =	vld [tilespmem:s11+$0xFFFFF850]  }
0x139: {  	v42 =	vld [tilespmem:s11+$0x50]  }
0x13a: {  	v43 =	vld [tilespmem:s11+$0x850]  }
0x13b: {  	v44 =	vld [tilespmem:s11+$0xFFFFE040]  }
0x13c: {  	v45 =	vld [tilespmem:s11+$0xFFFFE840]  }
0x13d: {  	v46 =	vld [tilespmem:s11+$0xFFFFF040]  }
0x13e: {  	v47 =	vld [tilespmem:s11+$0xFFFFF840]  }
0x13f: {  	v48 =	vld [tilespmem:s11+$0x40]  }
0x140: {  	v49 =	vld [tilespmem:s11+$0x840]  }
0x141: {  	v16 =	vld [tilespmem:s11+$0xFFFFE030];
	v2, _, _ =	vpop (xrf2)  }
0x142: {  	v3 =	vmov s14;
	s14 =	smov.u32 s16;
	v17 =	vld [tilespmem:s11+$0xFFFFE830];
	v2 =	vbroadcast v2, $0xF  }
0x143: {  	vm0 =	veq.s32 v3, v0;
	v18 =	vld [tilespmem:s11+$0xFFFFF030]  }
0x144: {  	v21 =	vld [tilespmem:s11+$0xFFFFF830];
	v1 =	vsel vm0, v2, v1  }
0x145: {  	v19 =	vld [tilespmem:s11+$0x30]  }
0x146: {  	v24 =	vld [tilespmem:s11+$0x830]  }
0x147: {  	v25 =	vld [tilespmem:s11+$0xFFFFE020]  }
0x148: {  	v26 =	vld [tilespmem:s11+$0xFFFFE820]  }
0x149: {  	v14 =	vld [tilespmem:s11+$0xFFFFF020]  }
0x14a: {  	v15 =	vld [tilespmem:s11+$0xFFFFF820]  }
0x14b: {  	v27 =	vld [tilespmem:s11+$0xFFFFE010]  }
0x14c: {  	v28 =	vld [tilespmem:s11+$0xFFFFE810]  }
0x14d: {  	v29 =	vld [tilespmem:s11+$0xFFFFF010]  }
0x14e: {  	v30 =	vld [tilespmem:s11+$0xFFFFF810]  }
0x14f: {  	v20 =	vld [tilespmem:s11+$0x10]  }
0x150: {  	v22 =	vld [tilespmem:s11+$0x810]  }
0x151: {  	v23 =	vld [tilespmem:s11+$0x1010]  }
0x152: {  	v31 =	vld [tilespmem:s11+$0xFFFFE000]  }
0x153: {  	v32 =	vld [tilespmem:s11+$0xFFFFE800]  }
0x154: {  	v3 =	vadd.bf16 v13, v34;
	v2 =	vadd.bf16 v5, v8;
	v33 =	vld [tilespmem:s11+$0xFFFFF000]  }
.Ltmp2:
0x155: {  	v4 =	vadd.bf16 v10, v12;
	v5 =	vadd.bf16 v9, v35;
	v34 =	vld [tilespmem:s11+$0xFFFFF800];
	(pc) =	sbr.rel @p0 .LBB2_3-.Ltmp2, $4  }
0x156: {  	v6 =	vadd.bf16 v7, v11;
	v7 =	vadd.bf16 v37, v36;
	v35 =	vld [tilespmem:s11+$0x0]  }
0x157: {  	v8 =	vadd.bf16 v39, v38;
	v9 =	vadd.bf16 v41, v40;
	v36 =	vld [tilespmem:s11+$0x800]  }
0x158: {  	v10 =	vadd.bf16 v43, v42;
	v11 =	vadd.bf16 v45, v44;
	v37 =	vld [tilespmem:s11+$0x1000]  }
0x159: {  	s16 =	sadd.s32 $0x1, s16;
	v12 =	vadd.bf16 v47, v46;
	v13 =	vadd.bf16 v49, v48;
	v38 =	vld [tilespmem:s11+$0x1800]  }
0x15a: {  	v16 =	vadd.bf16 v17, v16  }
0x15b: {  	v39 =	vld [tilespmem:s11+$0x1810];
	v17 =	vadd.bf16 v21, v18;
	v21 =	vadd.bf16 v26, v25  }
0x15c: {  	v18 =	vld [tilespmem:s11+$0x20];
	v19 =	vadd.bf16 v24, v19;
	v24 =	vadd.bf16 v28, v27  }
0x15d: {  	v25 =	vadd.bf16 v30, v29;
	v26 =	vld [tilespmem:s11+$0x820];
	s6 =	sadd.s32 $0x100, s12;
	s17 =	sadd.s32 $0x80, s15;
	v27 =	vadd.bf16 v32, v31  }
0x15e: {  	v28 =	vadd.bf16 v34, v33;
	v29 =	vld [tilespmem:s11+$0x1020];
	v20 =	vadd.bf16 v22, v20;
	s6 =	sand.u32 $0x800, s6;
	s12 =	sand.u32 $0x380, s17  }
0x15f: {  	v45 =	vld [tilespmem:s11+$0x1820];
	v30 =	vadd.bf16 v36, v35;
	s6 =	sor.u32 s12, s6;
	v31 =	vadd.bf16 v38, v37  }
0x160: {  	v14 =	vadd.bf16 v15, v14;
	v46 =	vld [tilespmem:s6+$0xA000];
	v22 =	vadd.bf16 v39, v23  }
0x161: {  	v23 =	vadd.bf16 v28, v27;
	v28 =	vld [tilespmem:s6+$0xA400];
	v27 =	vadd.bf16 v31, v30  }
0x162: {  	v15 =	vld [tilespmem:s11+$0x1030];
	v24 =	vadd.bf16 v25, v24;
	v14 =	vadd.bf16 v14, v21  }
0x163: {  	v20 =	vadd.bf16 v22, v20;
	v22 =	vld [tilespmem:s6+$0xA010];
	v23 =	vadd.bf16 v27, v23  }
0x164: {  	v18 =	vadd.bf16 v26, v18;
	v25 =	vadd.bf16 v45, v29;
	v26 =	vld [tilespmem:s11+$0x1830]  }
0x165: {  	v20 =	vadd.bf16 v20, v24;
	v24 =	vld [tilespmem:s6+$0xA410];
	v27 =	vshll.u32 v23, $0x10;
	v23 =	vand.u32 $0xFFFF0000, v23  }
0x166: {  	v21 =	vld [tilespmem:s6+$0xA020];
	v27 =	vsub.f32 v46, v27;
	v23 =	vsub.f32 v28, v23  }
0x167: {  	v16 =	vadd.bf16 v17, v16;
	v18 =	vadd.bf16 v25, v18;
	v28 =	vld [tilespmem:s11+$0x1040];
	v29 =	vshll.u32 v20, $0x10  }
0x168: {  	v22 =	vsub.f32 v22, v29;
	v25 =	vmul.f32 v27, v27;
	v23 =	vmul.f32 v23, v23;
	v27 =	vld [tilespmem:s11+$0x1840]  }
0x169: {  	v14 =	vadd.bf16 v18, v14;
	v18 =	vld [tilespmem:s6+$0xA420];
	v15 =	vadd.bf16 v26, v15;
	v20 =	vand.u32 $0xFFFF0000, v20  }
0x16a: {  	v17 =	vld [tilespmem:s6+$0xA030];
	v20 =	vsub.f32 v24, v20;
	v22 =	vmul.f32 v22, v22;
	v23 =	vadd.f32 v23, v25  }
0x16b: {  	v15 =	vadd.bf16 v15, v19;
	v24 =	vld [tilespmem:s11+$0x1050];
	v25 =	vshll.u32 v14, $0x10  }
0x16c: {  	v20 =	vmul.f32 v20, v20;
	v21 =	vsub.f32 v21, v25;
	v19 =	vadd.f32 v22, v23;
	v22 =	vld [tilespmem:s11+$0x1850]  }
0x16d: {  	v15 =	vadd.bf16 v15, v16;
	v16 =	vld [tilespmem:s6+$0xA430];
	v14 =	vand.u32 $0xFFFF0000, v14;
	v23 =	vadd.bf16 v27, v28  }
0x16e: {  	v14 =	vsub.f32 v18, v14;
	v18 =	vmul.f32 v21, v21;
	v19 =	vadd.f32 v19, v20;
	v20 =	vld [tilespmem:s11+$0x1060]  }
0x16f: {  	v11 =	vadd.bf16 v12, v11;
	v21 =	vshll.u32 v15, $0x10;
	v12 =	vadd.bf16 v23, v13;
	v13 =	vld [tilespmem:s6+$0xA040]  }
0x170: {  	v14 =	vmul.f32 v14, v14;
	v17 =	vsub.f32 v17, v21;
	v18 =	vadd.f32 v18, v19;
	v19 =	vld [tilespmem:s11+$0x1860]  }
0x171: {  	v15 =	vand.u32 $0xFFFF0000, v15;
	v11 =	vadd.bf16 v12, v11;
	v12 =	vld [tilespmem:s6+$0xA440];
	v21 =	vadd.bf16 v22, v24  }
0x172: {  	v15 =	vsub.f32 v16, v15;
	v16 =	vmul.f32 v17, v17;
	v17 =	vld [tilespmem:s11+$0x1070];
	v14 =	vadd.f32 v18, v14  }
0x173: {  	v8 =	vadd.bf16 v9, v8;
	v18 =	vshll.u32 v11, $0x10;
	v9 =	vadd.bf16 v21, v10;
	v10 =	vld [tilespmem:s6+$0xA050]  }
0x174: {  	v15 =	vmul.f32 v15, v15;
	v14 =	vadd.f32 v16, v14;
	v13 =	vsub.f32 v13, v18;
	v16 =	vld [tilespmem:s11+$0x1870]  }
0x175: {  	v11 =	vand.u32 $0xFFFF0000, v11;
	v8 =	vadd.bf16 v9, v8;
	v9 =	vld [tilespmem:s6+$0xA450];
	v18 =	vadd.bf16 v19, v20  }
0x176: {  	v14 =	vadd.f32 v14, v15;
	v11 =	vsub.f32 v12, v11;
	v12 =	vmul.f32 v13, v13  }
0x177: {  	v5 =	vadd.bf16 v6, v5;
	v13 =	vshll.u32 v8, $0x10;
	v6 =	vadd.bf16 v18, v7;
	v7 =	vld [tilespmem:s6+$0xA060]  }
0x178: {  	v12 =	vadd.f32 v12, v14;
	v11 =	vmul.f32 v11, v11;
	v10 =	vsub.f32 v10, v13  }
0x179: {  	v8 =	vand.u32 $0xFFFF0000, v8;
	v5 =	vadd.bf16 v6, v5;
	v6 =	vld [tilespmem:s6+$0xA460];
	v13 =	vadd.bf16 v16, v17  }
0x17a: {  	v11 =	vadd.f32 v12, v11;
	v8 =	vsub.f32 v9, v8;
	v9 =	vmul.f32 v10, v10  }
0x17b: {  	v2 =	vadd.bf16 v3, v2;
	v10 =	vshll.u32 v5, $0x10;
	v3 =	vadd.bf16 v13, v4;
	v4 =	vld [tilespmem:s6+$0xA070]  }
0x17c: {  	v9 =	vadd.f32 v9, v11;
	v8 =	vmul.f32 v8, v8;
	v7 =	vsub.f32 v7, v10  }
0x17d: {  	v5 =	vand.u32 $0xFFFF0000, v5;
	v2 =	vadd.bf16 v3, v2;
	v3 =	vld [tilespmem:s6+$0xA470]  }
0x17e: {  	v8 =	vadd.f32 v9, v8;
	v5 =	vsub.f32 v6, v5;
	v6 =	vmul.f32 v7, v7  }
0x17f: {  	v7 =	vshll.u32 v2, $0x10  }
0x180: {  	v6 =	vadd.f32 v6, v8;
	v5 =	vmul.f32 v5, v5;
	v4 =	vsub.f32 v4, v7  }
0x181: {  	v2 =	vand.u32 $0xFFFF0000, v2  }
0x182: {  	v5 =	vadd.f32 v6, v5;
	v2 =	vsub.f32 v3, v2;
	v3 =	vmul.f32 v4, v4;
	_ =	sdelay $0x1  }
0x183: {  	v3 =	vadd.f32 v3, v5;
	v2 =	vmul.f32 v2, v2;
	_ =	sdelay $0x1  }
0x184: {  	v2 =	vadd.f32 v3, v2;
	_ =	sdelay $0x1  }
0x185: {  	(xrf2) =	vadd.scan.msk.f32 $0xffff, v2;
	_ =	sdelay $0x9  }
0x186: {  	v2, _, _ =	vpop (xrf2)  }
0x187: {  	v3 =	vmov s14;
	v2 =	vbroadcast v2, $0xF  }
0x188: {  	s11 =	sshll.u32 s10, $0x5;
	vm0 =	veq.s32 v3, v0  }
0x189: {  	p0 =	seq.s32 s10, $0x1F;
	s12 =	sand.u32 $0x3FFFFFE0, s11;
	v1 =	vsel vm0, v2, v1  }
0x18a: {  	s13 =	simm.s32 @!p0 $0x10;
	s6 =	sadd.s32 @!p0 $0x20, s11;
	s14 =	simm.s32 @!p0 $0x2000;
	[tilespmem:s12+$0xC000] =	vst v1  }
0x18b: {  	[tilespmem:s14], [sflag:$0x1] =	stream.indirect.gather @!p0 [hbm4b:s5+s13], $0x80, s6, s13, $0xb8;
	[tilespmem:$0xC400] =	vst v63  }
0x18c: {  	s15 =	simm.s32 @!p0 $0x2800;
	s14 =	sadd.s32 @!p0 $0x420, s11  }
0x18d: {  	[tilespmem:s15], [sflag:$0x1] =	stream.indirect.gather @!p0 [hbm4b:s5+s13], $0x80, s14, s13, $0xb8;
	[tilespmem:$0xC400] =	vst v63  }
0x18e: {  	s14 =	sadd.s32 @!p0 $0x820, s11;
	s15 =	simm.s32 @!p0 $0x3000  }
0x18f: {  	[tilespmem:s15], [sflag:$0x1] =	stream.indirect.gather @!p0 [hbm4b:s5+s13], $0x80, s14, s13, $0xb8;
	[tilespmem:$0xC400] =	vst v63  }
0x190: {  	s14 =	sadd.s32 @!p0 $0xC20, s11;
	s15 =	simm.s32 @!p0 $0x3800  }
0x191: {  	[tilespmem:s15], [sflag:$0x1] =	stream.indirect.gather @!p0 [hbm4b:s5+s13], $0x80, s14, s13, $0xb8;
	[tilespmem:$0xC400] =	vst v63  }
0x192: {  	s14 =	sadd.s32 @!p0 $0x1020, s11;
	s15 =	simm.s32 @!p0 $0x4000  }
0x193: {  	[tilespmem:s15], [sflag:$0x1] =	stream.indirect.gather @!p0 [hbm4b:s5+s13], $0x80, s14, s13, $0xb8;
	[tilespmem:$0xC400] =	vst v63  }
0x194: {  	s14 =	sadd.s32 @!p0 $0x1420, s11;
	s15 =	simm.s32 @!p0 $0x4800  }
0x195: {  	[tilespmem:s15], [sflag:$0x1] =	stream.indirect.gather @!p0 [hbm4b:s5+s13], $0x80, s14, s13, $0xb8;
	[tilespmem:$0xC400] =	vst v63  }
0x196: {  	s6 =	sadd.s32 @!p0 s4, s6;
	s14 =	sadd.s32 @!p0 $0x1820, s11;
	s15 =	simm.s32 @!p0 $0x5000  }
0x197: {  	[tilespmem:s15], [sflag:$0x1] =	stream.indirect.gather @!p0 [hbm4b:s5+s13], $0x80, s14, s13, $0xb8;
	[tilespmem:$0xC400] =	vst v63  }
0x198: {  	s6 =	sshll.u32 @!p0 s6, $0x5;
	s14 =	sadd.s32 @!p0 $0x1C20, s11;
	s15 =	simm.s32 @!p0 $0x5800  }
0x199: {  	[tilespmem:s15], [sflag:$0x1] =	stream.indirect.gather @!p0 [hbm4b:s5+s13], $0x80, s14, s13, $0xb8;
	[tilespmem:$0xC400] =	vst v63  }
0x19a: {  	s6 =	sadd.s32 @!p0 s1, s6;
	s13 =	simm.s32 @!p0 $0x0;
	s14 =	simm.s32 @!p0 $0xA000  }
0x19b: {  	[tilespmem:s14], [sflag:$0x3] =	stream.linear.gather @!p0 [hbm4b:s6+s13], $0x1000, $0x38;
	[tilespmem:$0xC400] =	vst v63  }
0x19c: {  	_ =	swait.ge [sflag:s25], $0x800  }
0x19d: {  	[sflag:s25] =	ssyncset.done $0x0  }
0x19e: {  	[sflag:s25] =	ssyncadd.s32 $0xFFFFF800  }
0x19f: {  	_ =	swait.ge [sflag:s25], $0x800  }
0x1a0: {  	[sflag:s25] =	ssyncset.done $0x0  }
0x1a1: {  	[sflag:s25] =	ssyncadd.s32 $0xFFFFF800  }
0x1a2: {  	_ =	swait.ge [sflag:s25], $0x800  }
0x1a3: {  	[sflag:s25] =	ssyncset.done $0x0  }
0x1a4: {  	[sflag:s25] =	ssyncadd.s32 $0xFFFFF800  }
0x1a5: {  	_ =	swait.ge [sflag:s25], $0x800  }
0x1a6: {  	[sflag:s25] =	ssyncset.done $0x0  }
0x1a7: {  	[sflag:s25] =	ssyncadd.s32 $0xFFFFF800  }
0x1a8: {  	_ =	swait.ge [sflag:s25], $0x800  }
0x1a9: {  	[sflag:s25] =	ssyncset.done $0x0  }
0x1aa: {  	[sflag:s25] =	ssyncadd.s32 $0xFFFFF800  }
0x1ab: {  	_ =	swait.ge [sflag:s25], $0x800  }
0x1ac: {  	[sflag:s25] =	ssyncset.done $0x0  }
0x1ad: {  	[sflag:s25] =	ssyncadd.s32 $0xFFFFF800  }
0x1ae: {  	_ =	swait.ge [sflag:s25], $0x800  }
0x1af: {  	[sflag:s25] =	ssyncset.done $0x0  }
0x1b0: {  	[sflag:s25] =	ssyncadd.s32 $0xFFFFF800  }
0x1b1: {  	_ =	swait.ge [sflag:s25], $0x800  }
0x1b2: {  	[sflag:s25] =	ssyncset.done $0x0  }
0x1b3: {  	[sflag:s25] =	ssyncadd.s32 $0xFFFFF800  }
0x1b4: {  	_ =	swait.ge [sflag:s7], $0x1000  }
0x1b5: {  	[sflag:s7] =	ssyncset.done $0x0  }
0x1b6: {  	s8 =	simm.s32 $0x8000;
	[sflag:s7] =	ssyncadd.s32 $0xFFFFF000  }
0x1b7: {  	v1 =	vld [tilespmem:s8+$0xFFFFE070]  }
0x1b8: {  	v2 =	vld [tilespmem:s8+$0xFFFFE870]  }
0x1b9: {  	v3 =	vld [tilespmem:s8+$0xFFFFF070]  }
0x1ba: {  	v4 =	vld [tilespmem:s8+$0xFFFFF870]  }
0x1bb: {  	v5 =	vld [tilespmem:s8+$0x70]  }
0x1bc: {  	v6 =	vld [tilespmem:s8+$0x870]  }
0x1bd: {  	v7 =	vld [tilespmem:s8+$0xFFFFE060]  }
0x1be: {  	v8 =	vld [tilespmem:s8+$0xFFFFE860]  }
0x1bf: {  	v9 =	vld [tilespmem:s8+$0xFFFFF060]  }
0x1c0: {  	v10 =	vld [tilespmem:s8+$0xFFFFF860]  }
0x1c1: {  	v11 =	vld [tilespmem:s8+$0x60]  }
0x1c2: {  	v12 =	vld [tilespmem:s8+$0x860]  }
0x1c3: {  	v13 =	vld [tilespmem:s8+$0xFFFFE050]  }
0x1c4: {  	v14 =	vld [tilespmem:s8+$0xFFFFE850]  }
0x1c5: {  	v15 =	vld [tilespmem:s8+$0xFFFFF050]  }
0x1c6: {  	v16 =	vld [tilespmem:s8+$0xFFFFF850]  }
0x1c7: {  	v17 =	vld [tilespmem:s8+$0x50]  }
0x1c8: {  	v18 =	vld [tilespmem:s8+$0x850]  }
0x1c9: {  	v19 =	vld [tilespmem:s8+$0xFFFFE040]  }
0x1ca: {  	v20 =	vld [tilespmem:s8+$0xFFFFE840]  }
0x1cb: {  	v21 =	vld [tilespmem:s8+$0xFFFFF040]  }
0x1cc: {  	v22 =	vld [tilespmem:s8+$0xFFFFF840]  }
0x1cd: {  	v23 =	vld [tilespmem:s8+$0x40]  }
0x1ce: {  	v24 =	vld [tilespmem:s8+$0x840]  }
0x1cf: {  	v25 =	vld [tilespmem:s8+$0xFFFFE030]  }
0x1d0: {  	v26 =	vld [tilespmem:s8+$0xFFFFE830]  }
0x1d1: {  	v27 =	vld [tilespmem:s8+$0xFFFFF030]  }
0x1d2: {  	v28 =	vld [tilespmem:s8+$0xFFFFF830]  }
0x1d3: {  	v29 =	vld [tilespmem:s8+$0x30]  }
0x1d4: {  	v30 =	vld [tilespmem:s8+$0x830]  }
0x1d5: {  	v31 =	vld [tilespmem:s8+$0xFFFFE020]  }
0x1d6: {  	v32 =	vld [tilespmem:s8+$0xFFFFE820]  }
0x1d7: {  	v33 =	vld [tilespmem:s8+$0xFFFFF020]  }
0x1d8: {  	v34 =	vld [tilespmem:s8+$0xFFFFF820]  }
0x1d9: {  	v35 =	vld [tilespmem:s8+$0xFFFFE010]  }
0x1da: {  	v36 =	vld [tilespmem:s8+$0xFFFFE810]  }
0x1db: {  	v37 =	vld [tilespmem:s8+$0xFFFFF010]  }
0x1dc: {  	v38 =	vld [tilespmem:s8+$0xFFFFF810]  }
0x1dd: {  	v39 =	vld [tilespmem:s8+$0x10]  }
0x1de: {  	v40 =	vld [tilespmem:s8+$0x810]  }
0x1df: {  	v41 =	vld [tilespmem:s8+$0x1010]  }
0x1e0: {  	v42 =	vld [tilespmem:s8+$0xFFFFE000]  }
0x1e1: {  	v43 =	vld [tilespmem:s8+$0xFFFFE800]  }
0x1e2: {  	v44 =	vld [tilespmem:s8+$0xFFFFF000]  }
0x1e3: {  	v45 =	vld [tilespmem:s8+$0xFFFFF800]  }
0x1e4: {  	v46 =	vld [tilespmem:s8+$0x0]  }
0x1e5: {  	v47 =	vld [tilespmem:s8+$0x800]  }
0x1e6: {  	v48 =	vld [tilespmem:s8+$0x1000]  }
0x1e7: {  	v49 =	vld [tilespmem:s8+$0x1800]  }
0x1e8: {  	v50 =	vld [tilespmem:s8+$0x1810]  }
0x1e9: {  	v51 =	vld [tilespmem:s8+$0x20]  }
0x1ea: {  	s15 =	simm.s32 $0x0;
	v52 =	vld [tilespmem:s8+$0x820]  }
0x1eb: {  	s16 =	sand.u32 $0x800, s15;
	s17 =	sand.u32 $0x380, s15;
	v53 =	vld [tilespmem:s8+$0x1020]  }
0x1ec: {  	s13 =	sor.u32 s17, s16;
	v54 =	vld [tilespmem:s8+$0x1820]  }
0x1ed: {  	v55 =	vld [tilespmem:s13+$0xB000]  }
0x1ee: {  	v56 =	vld [tilespmem:s13+$0xB400]  }
0x1ef: {  	v57 =	vld [tilespmem:s8+$0x1030]  }
0x1f0: {  	v58 =	vld [tilespmem:s13+$0xB010]  }
0x1f1: {  	v61 =	vld [tilespmem:s8+$0x1040]  }
0x1f2: {  	v59 =	vld [tilespmem:s8+$0x1830]  }
0x1f3: {  	v60 =	vld [tilespmem:s13+$0xB410]  }
0x1f4: {  	v62 =	vld [tilespmem:s13+$0xB020];
	v2 =	vadd.bf16 v2, v1;
	v3 =	vadd.bf16 v4, v3  }
0x1f5: {  	v63 =	vld [tilespmem:s8+$0x1840];
	v8 =	vadd.bf16 v8, v7;
	v5 =	vadd.bf16 v6, v5  }
0x1f6: {  	[tilespmem:$0x1FFC0] =	vst v61;
	v61 =	vld [tilespmem:s13+$0xB420];
	v10 =	vadd.bf16 v10, v9;
	v11 =	vadd.bf16 v12, v11  }
0x1f7: {  	v1 =	vld [tilespmem:s8+$0x1050];
	v13 =	vadd.bf16 v14, v13;
	v14 =	vadd.bf16 v16, v15  }
0x1f8: {  	v7 =	vld [tilespmem:s13+$0xB030];
	v16 =	vadd.bf16 v20, v19;
	v17 =	vadd.bf16 v18, v17  }
0x1f9: {  	v12 =	vld [tilespmem:s8+$0x1850];
	v19 =	vadd.bf16 v22, v21;
	v20 =	vadd.bf16 v24, v23  }
0x1fa: {  	v15 =	vld [tilespmem:s13+$0xB430];
	v22 =	vadd.bf16 v26, v25;
	v23 =	vadd.bf16 v28, v27  }
0x1fb: {  	v18 =	vld [tilespmem:s8+$0x1060];
	v25 =	vadd.bf16 v32, v31;
	v26 =	vadd.bf16 v30, v29  }
0x1fc: {  	v21 =	vld [tilespmem:s13+$0xB040];
	v4 =	vadd.bf16 v36, v35;
	v6 =	vadd.bf16 v38, v37  }
0x1fd: {  	v24 =	vld [tilespmem:s8+$0x1860];
	v9 =	vadd.bf16 v43, v42;
	v29 =	vadd.bf16 v45, v44  }
0x1fe: {  	v27 =	vld [tilespmem:s13+$0xB440];
	v31 =	vadd.bf16 v47, v46;
	v47 =	vadd.bf16 v49, v48  }
0x1ff: {  	v28 =	vld [tilespmem:s8+$0x1070];
	v48 =	vadd.bf16 v40, v39;
	v49 =	vadd.bf16 v50, v41  }
0x200: {  	v30 =	vld [tilespmem:s13+$0xB050];
	v29 =	vadd.bf16 v29, v9;
	v31 =	vadd.bf16 v47, v31  }
0x201: {  	v35 =	vld [tilespmem:s8+$0x1870];
	v6 =	vadd.bf16 v6, v4  }
0x202: {  	v38 =	vld [tilespmem:s13+$0xB450];
	v29 =	vadd.bf16 v31, v29;
	v31 =	vadd.bf16 v49, v48  }
0x203: {  	v50 =	vadd.bf16 v34, v33;
	v33 =	vld [tilespmem:s13+$0xB060];
	v53 =	vadd.bf16 v54, v53  }
0x204: {  	v37 =	vld [tilespmem:s13+$0xB460];
	v54 =	vshll.u32 v29, $0x10;
	v29 =	vand.u32 $0xFFFF0000, v29;
	v31 =	vadd.bf16 v31, v6  }
0x205: {  	s14 =	simm.s32 $0x8080;
	v40 =	vld [tilespmem:s13+$0xB070];
	v39 =	vsub.f32 v55, v54;
	v29 =	vsub.f32 v56, v29  }
0x206: {  	v52 =	vadd.bf16 v52, v51;
	v36 =	vld [tilespmem:s14+$0xFFFFF870];
	v56 =	vshll.u32 v31, $0x10  }
0x207: {  	v41 =	vld [tilespmem:s13+$0xB470];
	v39 =	vmul.f32 v39, v39;
	v29 =	vmul.f32 v29, v29;
	v32 =	vsub.f32 v58, v56  }
0x208: {  	v42 =	vld [tilespmem:s14+$0x70];
	v25 =	vadd.bf16 v50, v25;
	[tilespmem:$0x1FFD0] =	vst v61;
	v61 =	vadd.bf16 v59, v57;
	v31 =	vand.u32 $0xFFFF0000, v31  }
0x209: {  	v43 =	vld [tilespmem:s14+$0xFFFFE060];
	v31 =	vsub.f32 v60, v31;
	v29 =	vadd.f32 v29, v39;
	v32 =	vmul.f32 v32, v32  }
0x20a: {  	v44 =	vld [tilespmem:s14+$0xFFFFE860];
	v22 =	vadd.bf16 v23, v22;
	v26 =	vadd.bf16 v61, v26  }
0x20b: {  	v45 =	vld [tilespmem:s14+$0xFFFFF060];
	v34 =	vadd.bf16 v53, v52;
	v31 =	vmul.f32 v31, v31;
	v29 =	vadd.f32 v32, v29  }
0x20c: {  	v22 =	vadd.bf16 v26, v22;
	v26 =	vld [tilespmem:$0x1FFC0]  }
0x20d: {  	v25 =	vadd.bf16 v34, v25;
	v29 =	vadd.f32 v29, v31;
	v31 =	vld [tilespmem:$0x1FFD0]  }
0x20e: {  	v46 =	vld [tilespmem:s14+$0xFFFFF860]  }
0x20f: {  	v51 =	vld [tilespmem:s14+$0xFFFFF850];
	v23 =	vshll.u32 v25, $0x10  }
0x210: {  	v9 =	vld [tilespmem:s14+$0xFFFFE070];
	v23 =	vsub.f32 v62, v23  }
0x211: {  	v4 =	vld [tilespmem:s14+$0xFFFFE870];
	v25 =	vand.u32 $0xFFFF0000, v25;
	v26 =	vadd.bf16 v63, v26  }
0x212: {  	v47 =	vld [tilespmem:s14+$0x60];
	v23 =	vmul.f32 v23, v23;
	v25 =	vsub.f32 v31, v25  }
0x213: {  	v16 =	vadd.bf16 v19, v16;
	v50 =	vld [tilespmem:s14+$0xFFFFF050];
	v19 =	vadd.bf16 v26, v20;
	v31 =	vshll.u32 v22, $0x10  }
0x214: {  	v52 =	vld [tilespmem:s14+$0x50];
	v20 =	vadd.f32 v23, v29;
	v7 =	vsub.f32 v7, v31;
	v23 =	vmul.f32 v25, v25  }
0x215: {  	v53 =	vld [tilespmem:s14+$0x850];
	v1 =	vadd.bf16 v12, v1;
	v16 =	vadd.bf16 v19, v16;
	v22 =	vand.u32 $0xFFFF0000, v22  }
0x216: {  	v49 =	vld [tilespmem:s14+$0xFFFFE850];
	v15 =	vsub.f32 v15, v22;
	v7 =	vmul.f32 v7, v7;
	v19 =	vadd.f32 v20, v23  }
0x217: {  	v13 =	vadd.bf16 v14, v13;
	v34 =	vld [tilespmem:s14+$0xFFFFF800];
	v1 =	vadd.bf16 v1, v17;
	v20 =	vshll.u32 v16, $0x10  }
0x218: {  	v12 =	vld [tilespmem:s14+$0xFFFFE050];
	v14 =	vmul.f32 v15, v15;
	v15 =	vsub.f32 v21, v20;
	v7 =	vadd.f32 v7, v19  }
0x219: {  	v6 =	vld [tilespmem:s14+$0xFFFFF070];
	v1 =	vadd.bf16 v1, v13;
	v13 =	vadd.bf16 v24, v18;
	v16 =	vand.u32 $0xFFFF0000, v16  }
0x21a: {  	v54 =	vld [tilespmem:s14+$0xFFFFE840];
	v15 =	vmul.f32 v15, v15;
	v7 =	vadd.f32 v7, v14;
	v14 =	vsub.f32 v27, v16  }
0x21b: {  	v8 =	vadd.bf16 v10, v8;
	v61 =	vld [tilespmem:s14+$0xFFFFF840];
	v10 =	vadd.bf16 v13, v11;
	v16 =	vshll.u32 v1, $0x10  }
0x21c: {  	v62 =	vld [tilespmem:s14+$0x40];
	v7 =	vadd.f32 v15, v7;
	v13 =	vmul.f32 v14, v14;
	v14 =	vsub.f32 v30, v16  }
0x21d: {  	v17 =	vld [tilespmem:s14+$0xFFFFE830];
	v8 =	vadd.bf16 v10, v8;
	v10 =	vadd.bf16 v35, v28;
	v1 =	vand.u32 $0xFFFF0000, v1  }
0x21e: {  	v60 =	vld [tilespmem:s14+$0xFFFFF040];
	v1 =	vsub.f32 v38, v1;
	v7 =	vadd.f32 v7, v13;
	v13 =	vmul.f32 v14, v14  }
0x21f: {  	v2 =	vadd.bf16 v3, v2;
	v18 =	vld [tilespmem:s14+$0xFFFFF030];
	v3 =	vadd.bf16 v10, v5;
	v14 =	vshll.u32 v8, $0x10  }
0x220: {  	v24 =	vld [tilespmem:s14+$0x830];
	v1 =	vmul.f32 v1, v1;
	v5 =	vadd.f32 v13, v7;
	v7 =	vsub.f32 v33, v14  }
0x221: {  	v39 =	vld [tilespmem:s14+$0x870];
	v2 =	vadd.bf16 v3, v2;
	v8 =	vand.u32 $0xFFFF0000, v8  }
0x222: {  	v11 =	vld [tilespmem:s14+$0xFFFFE040];
	v3 =	vsub.f32 v37, v8;
	v1 =	vadd.f32 v5, v1;
	v5 =	vmul.f32 v7, v7  }
0x223: {  	v28 =	vld [tilespmem:s14+$0xFFFFE810];
	v7 =	vshll.u32 v2, $0x10  }
0x224: {  	v32 =	vld [tilespmem:s14+$0xFFFFE800];
	v3 =	vmul.f32 v3, v3;
	v1 =	vadd.f32 v5, v1;
	v5 =	vsub.f32 v40, v7  }
0x225: {  	v35 =	vld [tilespmem:s14+$0x0];
	v2 =	vand.u32 $0xFFFF0000, v2  }
0x226: {  	v63 =	vld [tilespmem:s14+$0x860];
	v2 =	vsub.f32 v41, v2;
	v1 =	vadd.f32 v1, v3;
	v3 =	vmul.f32 v5, v5  }
0x227: {  	v26 =	vld [tilespmem:s14+$0xFFFFE820]  }
0x228: {  	v29 =	vld [tilespmem:s14+$0xFFFFF010];
	v2 =	vmul.f32 v2, v2;
	v1 =	vadd.f32 v3, v1  }
0x229: {  	v22 =	vld [tilespmem:s14+$0x810]  }
0x22a: {  	v31 =	vld [tilespmem:s14+$0xFFFFE000];
	v1 =	vadd.f32 v1, v2  }
0x22b: {  	v25 =	vld [tilespmem:s14+$0xFFFFE020]  }
0x22c: {  	v23 =	vld [tilespmem:s14+$0x1010];
	(xrf2) =	vadd.scan.msk.f32 $0xffff, v1  }
0x22d: {  	v21 =	vld [tilespmem:s14+$0xFFFFF830]  }
0x22e: {  	v20 =	vld [tilespmem:s14+$0x10]  }
0x22f: {  	v19 =	vld [tilespmem:s14+$0x30]  }
0x230: {  	v13 =	vld [tilespmem:s14+$0x840]  }
0x231: {  	v27 =	vld [tilespmem:s14+$0xFFFFE010]  }
0x232: {  	v38 =	vld [tilespmem:s14+$0x1800]  }
0x233: {  	v10 =	vmov s15;
	v16 =	vld [tilespmem:s14+$0xFFFFE030]  }
0x234: {  	vm15 =	veq.s32 v10, v0;
	v11 =	vadd.bf16 v54, v11;
	v10 =	vadd.bf16 v53, v52;
	v15 =	vld [tilespmem:s14+$0xFFFFF820]  }
0x235: {  	v30 =	vld [tilespmem:s14+$0xFFFFF810];
	v7 =	vadd.bf16 v63, v47;
	v13 =	vadd.bf16 v13, v62  }
0x236: {  	v37 =	vld [tilespmem:s14+$0x1000];
	v5 =	vadd.bf16 v44, v43;
	v3 =	vadd.bf16 v36, v6;
	v8, _, _ =	vpop (xrf2)  }
0x237: {  	v14 =	vld [tilespmem:s14+$0xFFFFF020];
	v6 =	vadd.bf16 v46, v45;
	v2 =	vadd.bf16 v4, v9;
	v63 =	vbroadcast v8, $0xF  }
0x238: {  	v33 =	vld [tilespmem:s14+$0xFFFFF000];
	v4 =	vadd.bf16 v39, v42;
	v9 =	vadd.bf16 v51, v50;
	v1 =	vimm.f32 $0.0e+00  }
0x239: {  	s16 =	simm.s32 $0x1;
	s17 =	simm.s32 $0x0;
	s13 =	simm.s32 $0x2;
	v36 =	vld [tilespmem:s14+$0x800];
	v8 =	vadd.bf16 v49, v12;
	v12 =	vadd.bf16 v61, v60;
	v1 =	vsel vm15, v63, v1  }
.LBB2_5:
0x23a: {  	p1 =	sne.s32 s13, $0xF;
	v39 =	vld [tilespmem:s14+$0x1810];
	v16 =	vadd.bf16 v17, v16;
	v17 =	vadd.bf16 v21, v18  }
0x23b: {  	v21 =	vadd.bf16 v26, v25;
	v19 =	vadd.bf16 v24, v19;
	v18 =	vld [tilespmem:s14+$0x20]  }
0x23c: {  	v24 =	vadd.bf16 v28, v27;
	v25 =	vadd.bf16 v30, v29;
	s15 =	sadd.s32 $0x100, s15;
	s17 =	sadd.s32 $0x80, s17;
	v26 =	vld [tilespmem:s14+$0x820]  }
0x23d: {  	v27 =	vadd.bf16 v32, v31;
	v28 =	vadd.bf16 v34, v33;
	s6 =	sand.u32 $0x800, s15;
	s8 =	sand.u32 $0x380, s17;
	v29 =	vld [tilespmem:s14+$0x1020]  }
0x23e: {  	v30 =	vadd.bf16 v36, v35;
	s6 =	sor.u32 s8, s6;
	v31 =	vadd.bf16 v38, v37;
	v32 =	vld [tilespmem:s14+$0x1820]  }
0x23f: {  	v20 =	vadd.bf16 v22, v20;
	v33 =	vld [tilespmem:s6+$0xB000];
	v22 =	vadd.bf16 v39, v23  }
0x240: {  	v23 =	vadd.bf16 v28, v27;
	v27 =	vadd.bf16 v31, v30;
	v28 =	vld [tilespmem:s6+$0xB400]  }
0x241: {  	v14 =	vadd.bf16 v15, v14;
	v24 =	vadd.bf16 v25, v24;
	v15 =	vld [tilespmem:s14+$0x1030]  }
0x242: {  	v20 =	vadd.bf16 v22, v20;
	v23 =	vadd.bf16 v27, v23;
	v22 =	vld [tilespmem:s6+$0xB010]  }
0x243: {  	v18 =	vadd.bf16 v26, v18;
	v25 =	vadd.bf16 v32, v29;
	v26 =	vld [tilespmem:s14+$0x1830]  }
0x244: {  	v20 =	vadd.bf16 v20, v24;
	v27 =	vshll.u32 v23, $0x10;
	v23 =	vand.u32 $0xFFFF0000, v23;
	v24 =	vld [tilespmem:s6+$0xB410]  }
0x245: {  	v27 =	vsub.f32 v33, v27;
	v23 =	vsub.f32 v28, v23;
	v28 =	vld [tilespmem:s14+$0x1040]  }
0x246: {  	v14 =	vadd.bf16 v14, v21;
	v29 =	vshll.u32 v20, $0x10;
	v18 =	vadd.bf16 v25, v18;
	v21 =	vld [tilespmem:s6+$0xB020]  }
0x247: {  	v25 =	vmul.f32 v27, v27;
	v23 =	vmul.f32 v23, v23;
	v22 =	vsub.f32 v22, v29;
	v27 =	vld [tilespmem:s14+$0x1840]  }
0x248: {  	v20 =	vand.u32 $0xFFFF0000, v20;
	v14 =	vadd.bf16 v18, v14;
	v18 =	vld [tilespmem:s6+$0xB420];
	v15 =	vadd.bf16 v26, v15  }
0x249: {  	v23 =	vadd.f32 v23, v25;
	v20 =	vsub.f32 v24, v20;
	v22 =	vmul.f32 v22, v22;
	v24 =	vld [tilespmem:s14+$0x1050]  }
0x24a: {  	v16 =	vadd.bf16 v17, v16;
	v25 =	vshll.u32 v14, $0x10;
	v15 =	vadd.bf16 v15, v19;
	v17 =	vld [tilespmem:s6+$0xB030]  }
0x24b: {  	v19 =	vadd.f32 v22, v23;
	v20 =	vmul.f32 v20, v20;
	v21 =	vsub.f32 v21, v25;
	v22 =	vld [tilespmem:s14+$0x1850]  }
0x24c: {  	v14 =	vand.u32 $0xFFFF0000, v14;
	v15 =	vadd.bf16 v15, v16;
	v16 =	vld [tilespmem:s6+$0xB430];
	v23 =	vadd.bf16 v27, v28  }
0x24d: {  	v19 =	vadd.f32 v19, v20;
	v14 =	vsub.f32 v18, v14;
	v18 =	vmul.f32 v21, v21;
	v20 =	vld [tilespmem:s14+$0x1060]  }
0x24e: {  	v11 =	vadd.bf16 v12, v11;
	v21 =	vshll.u32 v15, $0x10;
	v12 =	vadd.bf16 v23, v13;
	v13 =	vld [tilespmem:s6+$0xB040]  }
0x24f: {  	v18 =	vadd.f32 v18, v19;
	v14 =	vmul.f32 v14, v14;
	v17 =	vsub.f32 v17, v21;
	v19 =	vld [tilespmem:s14+$0x1860]  }
0x250: {  	v15 =	vand.u32 $0xFFFF0000, v15;
	v11 =	vadd.bf16 v12, v11;
	v12 =	vld [tilespmem:s6+$0xB440];
	v21 =	vadd.bf16 v22, v24  }
0x251: {  	v14 =	vadd.f32 v18, v14;
	v15 =	vsub.f32 v16, v15;
	v16 =	vmul.f32 v17, v17;
	v17 =	vld [tilespmem:s14+$0x1070]  }
0x252: {  	v8 =	vadd.bf16 v9, v8;
	v18 =	vshll.u32 v11, $0x10;
	v9 =	vadd.bf16 v21, v10;
	v10 =	vld [tilespmem:s6+$0xB050]  }
0x253: {  	v14 =	vadd.f32 v16, v14;
	v15 =	vmul.f32 v15, v15;
	v13 =	vsub.f32 v13, v18;
	v16 =	vld [tilespmem:s14+$0x1870]  }
0x254: {  	v11 =	vand.u32 $0xFFFF0000, v11;
	s14 =	sadd.s32 $0x80, s14;
	v9 =	vadd.bf16 v9, v8;
	v18 =	vld [tilespmem:s6+$0xB450];
	v19 =	vadd.bf16 v19, v20  }
0x255: {  	v8 =	vld [tilespmem:s14+$0xFFFFE070];
	v14 =	vadd.f32 v14, v15;
	v11 =	vsub.f32 v12, v11;
	v12 =	vmul.f32 v13, v13  }
0x256: {  	v6 =	vadd.bf16 v6, v5;
	v13 =	vshll.u32 v9, $0x10;
	v7 =	vadd.bf16 v19, v7;
	v15 =	vld [tilespmem:s6+$0xB060]  }
0x257: {  	v5 =	vld [tilespmem:s14+$0xFFFFE870];
	v12 =	vadd.f32 v12, v14;
	v11 =	vmul.f32 v11, v11;
	v10 =	vsub.f32 v10, v13  }
0x258: {  	v9 =	vand.u32 $0xFFFF0000, v9;
	v6 =	vadd.bf16 v7, v6;
	v7 =	vld [tilespmem:s6+$0xB460];
	v13 =	vadd.bf16 v16, v17  }
0x259: {  	v34 =	vld [tilespmem:s14+$0xFFFFF070];
	v11 =	vadd.f32 v12, v11;
	v9 =	vsub.f32 v18, v9;
	v10 =	vmul.f32 v10, v10  }
0x25a: {  	v2 =	vadd.bf16 v3, v2;
	v12 =	vshll.u32 v6, $0x10;
	v3 =	vadd.bf16 v13, v4;
	v4 =	vld [tilespmem:s6+$0xB070]  }
0x25b: {  	v13 =	vld [tilespmem:s14+$0xFFFFF870];
	v10 =	vadd.f32 v10, v11;
	v9 =	vmul.f32 v9, v9;
	v11 =	vsub.f32 v15, v12  }
0x25c: {  	v6 =	vand.u32 $0xFFFF0000, v6;
	v2 =	vadd.bf16 v3, v2;
	v3 =	vld [tilespmem:s6+$0xB470]  }
0x25d: {  	v12 =	vld [tilespmem:s14+$0x70];
	v9 =	vadd.f32 v10, v9;
	v6 =	vsub.f32 v7, v6;
	v7 =	vmul.f32 v11, v11  }
0x25e: {  	v10 =	vld [tilespmem:s14+$0x870];
	v11 =	vshll.u32 v2, $0x10  }
0x25f: {  	v35 =	vld [tilespmem:s14+$0xFFFFE060];
	v7 =	vadd.f32 v7, v9;
	v6 =	vmul.f32 v6, v6;
	v4 =	vsub.f32 v4, v11  }
0x260: {  	v2 =	vand.u32 $0xFFFF0000, v2;
	v9 =	vld [tilespmem:s14+$0xFFFFE860]  }
0x261: {  	v11 =	vld [tilespmem:s14+$0xFFFFF060];
	v6 =	vadd.f32 v7, v6;
	v2 =	vsub.f32 v3, v2;
	v3 =	vmul.f32 v4, v4  }
0x262: {  	v7 =	vld [tilespmem:s14+$0xFFFFF860]  }
0x263: {  	v36 =	vld [tilespmem:s14+$0x60];
	v3 =	vadd.f32 v3, v6;
	v2 =	vmul.f32 v2, v2  }
0x264: {  	v37 =	vld [tilespmem:s14+$0x860]  }
0x265: {  	v38 =	vld [tilespmem:s14+$0xFFFFE050];
	v2 =	vadd.f32 v3, v2  }
0x266: {  	v39 =	vld [tilespmem:s14+$0xFFFFE850]  }
0x267: {  	v40 =	vld [tilespmem:s14+$0xFFFFF050];
	(xrf2) =	vadd.scan.msk.f32 $0xffff, v2  }
0x268: {  	v41 =	vld [tilespmem:s14+$0xFFFFF850]  }
0x269: {  	v42 =	vld [tilespmem:s14+$0x50]  }
0x26a: {  	v43 =	vld [tilespmem:s14+$0x850]  }
0x26b: {  	v44 =	vld [tilespmem:s14+$0xFFFFE040]  }
0x26c: {  	v45 =	vld [tilespmem:s14+$0xFFFFE840]  }
0x26d: {  	v46 =	vld [tilespmem:s14+$0xFFFFF040]  }
0x26e: {  	v47 =	vld [tilespmem:s14+$0xFFFFF840]  }
0x26f: {  	v48 =	vld [tilespmem:s14+$0x40]  }
0x270: {  	v49 =	vld [tilespmem:s14+$0x840]  }
0x271: {  	v16 =	vld [tilespmem:s14+$0xFFFFE030];
	v2, _, _ =	vpop (xrf2)  }
0x272: {  	v3 =	vmov s16;
	s16 =	smov.u32 s13;
	v17 =	vld [tilespmem:s14+$0xFFFFE830];
	v2 =	vbroadcast v2, $0xF  }
0x273: {  	vm0 =	veq.s32 v3, v0;
	v18 =	vld [tilespmem:s14+$0xFFFFF030]  }
0x274: {  	v21 =	vld [tilespmem:s14+$0xFFFFF830];
	v1 =	vsel vm0, v2, v1  }
0x275: {  	v19 =	vld [tilespmem:s14+$0x30]  }
0x276: {  	v24 =	vld [tilespmem:s14+$0x830]  }
0x277: {  	v25 =	vld [tilespmem:s14+$0xFFFFE020]  }
0x278: {  	v26 =	vld [tilespmem:s14+$0xFFFFE820]  }
0x279: {  	v14 =	vld [tilespmem:s14+$0xFFFFF020]  }
0x27a: {  	v15 =	vld [tilespmem:s14+$0xFFFFF820]  }
0x27b: {  	v27 =	vld [tilespmem:s14+$0xFFFFE010]  }
0x27c: {  	v28 =	vld [tilespmem:s14+$0xFFFFE810]  }
0x27d: {  	v29 =	vld [tilespmem:s14+$0xFFFFF010]  }
0x27e: {  	v30 =	vld [tilespmem:s14+$0xFFFFF810]  }
0x27f: {  	v20 =	vld [tilespmem:s14+$0x10]  }
0x280: {  	v22 =	vld [tilespmem:s14+$0x810]  }
0x281: {  	v23 =	vld [tilespmem:s14+$0x1010]  }
0x282: {  	v31 =	vld [tilespmem:s14+$0xFFFFE000]  }
0x283: {  	v32 =	vld [tilespmem:s14+$0xFFFFE800]  }
0x284: {  	v3 =	vadd.bf16 v13, v34;
	v2 =	vadd.bf16 v5, v8;
	v33 =	vld [tilespmem:s14+$0xFFFFF000]  }
.Ltmp3:
0x285: {  	v4 =	vadd.bf16 v10, v12;
	v5 =	vadd.bf16 v9, v35;
	v34 =	vld [tilespmem:s14+$0xFFFFF800];
	(pc) =	sbr.rel @p1 .LBB2_5-.Ltmp3, $4  }
0x286: {  	v6 =	vadd.bf16 v7, v11;
	v7 =	vadd.bf16 v37, v36;
	v35 =	vld [tilespmem:s14+$0x0]  }
0x287: {  	v8 =	vadd.bf16 v39, v38;
	v9 =	vadd.bf16 v41, v40;
	v36 =	vld [tilespmem:s14+$0x800]  }
0x288: {  	v10 =	vadd.bf16 v43, v42;
	v11 =	vadd.bf16 v45, v44;
	v37 =	vld [tilespmem:s14+$0x1000]  }
0x289: {  	s13 =	sadd.s32 $0x1, s13;
	v12 =	vadd.bf16 v47, v46;
	v13 =	vadd.bf16 v49, v48;
	v38 =	vld [tilespmem:s14+$0x1800]  }
0x28a: {  	v39 =	vld [tilespmem:s14+$0x1810];
	v16 =	vadd.bf16 v17, v16;
	v17 =	vadd.bf16 v21, v18  }
0x28b: {  	v62 =	vld [tilespmem:s14+$0x20];
	v63 =	vadd.bf16 v26, v25;
	v19 =	vadd.bf16 v24, v19  }
0x28c: {  	v40 =	vadd.bf16 v28, v27;
	v41 =	vadd.bf16 v30, v29;
	v42 =	vld [tilespmem:s14+$0x820];
	s6 =	sadd.s32 $0x100, s15;
	s8 =	sadd.s32 $0x80, s17  }
0x28d: {  	v43 =	vadd.bf16 v32, v31;
	v44 =	vadd.bf16 v34, v33;
	v45 =	vld [tilespmem:s14+$0x1020];
	s6 =	sand.u32 $0x800, s6;
	s8 =	sand.u32 $0x380, s8  }
0x28e: {  	v48 =	vld [tilespmem:s14+$0x1820];
	v46 =	vadd.bf16 v36, v35;
	s6 =	sor.u32 s8, s6;
	v47 =	vadd.bf16 v38, v37  }
0x28f: {  	v20 =	vadd.bf16 v22, v20;
	v51 =	vadd.bf16 v44, v43;
	v49 =	vld [tilespmem:s6+$0xB000]  }
0x290: {  	v53 =	vld [tilespmem:s6+$0xB400];
	v50 =	vadd.bf16 v39, v23;
	v52 =	vadd.bf16 v47, v46  }
0x291: {  	v14 =	vadd.bf16 v15, v14;
	v54 =	vld [tilespmem:s14+$0x1030];
	v24 =	vadd.bf16 v41, v40  }
0x292: {  	v55 =	vld [tilespmem:s6+$0xB010];
	v20 =	vadd.bf16 v50, v20;
	v23 =	vadd.bf16 v52, v51  }
0x293: {  	v57 =	vld [tilespmem:s14+$0x1830];
	v18 =	vadd.bf16 v42, v62;
	v56 =	vadd.bf16 v48, v45  }
0x294: {  	v58 =	vld [tilespmem:s6+$0xB410];
	v20 =	vadd.bf16 v20, v24;
	v27 =	vshll.u32 v23, $0x10;
	v23 =	vand.u32 $0xFFFF0000, v23  }
0x295: {  	v59 =	vld [tilespmem:s14+$0x1040];
	v27 =	vsub.f32 v49, v27;
	v23 =	vsub.f32 v53, v23  }
0x296: {  	v14 =	vadd.bf16 v14, v63;
	v61 =	vld [tilespmem:s6+$0xB020];
	v18 =	vadd.bf16 v56, v18;
	v60 =	vshll.u32 v20, $0x10  }
0x297: {  	v63 =	vld [tilespmem:s14+$0x1840];
	v22 =	vsub.f32 v55, v60;
	v62 =	vmul.f32 v27, v27;
	v23 =	vmul.f32 v23, v23  }
0x298: {  	v29 =	vld [tilespmem:s6+$0xB420];
	v15 =	vadd.bf16 v57, v54;
	v14 =	vadd.bf16 v18, v14;
	v20 =	vand.u32 $0xFFFF0000, v20  }
0x299: {  	v30 =	vld [tilespmem:s14+$0x1050];
	v20 =	vsub.f32 v58, v20;
	v22 =	vmul.f32 v22, v22;
	v23 =	vadd.f32 v23, v62  }
0x29a: {  	v16 =	vadd.bf16 v17, v16;
	v32 =	vld [tilespmem:s6+$0xB030];
	v15 =	vadd.bf16 v15, v19;
	v31 =	vshll.u32 v14, $0x10  }
0x29b: {  	v34 =	vld [tilespmem:s14+$0x1850];
	v21 =	vsub.f32 v61, v31;
	v20 =	vmul.f32 v20, v20;
	v33 =	vadd.f32 v22, v23  }
0x29c: {  	v35 =	vld [tilespmem:s6+$0xB430];
	v36 =	vadd.bf16 v63, v59;
	v15 =	vadd.bf16 v15, v16;
	v14 =	vand.u32 $0xFFFF0000, v14  }
0x29d: {  	v41 =	vld [tilespmem:s6+$0xB040];
	v14 =	vsub.f32 v29, v14;
	v37 =	vmul.f32 v21, v21;
	v19 =	vadd.f32 v33, v20  }
0x29e: {  	v11 =	vadd.bf16 v12, v11;
	v38 =	vld [tilespmem:s14+$0x1060];
	v40 =	vadd.bf16 v36, v13;
	v39 =	vshll.u32 v15, $0x10  }
0x29f: {  	v42 =	vld [tilespmem:s14+$0x1860];
	v17 =	vsub.f32 v32, v39;
	v14 =	vmul.f32 v14, v14;
	v18 =	vadd.f32 v37, v19  }
0x2a0: {  	v43 =	vld [tilespmem:s6+$0xB440];
	v44 =	vadd.bf16 v34, v30;
	v15 =	vand.u32 $0xFFFF0000, v15;
	v11 =	vadd.bf16 v40, v11  }
0x2a1: {  	v46 =	vld [tilespmem:s14+$0x1070];
	v15 =	vsub.f32 v35, v15;
	v45 =	vmul.f32 v17, v17;
	v14 =	vadd.f32 v18, v14  }
0x2a2: {  	v8 =	vadd.bf16 v9, v8;
	v48 =	vadd.bf16 v44, v10;
	v49 =	vld [tilespmem:s6+$0xB050];
	v47 =	vshll.u32 v11, $0x10  }
0x2a3: {  	v50 =	vld [tilespmem:s14+$0x1870];
	v15 =	vmul.f32 v15, v15;
	v13 =	vsub.f32 v41, v47;
	v14 =	vadd.f32 v45, v14  }
0x2a4: {  	v51 =	vld [tilespmem:s6+$0xB450];
	v8 =	vadd.bf16 v48, v8;
	v52 =	vadd.bf16 v42, v38;
	v11 =	vand.u32 $0xFFFF0000, v11  }
0x2a5: {  	v11 =	vsub.f32 v43, v11;
	v53 =	vmul.f32 v13, v13;
	v14 =	vadd.f32 v14, v15  }
0x2a6: {  	v5 =	vadd.bf16 v6, v5;
	v56 =	vld [tilespmem:s6+$0xB060];
	v54 =	vshll.u32 v8, $0x10;
	v55 =	vadd.bf16 v52, v7  }
0x2a7: {  	v11 =	vmul.f32 v11, v11;
	v10 =	vsub.f32 v49, v54;
	v12 =	vadd.f32 v53, v14  }
0x2a8: {  	v57 =	vld [tilespmem:s6+$0xB460];
	v8 =	vand.u32 $0xFFFF0000, v8;
	v58 =	vadd.bf16 v50, v46;
	v5 =	vadd.bf16 v55, v5  }
0x2a9: {  	v8 =	vsub.f32 v51, v8;
	v59 =	vmul.f32 v10, v10;
	v11 =	vadd.f32 v12, v11  }
0x2aa: {  	v2 =	vadd.bf16 v3, v2;
	v61 =	vld [tilespmem:s6+$0xB070];
	v3 =	vadd.bf16 v58, v4;
	v60 =	vshll.u32 v5, $0x10  }
0x2ab: {  	v8 =	vmul.f32 v8, v8;
	v7 =	vsub.f32 v56, v60;
	v9 =	vadd.f32 v59, v11  }
0x2ac: {  	v5 =	vand.u32 $0xFFFF0000, v5;
	v2 =	vadd.bf16 v3, v2;
	v3 =	vld [tilespmem:s6+$0xB470]  }
0x2ad: {  	v5 =	vsub.f32 v57, v5;
	v62 =	vmul.f32 v7, v7;
	v8 =	vadd.f32 v9, v8  }
0x2ae: {  	v63 =	vshll.u32 v2, $0x10  }
0x2af: {  	v5 =	vmul.f32 v5, v5;
	v4 =	vsub.f32 v61, v63;
	v6 =	vadd.f32 v62, v8  }
0x2b0: {  	v2 =	vand.u32 $0xFFFF0000, v2  }
0x2b1: {  	v2 =	vsub.f32 v3, v2;
	v3 =	vmul.f32 v4, v4;
	v5 =	vadd.f32 v6, v5;
	_ =	sdelay $0x1  }
0x2b2: {  	v2 =	vmul.f32 v2, v2;
	v3 =	vadd.f32 v3, v5;
	_ =	sdelay $0x1  }
0x2b3: {  	v2 =	vadd.f32 v3, v2;
	_ =	sdelay $0x1  }
0x2b4: {  	(xrf2) =	vadd.scan.msk.f32 $0xffff, v2;
	_ =	sdelay $0x9  }
.Ltmp4:
0x2b5: {  	v2, _, _ =	vpop (xrf2);
	(pc) =	sbr.rel @p0 .LBB2_8-.Ltmp4, $4  }
0x2b6: {  	v3 =	vmov s16;
	v2 =	vbroadcast v2, $0xF  }
0x2b7: {  	vm0 =	veq.s32 v3, v0  }
0x2b8: {  	v1 =	vsel vm0, v2, v1  }
0x2b9: {  	[tilespmem:s12+$0xC010] =	vst v1  }
0x2ba: {  	s6 =	sadd.s32 $0x30, s11  }
0x2bb: {  	[tilespmem:s2], [sflag:$0x2] =	stream.indirect.gather [hbm4b:s5+s28], $0x80, s6, s28, $0xb8;
	[tilespmem:$0xC400] =	vst v63  }
0x2bc: {  	s8 =	sadd.s32 $0x430, s11  }
0x2bd: {  	[tilespmem:s30], [sflag:$0x2] =	stream.indirect.gather [hbm4b:s5+s28], $0x80, s8, s28, $0xb8;
	[tilespmem:$0xC400] =	vst v63  }
0x2be: {  	s12 =	sadd.s32 $0x830, s11  }
0x2bf: {  	[tilespmem:s0], [sflag:$0x2] =	stream.indirect.gather [hbm4b:s5+s28], $0x80, s12, s28, $0xb8;
	[tilespmem:$0xC400] =	vst v63  }
0x2c0: {  	s13 =	sadd.s32 $0xC30, s11  }
0x2c1: {  	[tilespmem:s31], [sflag:$0x2] =	stream.indirect.gather [hbm4b:s5+s28], $0x80, s13, s28, $0xb8;
	[tilespmem:$0xC400] =	vst v63  }
0x2c2: {  	s14 =	sadd.s32 $0x1030, s11  }
0x2c3: {  	[tilespmem:s29], [sflag:$0x2] =	stream.indirect.gather [hbm4b:s5+s28], $0x80, s14, s28, $0xb8;
	[tilespmem:$0xC400] =	vst v63  }
0x2c4: {  	s15 =	sadd.s32 $0x1430, s11  }
0x2c5: {  	[tilespmem:s20], [sflag:$0x2] =	stream.indirect.gather [hbm4b:s5+s28], $0x80, s15, s28, $0xb8;
	[tilespmem:$0xC400] =	vst v63  }
0x2c6: {  	s16 =	sadd.s32 $0x1830, s11  }
0x2c7: {  	[tilespmem:s21], [sflag:$0x2] =	stream.indirect.gather [hbm4b:s5+s28], $0x80, s16, s28, $0xb8;
	[tilespmem:$0xC400] =	vst v63  }
.Ltmp5:
0x2c8: {  	s6 =	sadd.s32 s4, s6;
	(pc) =	sbr.rel .LBB2_2-.Ltmp5, $4  }
0x2c9: {  	s17 =	sadd.s32 $0x1C30, s11;
	s6 =	sshll.u32 s6, $0x5  }
0x2ca: {  	[tilespmem:s22], [sflag:$0x2] =	stream.indirect.gather [hbm4b:s5+s28], $0x80, s17, s28, $0xb8;
	[tilespmem:$0xC400] =	vst v63  }
0x2cb: {  	s10 =	sadd.s32 $0x1, s10;
	s6 =	sadd.s32 s1, s6  }
0x2cc: {  	[tilespmem:s23], [sflag:$0x4] =	stream.linear.gather [hbm4b:s6+s3], $0x1000, $0x38;
	[tilespmem:$0xC400] =	vst v63  }
.LBB2_9:
0x2cd: {  	_ =	sfence.sel $0x180000  }
0x2ce: {  	[bflag:$0x0] =	sbarrier.arrive $0xFFFF  }
0x2cf: {  	_ =	strace $0x90000047  }
0x2d0: {  	s0 =	stileid.u32;
	[bflag:$0x2] =	sbarrier.arrive $0xFFFF  }
0x2d1: {  	p0 =	sne.s32 s0, $0x0;
	s0 =	rddreg [dreg:$0x4]  }
0x2d2: {  	s0 =	sadd.s32 @!p0 $0x100000, s0  }
0x2d3: {  	[sflag:s0] =	ssyncadd.tile.s32 @!p0 $0x1;
	_ =	shalt  }
.Lfunc_end2:
_tile_overlayer_lowered:
.L_overlay_start_2:
0x2d4: {  	(tag) =	ssettag $0x2  }
0x2d5: {  	s0 =	rddreg [dreg:$0x0];
	s2 =	stileid.u32  }
0x2d6: {  	s1 =	rddreg [dreg:$0x1];
	p0 =	sne.s32 s2, $0x0  }
0x2d7: {  	s3 =	rddreg [dreg:$0x2];
	[bflag:$0x3] =	sbarrier.arrive $0xFFFF;
	s2 =	simm.s32 @!p0 $0x1C05  }
0x2d8: {  	[timem:s3], [sflag:s2] =	dma.local @!p0 [hbm:s0], s1  }
0x2d9: {  	s0 =	simm.s32 @!p0 $0x5  }
0x2da: {  	_ =	swait.ge @!p0 [sflag:s0], s1  }
0x2db: {  	s1 =	ssub.s32 @!p0 $0x0, s1;
	[sflag:s0] =	ssyncset.done @!p0 $0x0  }
0x2dc: {  	[sflag:s0] =	ssyncadd.s32 @!p0 s1  }
0x2dd: {  	[bflag:$0x3] =	sbarrier.arrive $0xFFFF  }
0x2de: {  	_ =	shalt  }

</sc_bundles>
